<compile_context>
chip_gen: v7x
topology: tpu7x:2x2x1
jax: 0.10.2.dev20260603
libtpu: 0.0.44.dev20260713+nightly
codegen_flags: <defaults>
</compile_context>

<pallas_src>
import functools

import jax
import jax.numpy as jnp
from jax import lax
from jax.experimental import pallas as pl
from jax.experimental.pallas import tpu as pltpu
from jax.experimental.pallas import tpu_sc as plsc

_FEAT = 128
_PIDS = 100000
_CQ = 5000
_SCALAR = 30.0
_B = 128

_TILE = 5000
_T_LUT = _PIDS // _TILE
_NS = 4
_SPAN = _T_LUT // _NS
_GRID = _SPAN + 1
_IGNORE = 5554
_LN2 = 0.6931471805599453

_NW = 8
_RPW = _B // _NW



def _lane_shuffle(v, perm):
    return lax.gather(
        v, perm[:, None],
        lax.GatherDimensionNumbers(
            offset_dims=(), collapsed_slice_dims=(0,), start_index_map=(0,)),
        (1,), mode=lax.GatherScatterMode.PROMISE_IN_BOUNDS)


@functools.partial(
    pl.kernel,
    out_type=jax.ShapeDtypeStruct((_B,), jnp.float32),
    mesh=plsc.VectorSubcoreMesh(core_axis_name="c", subcore_axis_name="s"),
    scratch_types=[
        pltpu.VMEM((_RPW,), jnp.int32),
        pltpu.VMEM((_RPW, _FEAT), jnp.float32),
        pltpu.VMEM((_RPW, _FEAT), jnp.float32),
        pltpu.VMEM((_RPW,), jnp.float32),
        pltpu.VMEM((_RPW,), jnp.float32),
        pltpu.SemaphoreType.DMA,
    ],
)
def _sc_label_scores(x_hbm, lbl_hbm, c_hbm, lut_hbm, out_hbm,
                     idx_v, rows_v, x_v, c_v, t_v, sem):
    wid = lax.axis_index("s") * 2 + lax.axis_index("c")

    @pl.when(wid < _NW)
    def _():
        base = wid * _RPW
        pltpu.sync_copy(lbl_hbm.at[pl.ds(base, _RPW)], idx_v)
        pltpu.sync_copy(x_hbm.at[pl.ds(base, _RPW), :], x_v)
        pltpu.async_copy(lut_hbm.at[idx_v], rows_v, sem).wait()
        pltpu.async_copy(c_hbm.at[idx_v], c_v, sem).wait()
        lane = lax.iota(jnp.int32, 16)
        t = jnp.zeros((16,), jnp.float32)
        for r in range(_RPW):
            acc = jnp.zeros((16,), jnp.float32)
            for k in range(_FEAT // 16):
                acc = acc + (x_v[r, pl.ds(k * 16, 16)]
                             * rows_v[r, pl.ds(k * 16, 16)])
            for sh in (8, 4, 2, 1):
                acc = acc + _lane_shuffle(acc, lane ^ sh)
            t = jnp.where(lane == r, acc, t)
        t_v[...] = t * c_v[...]
        pltpu.sync_copy(t_v, out_hbm.at[pl.ds(base, _RPW)])



def _oim_body(m2_ref, x_ref, lbl_ref, c0_ref, c1_ref, c2_ref, c3_ref,
              w0_ref, w1_ref, w2_ref, w3_ref, cq_ref, out_ref, s_s):
    i = pl.program_id(0)

    @pl.when(i == 0)
    def _init():
        s_s[...] = jnp.zeros((_B, 1), jnp.float32)

    x = x_ref[...]
    m2 = m2_ref[0]

    def _accumulate(w, c):
        s2 = jax.lax.dot_general(
            x, w.astype(jnp.bfloat16), (((1,), (1,)), ((), ())),
            preferred_element_type=jnp.float32)
        s2 = s2 * c[None, :]
        p = jnp.exp2(s2 - m2)
        s_s[...] += jnp.sum(p, axis=1, keepdims=True)

    @pl.when(i < _SPAN)
    def _lut_phase():
        _accumulate(w0_ref[...], c0_ref[0, 0, :])
        _accumulate(w1_ref[...], c1_ref[0, 0, :])
        _accumulate(w2_ref[...], c2_ref[0, 0, :])
        _accumulate(w3_ref[...], c3_ref[0, 0, :])

    @pl.when(i == _SPAN)
    def _cq_phase():
        _accumulate(cq_ref[...], c0_ref[0, 0, :])

    @pl.when(i == _GRID - 1)
    def _finish():
        lse = m2 * _LN2 + jnp.log(s_s[...])
        valid = (lbl_ref[...] != _IGNORE).astype(jnp.float32)
        denom = jnp.maximum(jnp.sum(valid), 1.0)
        a = jnp.sum(lse * valid)
        out_ref[...] = jnp.concatenate(
            [a.reshape(1, 1), denom.reshape(1, 1)], axis=1)


def _c_spec(k):
    return pl.BlockSpec(
        (1, 1, _TILE),
        lambda i, k=k: (jnp.where(i < _SPAN, i + k * _SPAN, _T_LUT), 0, 0))


def _w_spec(k):
    return pl.BlockSpec(
        (_TILE, _FEAT),
        lambda i, k=k: (jnp.minimum(i, _SPAN - 1) + k * _SPAN, 0))


def kernel(inputs, roi_label, roi_ious, lut, cq, reliability):
    del roi_ious
    lbl1 = roi_label.reshape(_B).astype(jnp.int32) - 1
    lbl = lbl1.reshape(_B, 1)
    c = reliability * (_SCALAR * 1.4426950408889634)
    m2 = jnp.max(jnp.abs(c)).reshape(1)
    c3 = c.reshape(_T_LUT + 1, 1, _TILE)
    t2 = _sc_label_scores(inputs, lbl1, c, lut)
    xb = inputs.astype(jnp.bfloat16)
    out = pl.pallas_call(
        _oim_body,
        grid=(_GRID,),
        in_specs=[
            pl.BlockSpec(memory_space=pltpu.SMEM),
            pl.BlockSpec((_B, _FEAT), lambda i: (0, 0)),
            pl.BlockSpec((_B, 1), lambda i: (0, 0)),
            _c_spec(0), _c_spec(1), _c_spec(2), _c_spec(3),
            _w_spec(0), _w_spec(1), _w_spec(2), _w_spec(3),
            pl.BlockSpec((_CQ, _FEAT), lambda i: (0, 0)),
        ],
        out_specs=pl.BlockSpec((1, 2), lambda i: (0, 0)),
        out_shape=jax.ShapeDtypeStruct((1, 2), jnp.float32),
        scratch_shapes=[
            pltpu.VMEM((_B, 1), jnp.float32),
        ],
    )(m2, xb, lbl, c3, c3, c3, c3, lut, lut, lut, lut, cq)
    valid = (lbl1 != _IGNORE).astype(jnp.float32)
    return (out[0, 0] - jnp.sum(t2 * valid) * _LN2) / out[0, 1]

# --- scband reference (transcript-rebuilt; emitter-appended) ---
"""Pipeline reference for scband-oimloss-13116830122679 (READ-ONLY COPY).

The authoritative reference and input builder live on the scoring server;
editing this copy changes nothing except your own understanding.
"""

import jax, jax.numpy as jnp
import numpy as np

NUM_FEATURES = 128
NUM_PIDS = 100000
NUM_CQ = 5000
OIM_SCALAR = 30.0
BATCH = 128


def setup_inputs(seed: int = 0) -> dict:
    key = jax.random.key(seed)
    k1, k2, k3, k4, k5 = jax.random.split(key, 5)
    inputs = jax.random.normal(k1, (BATCH, NUM_FEATURES), dtype=jnp.float32)
    inputs = inputs / jnp.linalg.norm(inputs, axis=1, keepdims=True)
    # roi_label passed as a 2D tensor so torch.cat(roi_label) concatenates rows.
    # Values in [1, NUM_PIDS] so label = targets - 1 is always a valid labeled id.
    roi_label = jax.random.randint(k2, (1, BATCH), 1, NUM_PIDS + 1)
    roi_ious = jax.random.uniform(k3, (1, BATCH), dtype=jnp.float32)
    # Learned buffers (lookup table + circular queue), L2-normalized rows
    lut = jax.random.normal(k4, (NUM_PIDS, NUM_FEATURES), dtype=jnp.float32)
    lut = lut / jnp.linalg.norm(lut, axis=1, keepdims=True)
    cq = jax.random.normal(k5, (NUM_CQ, NUM_FEATURES), dtype=jnp.float32)
    cq = cq / jnp.linalg.norm(cq, axis=1, keepdims=True)
    reliability = 0.5 * jnp.ones((NUM_PIDS + NUM_CQ,), dtype=jnp.float32)
    return {"inputs": inputs, "roi_label": roi_label, "roi_ious": roi_ious,
            "lut": lut, "cq": cq, "reliability": reliability}


def reference(inputs, roi_label, roi_ious, lut, cq, reliability):
    targets = roi_label.reshape(-1)
    ious = roi_ious.reshape(-1)
    label = targets - 1
    # All labels generated >= 0, so the inds mask in the torch code is all-True.
    outputs_labeled = inputs @ lut.T
    outputs_unlabeled = inputs @ cq.T
    projected = jnp.concatenate([outputs_labeled, outputs_unlabeled], axis=1)
    projected = projected * reliability[None, :]
    projected = projected * OIM_SCALAR
    # cross_entropy with ignore_index=5554 (mean over non-ignored)
    logp = jax.nn.log_softmax(projected, axis=1)
    nll = -jnp.take_along_axis(logp, label[:, None], axis=1)[:, 0]
    valid = (label != 5554).astype(jnp.float32)
    loss = jnp.sum(nll * valid) / jnp.maximum(jnp.sum(valid), 1.0)
    return loss

if __name__ == "__main__":
    import jax
    _d = setup_inputs()
    print(jax.jit(kernel)(*tuple(_d.values())))

</pallas_src>

<mosaic_0001>
#map = affine_map<(d0, d1) -> (0, 0)>
#map1 = affine_map<(d0, d1) -> (0)>
module attributes {stable_mosaic.version = 14 : i64} {
  func.func @_sc_label_scores(%arg0: i32, %arg1: i32, %arg2: memref<128x128xf32, #tpu.memory_space<hbm>>, %arg3: memref<128xi32, #tpu.memory_space<hbm>>, %arg4: memref<105000xf32, #tpu.memory_space<hbm>>, %arg5: memref<100000x128xf32, #tpu.memory_space<hbm>>, %arg6: memref<128xf32, #tpu.memory_space<hbm>>, %arg7: memref<16xi32, #tpu.memory_space<vmem>>, %arg8: memref<16x128xf32, #tpu.memory_space<vmem>>, %arg9: memref<16x128xf32, #tpu.memory_space<vmem>>, %arg10: memref<16xf32, #tpu.memory_space<vmem>>, %arg11: memref<16xf32, #tpu.memory_space<vmem>>, %arg12: memref<!tpu.dma_semaphore, #tpu.memory_space<semaphore_mem>>) attributes {dimension_semantics = [#tpu.dimension_semantics<core_parallel>, #tpu.dimension_semantics<subcore_parallel>], iteration_bounds = array<i64: 2, 16>, scalar_prefetch = 0 : i64, scratch_operands = 6 : i64, tpu.core_type = #tpu.core_type<sc_vector_subcore>, window_params = [{transform_indices = #map}, {transform_indices = #map1}, {transform_indices = #map1}, {transform_indices = #map}, {transform_indices = #map1}]} {
    %mul3A = arith.constant 2 : i32
    %mul3A_0 = arith.muli %arg1, %mul3A : i32
    %add3A = arith.addi %mul3A_0, %arg0 : i32
    %lt3A = arith.constant 8 : i32
    %lt3A_1 = arith.cmpi slt, %add3A, %lt3A : i32
    %convert_element_type3A = arith.extui %lt3A_1 : i1 to i32
    %cond3A = arith.constant 0 : i32
    %cond3A_2 = arith.cmpi ne, %convert_element_type3A, %cond3A : i32
    scf.if %cond3A_2 {
      %mul3A_3 = arith.constant 16 : i32
      %mul3A_4 = arith.muli %add3A, %mul3A_3 : i32
      "tpu.region"() ({
        %run_scoped3A = tpu.sem_alloc : memref<!tpu.dma_semaphore, #tpu.memory_space<semaphore_mem>>
        %dma_start3A_2096 = tpu.memref_slice %arg3[%mul3A_4] : memref<128xi32, #tpu.memory_space<hbm>> -> memref<16xi32, #tpu.memory_space<hbm>>
        %dma_start3A_2097 = tpu.memref_slice %arg3[%mul3A_4] : memref<128xi32, #tpu.memory_space<hbm>> -> memref<16xi32, #tpu.memory_space<hbm>>
        tpu.enqueue_dma source(%dma_start3A_2097 : memref<16xi32, #tpu.memory_space<hbm>>) target(%arg7 : memref<16xi32, #tpu.memory_space<vmem>>) target_semaphore(%run_scoped3A : memref<!tpu.dma_semaphore, #tpu.memory_space<semaphore_mem>>)
        %dma_wait3A_2098 = tpu.memref_slice %arg3[%mul3A_4] : memref<128xi32, #tpu.memory_space<hbm>> -> memref<16xi32, #tpu.memory_space<hbm>>
        %dma_wait3A_2099 = tpu.memref_slice %arg3[%mul3A_4] : memref<128xi32, #tpu.memory_space<hbm>> -> memref<16xi32, #tpu.memory_space<hbm>>
        tpu.wait_dma2 semaphore(%run_scoped3A : memref<!tpu.dma_semaphore, #tpu.memory_space<semaphore_mem>>) src(%dma_wait3A_2099 : memref<16xi32, #tpu.memory_space<hbm>>) dst(%arg7 : memref<16xi32, #tpu.memory_space<vmem>>)
        tpu.yield
      }) : () -> ()
      "tpu.region"() ({
        %run_scoped3A = tpu.sem_alloc : memref<!tpu.dma_semaphore, #tpu.memory_space<semaphore_mem>>
        %dma_start3A_2096 = arith.constant 0 : i32
        %dma_start3A_2097 = tpu.memref_slice %arg2[%mul3A_4, %dma_start3A_2096] : memref<128x128xf32, #tpu.memory_space<hbm>> -> memref<16x128xf32, #tpu.memory_space<hbm>>
        %dma_start3A_2098 = arith.constant 0 : i32
        %dma_start3A_2099 = tpu.memref_slice %arg2[%mul3A_4, %dma_start3A_2098] : memref<128x128xf32, #tpu.memory_space<hbm>> -> memref<16x128xf32, #tpu.memory_space<hbm>>
        tpu.enqueue_dma source(%dma_start3A_2099 : memref<16x128xf32, #tpu.memory_space<hbm>>) target(%arg9 : memref<16x128xf32, #tpu.memory_space<vmem>>) target_semaphore(%run_scoped3A : memref<!tpu.dma_semaphore, #tpu.memory_space<semaphore_mem>>)
        %dma_wait3A_2100 = arith.constant 0 : i32
        %dma_wait3A_2101 = tpu.memref_slice %arg2[%mul3A_4, %dma_wait3A_2100] : memref<128x128xf32, #tpu.memory_space<hbm>> -> memref<16x128xf32, #tpu.memory_space<hbm>>
        %dma_wait3A_2102 = arith.constant 0 : i32
        %dma_wait3A_2103 = tpu.memref_slice %arg2[%mul3A_4, %dma_wait3A_2102] : memref<128x128xf32, #tpu.memory_space<hbm>> -> memref<16x128xf32, #tpu.memory_space<hbm>>
        tpu.wait_dma2 semaphore(%run_scoped3A : memref<!tpu.dma_semaphore, #tpu.memory_space<semaphore_mem>>) src(%dma_wait3A_2103 : memref<16x128xf32, #tpu.memory_space<hbm>>) dst(%arg9 : memref<16x128xf32, #tpu.memory_space<vmem>>)
        tpu.yield
      }) : () -> ()
      %dma_start3A = arith.constant 0 : i32
      %dma_start3A_5 = arith.constant 0 : i32
      %dma_start3A_6 = tpu.memref_slice %arg5[%dma_start3A, %dma_start3A_5] : memref<100000x128xf32, #tpu.memory_space<hbm>> -> memref<100000x128xf32, #tpu.memory_space<hbm>>
      tpu.enqueue_indirect_dma source(%dma_start3A_6 : memref<100000x128xf32, #tpu.memory_space<hbm>>) target(%arg8 : memref<16x128xf32, #tpu.memory_space<vmem>>) offsets(%arg7 : memref<16xi32, #tpu.memory_space<vmem>>) semaphore(%arg12 : memref<!tpu.dma_semaphore, #tpu.memory_space<semaphore_mem>>)
      %dma_wait3A = arith.constant 0 : i32
      %dma_wait3A_7 = arith.constant 0 : i32
      %dma_wait3A_8 = tpu.memref_slice %arg5[%dma_wait3A, %dma_wait3A_7] : memref<100000x128xf32, #tpu.memory_space<hbm>> -> memref<100000x128xf32, #tpu.memory_space<hbm>>
      tpu.wait_indirect_dma semaphore(%arg12 : memref<!tpu.dma_semaphore, #tpu.memory_space<semaphore_mem>>) src(%dma_wait3A_8 : memref<100000x128xf32, #tpu.memory_space<hbm>>) dst(%arg8 : memref<16x128xf32, #tpu.memory_space<vmem>>)
      %dma_start3A_9 = arith.constant 0 : i32
      %dma_start3A_10 = tpu.memref_slice %arg4[%dma_start3A_9] : memref<105000xf32, #tpu.memory_space<hbm>> -> memref<105000xf32, #tpu.memory_space<hbm>>
      tpu.enqueue_indirect_dma source(%dma_start3A_10 : memref<105000xf32, #tpu.memory_space<hbm>>) target(%arg10 : memref<16xf32, #tpu.memory_space<vmem>>) offsets(%arg7 : memref<16xi32, #tpu.memory_space<vmem>>) semaphore(%arg12 : memref<!tpu.dma_semaphore, #tpu.memory_space<semaphore_mem>>)
      %dma_wait3A_11 = arith.constant 0 : i32
      %dma_wait3A_12 = tpu.memref_slice %arg4[%dma_wait3A_11] : memref<105000xf32, #tpu.memory_space<hbm>> -> memref<105000xf32, #tpu.memory_space<hbm>>
      tpu.wait_indirect_dma semaphore(%arg12 : memref<!tpu.dma_semaphore, #tpu.memory_space<semaphore_mem>>) src(%dma_wait3A_12 : memref<105000xf32, #tpu.memory_space<hbm>>) dst(%arg10 : memref<16xf32, #tpu.memory_space<vmem>>)
      %iota3A = tpu.iota {dimensions = array<i32: 0>} : vector<16xi32>
      %broadcast_in_dim3A = arith.constant 0.000000e+00 : f32
      %broadcast_in_dim3A_13 = vector.broadcast %broadcast_in_dim3A : f32 to vector<16xf32>
      %broadcast_in_dim3A_14 = arith.constant 0.000000e+00 : f32
      %broadcast_in_dim3A_15 = vector.broadcast %broadcast_in_dim3A_14 : f32 to vector<16xf32>
      %get3A = arith.constant 0 : i32
      %get3A_16 = arith.index_cast %get3A : i32 to index
      %get3A_17 = arith.constant 0 : index
      %get3A_18 = tpu.vector_load %arg9[%get3A_16, %get3A_17] {strides = array<i32>} : memref<16x128xf32, #tpu.memory_space<vmem>>, vector<1x16xf32>,
      %get3A_19 = vector.shape_cast %get3A_18 : vector<1x16xf32> to vector<16xf32>
      %get3A_20 = arith.constant 0 : i32
      %get3A_21 = arith.index_cast %get3A_20 : i32 to index
      %get3A_22 = arith.constant 0 : index
      %get3A_23 = tpu.vector_load %arg8[%get3A_21, %get3A_22] {strides = array<i32>} : memref<16x128xf32, #tpu.memory_space<vmem>>, vector<1x16xf32>,
      %get3A_24 = vector.shape_cast %get3A_23 : vector<1x16xf32> to vector<16xf32>
      %mul3A_25 = arith.mulf %get3A_19, %get3A_24 : vector<16xf32>
      %add3A_26 = arith.addf %broadcast_in_dim3A_15, %mul3A_25 : vector<16xf32>
      %get3A_27 = arith.constant 0 : i32
      %get3A_28 = arith.index_cast %get3A_27 : i32 to index
      %get3A_29 = arith.constant 16 : index
      %get3A_30 = tpu.vector_load %arg9[%get3A_28, %get3A_29] {strides = array<i32>} : memref<16x128xf32, #tpu.memory_space<vmem>>, vector<1x16xf32>,
      %get3A_31 = vector.shape_cast %get3A_30 : vector<1x16xf32> to vector<16xf32>
      %get3A_32 = arith.constant 0 : i32
      %get3A_33 = arith.index_cast %get3A_32 : i32 to index
      %get3A_34 = arith.constant 16 : index
      %get3A_35 = tpu.vector_load %arg8[%get3A_33, %get3A_34] {strides = array<i32>} : memref<16x128xf32, #tpu.memory_space<vmem>>, vector<1x16xf32>,
      %get3A_36 = vector.shape_cast %get3A_35 : vector<1x16xf32> to vector<16xf32>
      %mul3A_37 = arith.mulf %get3A_31, %get3A_36 : vector<16xf32>
      %add3A_38 = arith.addf %add3A_26, %mul3A_37 : vector<16xf32>
      %get3A_39 = arith.constant 0 : i32
      %get3A_40 = arith.index_cast %get3A_39 : i32 to index
      %get3A_41 = arith.constant 32 : index
      %get3A_42 = tpu.vector_load %arg9[%get3A_40, %get3A_41] {strides = array<i32>} : memref<16x128xf32, #tpu.memory_space<vmem>>, vector<1x16xf32>,
      %get3A_43 = vector.shape_cast %get3A_42 : vector<1x16xf32> to vector<16xf32>
      %get3A_44 = arith.constant 0 : i32
      %get3A_45 = arith.index_cast %get3A_44 : i32 to index
      %get3A_46 = arith.constant 32 : index
      %get3A_47 = tpu.vector_load %arg8[%get3A_45, %get3A_46] {strides = array<i32>} : memref<16x128xf32, #tpu.memory_space<vmem>>, vector<1x16xf32>,
      %get3A_48 = vector.shape_cast %get3A_47 : vector<1x16xf32> to vector<16xf32>
      %mul3A_49 = arith.mulf %get3A_43, %get3A_48 : vector<16xf32>
      %add3A_50 = arith.addf %add3A_38, %mul3A_49 : vector<16xf32>
      %get3A_51 = arith.constant 0 : i32
      %get3A_52 = arith.index_cast %get3A_51 : i32 to index
      %get3A_53 = arith.constant 48 : index
      %get3A_54 = tpu.vector_load %arg9[%get3A_52, %get3A_53] {strides = array<i32>} : memref<16x128xf32, #tpu.memory_space<vmem>>, vector<1x16xf32>,
      %get3A_55 = vector.shape_cast %get3A_54 : vector<1x16xf32> to vector<16xf32>
      %get3A_56 = arith.constant 0 : i32
      %get3A_57 = arith.index_cast %get3A_56 : i32 to index
      %get3A_58 = arith.constant 48 : index
      %get3A_59 = tpu.vector_load %arg8[%get3A_57, %get3A_58] {strides = array<i32>} : memref<16x128xf32, #tpu.memory_space<vmem>>, vector<1x16xf32>,
      %get3A_60 = vector.shape_cast %get3A_59 : vector<1x16xf32> to vector<16xf32>
      %mul3A_61 = arith.mulf %get3A_55, %get3A_60 : vector<16xf32>
      %add3A_62 = arith.addf %add3A_50, %mul3A_61 : vector<16xf32>
      %get3A_63 = arith.constant 0 : i32
      %get3A_64 = arith.index_cast %get3A_63 : i32 to index
      %get3A_65 = arith.constant 64 : index
      %get3A_66 = tpu.vector_load %arg9[%get3A_64, %get3A_65] {strides = array<i32>} : memref<16x128xf32, #tpu.memory_space<vmem>>, vector<1x16xf32>,
      %get3A_67 = vector.shape_cast %get3A_66 : vector<1x16xf32> to vector<16xf32>
      %get3A_68 = arith.constant 0 : i32
      %get3A_69 = arith.index_cast %get3A_68 : i32 to index
      %get3A_70 = arith.constant 64 : index
      %get3A_71 = tpu.vector_load %arg8[%get3A_69, %get3A_70] {strides = array<i32>} : memref<16x128xf32, #tpu.memory_space<vmem>>, vector<1x16xf32>,
      %get3A_72 = vector.shape_cast %get3A_71 : vector<1x16xf32> to vector<16xf32>
      %mul3A_73 = arith.mulf %get3A_67, %get3A_72 : vector<16xf32>
      %add3A_74 = arith.addf %add3A_62, %mul3A_73 : vector<16xf32>
      %get3A_75 = arith.constant 0 : i32
      %get3A_76 = arith.index_cast %get3A_75 : i32 to index
      %get3A_77 = arith.constant 80 : index
      %get3A_78 = tpu.vector_load %arg9[%get3A_76, %get3A_77] {strides = array<i32>} : memref<16x128xf32, #tpu.memory_space<vmem>>, vector<1x16xf32>,
      %get3A_79 = vector.shape_cast %get3A_78 : vector<1x16xf32> to vector<16xf32>
      %get3A_80 = arith.constant 0 : i32
      %get3A_81 = arith.index_cast %get3A_80 : i32 to index
      %get3A_82 = arith.constant 80 : index
      %get3A_83 = tpu.vector_load %arg8[%get3A_81, %get3A_82] {strides = array<i32>} : memref<16x128xf32, #tpu.memory_space<vmem>>, vector<1x16xf32>,
      %get3A_84 = vector.shape_cast %get3A_83 : vector<1x16xf32> to vector<16xf32>
      %mul3A_85 = arith.mulf %get3A_79, %get3A_84 : vector<16xf32>
      %add3A_86 = arith.addf %add3A_74, %mul3A_85 : vector<16xf32>
      %get3A_87 = arith.constant 0 : i32
      %get3A_88 = arith.index_cast %get3A_87 : i32 to index
      %get3A_89 = arith.constant 96 : index
      %get3A_90 = tpu.vector_load %arg9[%get3A_88, %get3A_89] {strides = array<i32>} : memref<16x128xf32, #tpu.memory_space<vmem>>, vector<1x16xf32>,
      %get3A_91 = vector.shape_cast %get3A_90 : vector<1x16xf32> to vector<16xf32>
      %get3A_92 = arith.constant 0 : i32
      %get3A_93 = arith.index_cast %get3A_92 : i32 to index
      %get3A_94 = arith.constant 96 : index
      %get3A_95 = tpu.vector_load %arg8[%get3A_93, %get3A_94] {strides = array<i32>} : memref<16x128xf32, #tpu.memory_space<vmem>>, vector<1x16xf32>,
      %get3A_96 = vector.shape_cast %get3A_95 : vector<1x16xf32> to vector<16xf32>
      %mul3A_97 = arith.mulf %get3A_91, %get3A_96 : vector<16xf32>
      %add3A_98 = arith.addf %add3A_86, %mul3A_97 : vector<16xf32>
      %get3A_99 = arith.constant 0 : i32
      %get3A_100 = arith.index_cast %get3A_99 : i32 to index
      %get3A_101 = arith.constant 112 : index
      %get3A_102 = tpu.vector_load %arg9[%get3A_100, %get3A_101] {strides = array<i32>} : memref<16x128xf32, #tpu.memory_space<vmem>>, vector<1x16xf32>,
      %get3A_103 = vector.shape_cast %get3A_102 : vector<1x16xf32> to vector<16xf32>
      %get3A_104 = arith.constant 0 : i32
      %get3A_105 = arith.index_cast %get3A_104 : i32 to index
      %get3A_106 = arith.constant 112 : index
      %get3A_107 = tpu.vector_load %arg8[%get3A_105, %get3A_106] {strides = array<i32>} : memref<16x128xf32, #tpu.memory_space<vmem>>, vector<1x16xf32>,
      %get3A_108 = vector.shape_cast %get3A_107 : vector<1x16xf32> to vector<16xf32>
      %mul3A_109 = arith.mulf %get3A_103, %get3A_108 : vector<16xf32>
      %add3A_110 = arith.addf %add3A_98, %mul3A_109 : vector<16xf32>
      %xor3A = arith.constant 8 : i32
      %xor3A_111 = vector.broadcast %xor3A : i32 to vector<16xi32>
      %xor3A_112 = arith.xori %iota3A, %xor3A_111 : vector<16xi32>
      %broadcast_in_dim3A_113 = vector.shape_cast %xor3A_112 : vector<16xi32> to vector<16x1xi32>
      %gather3A = vector.shape_cast %broadcast_in_dim3A_113 : vector<16x1xi32> to vector<16xi32>
      %gather3A_114 = tpu.dynamic_gather %add3A_110[%gather3A] in [0] : vector<16xf32>, vector<16xi32> -> vector<16xf32>
      %add3A_115 = arith.addf %add3A_110, %gather3A_114 : vector<16xf32>
      %xor3A_116 = arith.constant 4 : i32
      %xor3A_117 = vector.broadcast %xor3A_116 : i32 to vector<16xi32>
      %xor3A_118 = arith.xori %iota3A, %xor3A_117 : vector<16xi32>
      %broadcast_in_dim3A_119 = vector.shape_cast %xor3A_118 : vector<16xi32> to vector<16x1xi32>
      %gather3A_120 = vector.shape_cast %broadcast_in_dim3A_119 : vector<16x1xi32> to vector<16xi32>
      %gather3A_121 = tpu.dynamic_gather %add3A_115[%gather3A_120] in [0] : vector<16xf32>, vector<16xi32> -> vector<16xf32>
      %add3A_122 = arith.addf %add3A_115, %gather3A_121 : vector<16xf32>
      %xor3A_123 = arith.constant 2 : i32
      %xor3A_124 = vector.broadcast %xor3A_123 : i32 to vector<16xi32>
      %xor3A_125 = arith.xori %iota3A, %xor3A_124 : vector<16xi32>
      %broadcast_in_dim3A_126 = vector.shape_cast %xor3A_125 : vector<16xi32> to vector<16x1xi32>
      %gather3A_127 = vector.shape_cast %broadcast_in_dim3A_126 : vector<16x1xi32> to vector<16xi32>
      %gather3A_128 = tpu.dynamic_gather %add3A_122[%gather3A_127] in [0] : vector<16xf32>, vector<16xi32> -> vector<16xf32>
      %add3A_129 = arith.addf %add3A_122, %gather3A_128 : vector<16xf32>
      %xor3A_130 = arith.constant 1 : i32
      %xor3A_131 = vector.broadcast %xor3A_130 : i32 to vector<16xi32>
      %xor3A_132 = arith.xori %iota3A, %xor3A_131 : vector<16xi32>
      %broadcast_in_dim3A_133 = vector.shape_cast %xor3A_132 : vector<16xi32> to vector<16x1xi32>
      %gather3A_134 = vector.shape_cast %broadcast_in_dim3A_133 : vector<16x1xi32> to vector<16xi32>
      %gather3A_135 = tpu.dynamic_gather %add3A_129[%gather3A_134] in [0] : vector<16xf32>, vector<16xi32> -> vector<16xf32>
      %add3A_136 = arith.addf %add3A_129, %gather3A_135 : vector<16xf32>
      %eq3A = arith.constant 0 : i32
      %eq3A_137 = vector.broadcast %eq3A : i32 to vector<16xi32>
      %eq3A_138 = arith.cmpi eq, %iota3A, %eq3A_137 : vector<16xi32>
      %select_n3A = arith.select %eq3A_138, %add3A_136, %broadcast_in_dim3A_13 : vector<16xi1>, vector<16xf32>
      %broadcast_in_dim3A_139 = arith.constant 0.000000e+00 : f32
      %broadcast_in_dim3A_140 = vector.broadcast %broadcast_in_dim3A_139 : f32 to vector<16xf32>
      %get3A_141 = arith.constant 1 : i32
      %get3A_142 = arith.index_cast %get3A_141 : i32 to index
      %get3A_143 = arith.constant 0 : index
      %get3A_144 = tpu.vector_load %arg9[%get3A_142, %get3A_143] {strides = array<i32>} : memref<16x128xf32, #tpu.memory_space<vmem>>, vector<1x16xf32>,
      %get3A_145 = vector.shape_cast %get3A_144 : vector<1x16xf32> to vector<16xf32>
      %get3A_146 = arith.constant 1 : i32
      %get3A_147 = arith.index_cast %get3A_146 : i32 to index
      %get3A_148 = arith.constant 0 : index
      %get3A_149 = tpu.vector_load %arg8[%get3A_147, %get3A_148] {strides = array<i32>} : memref<16x128xf32, #tpu.memory_space<vmem>>, vector<1x16xf32>,
      %get3A_150 = vector.shape_cast %get3A_149 : vector<1x16xf32> to vector<16xf32>
      %mul3A_151 = arith.mulf %get3A_145, %get3A_150 : vector<16xf32>
      %add3A_152 = arith.addf %broadcast_in_dim3A_140, %mul3A_151 : vector<16xf32>
      %get3A_153 = arith.constant 1 : i32
      %get3A_154 = arith.index_cast %get3A_153 : i32 to index
      %get3A_155 = arith.constant 16 : index
      %get3A_156 = tpu.vector_load %arg9[%get3A_154, %get3A_155] {strides = array<i32>} : memref<16x128xf32, #tpu.memory_space<vmem>>, vector<1x16xf32>,
      %get3A_157 = vector.shape_cast %get3A_156 : vector<1x16xf32> to vector<16xf32>
      %get3A_158 = arith.constant 1 : i32
      %get3A_159 = arith.index_cast %get3A_158 : i32 to index
      %get3A_160 = arith.constant 16 : index
      %get3A_161 = tpu.vector_load %arg8[%get3A_159, %get3A_160] {strides = array<i32>} : memref<16x128xf32, #tpu.memory_space<vmem>>, vector<1x16xf32>,
      %get3A_162 = vector.shape_cast %get3A_161 : vector<1x16xf32> to vector<16xf32>
      %mul3A_163 = arith.mulf %get3A_157, %get3A_162 : vector<16xf32>
      %add3A_164 = arith.addf %add3A_152, %mul3A_163 : vector<16xf32>
      %get3A_165 = arith.constant 1 : i32
      %get3A_166 = arith.index_cast %get3A_165 : i32 to index
      %get3A_167 = arith.constant 32 : index
      %get3A_168 = tpu.vector_load %arg9[%get3A_166, %get3A_167] {strides = array<i32>} : memref<16x128xf32, #tpu.memory_space<vmem>>, vector<1x16xf32>,
      %get3A_169 = vector.shape_cast %get3A_168 : vector<1x16xf32> to vector<16xf32>
      %get3A_170 = arith.constant 1 : i32
      %get3A_171 = arith.index_cast %get3A_170 : i32 to index
      %get3A_172 = arith.constant 32 : index
      %get3A_173 = tpu.vector_load %arg8[%get3A_171, %get3A_172] {strides = array<i32>} : memref<16x128xf32, #tpu.memory_space<vmem>>, vector<1x16xf32>,
      %get3A_174 = vector.shape_cast %get3A_173 : vector<1x16xf32> to vector<16xf32>
      %mul3A_175 = arith.mulf %get3A_169, %get3A_174 : vector<16xf32>
      %add3A_176 = arith.addf %add3A_164, %mul3A_175 : vector<16xf32>
      %get3A_177 = arith.constant 1 : i32
      %get3A_178 = arith.index_cast %get3A_177 : i32 to index
      %get3A_179 = arith.constant 48 : index
      %get3A_180 = tpu.vector_load %arg9[%get3A_178, %get3A_179] {strides = array<i32>} : memref<16x128xf32, #tpu.memory_space<vmem>>, vector<1x16xf32>,
      %get3A_181 = vector.shape_cast %get3A_180 : vector<1x16xf32> to vector<16xf32>
      %get3A_182 = arith.constant 1 : i32
      %get3A_183 = arith.index_cast %get3A_182 : i32 to index
      %get3A_184 = arith.constant 48 : index
      %get3A_185 = tpu.vector_load %arg8[%get3A_183, %get3A_184] {strides = array<i32>} : memref<16x128xf32, #tpu.memory_space<vmem>>, vector<1x16xf32>,
      %get3A_186 = vector.shape_cast %get3A_185 : vector<1x16xf32> to vector<16xf32>
      %mul3A_187 = arith.mulf %get3A_181, %get3A_186 : vector<16xf32>
      %add3A_188 = arith.addf %add3A_176, %mul3A_187 : vector<16xf32>
      %get3A_189 = arith.constant 1 : i32
      %get3A_190 = arith.index_cast %get3A_189 : i32 to index
      %get3A_191 = arith.constant 64 : index
      %get3A_192 = tpu.vector_load %arg9[%get3A_190, %get3A_191] {strides = array<i32>} : memref<16x128xf32, #tpu.memory_space<vmem>>, vector<1x16xf32>,
      %get3A_193 = vector.shape_cast %get3A_192 : vector<1x16xf32> to vector<16xf32>
      %get3A_194 = arith.constant 1 : i32
      %get3A_195 = arith.index_cast %get3A_194 : i32 to index
      %get3A_196 = arith.constant 64 : index
      %get3A_197 = tpu.vector_load %arg8[%get3A_195, %get3A_196] {strides = array<i32>} : memref<16x128xf32, #tpu.memory_space<vmem>>, vector<1x16xf32>,
      %get3A_198 = vector.shape_cast %get3A_197 : vector<1x16xf32> to vector<16xf32>
      %mul3A_199 = arith.mulf %get3A_193, %get3A_198 : vector<16xf32>
      %add3A_200 = arith.addf %add3A_188, %mul3A_199 : vector<16xf32>
      %get3A_201 = arith.constant 1 : i32
      %get3A_202 = arith.index_cast %get3A_201 : i32 to index
      %get3A_203 = arith.constant 80 : index
      %get3A_204 = tpu.vector_load %arg9[%get3A_202, %get3A_203] {strides = array<i32>} : memref<16x128xf32, #tpu.memory_space<vmem>>, vector<1x16xf32>,
      %get3A_205 = vector.shape_cast %get3A_204 : vector<1x16xf32> to vector<16xf32>
      %get3A_206 = arith.constant 1 : i32
      %get3A_207 = arith.index_cast %get3A_206 : i32 to index
      %get3A_208 = arith.constant 80 : index
      %get3A_209 = tpu.vector_load %arg8[%get3A_207, %get3A_208] {strides = array<i32>} : memref<16x128xf32, #tpu.memory_space<vmem>>, vector<1x16xf32>,
      %get3A_210 = vector.shape_cast %get3A_209 : vector<1x16xf32> to vector<16xf32>
      %mul3A_211 = arith.mulf %get3A_205, %get3A_210 : vector<16xf32>
      %add3A_212 = arith.addf %add3A_200, %mul3A_211 : vector<16xf32>
      %get3A_213 = arith.constant 1 : i32
      %get3A_214 = arith.index_cast %get3A_213 : i32 to index
      %get3A_215 = arith.constant 96 : index
      %get3A_216 = tpu.vector_load %arg9[%get3A_214, %get3A_215] {strides = array<i32>} : memref<16x128xf32, #tpu.memory_space<vmem>>, vector<1x16xf32>,
      %get3A_217 = vector.shape_cast %get3A_216 : vector<1x16xf32> to vector<16xf32>
      %get3A_218 = arith.constant 1 : i32
      %get3A_219 = arith.index_cast %get3A_218 : i32 to index
      %get3A_220 = arith.constant 96 : index
      %get3A_221 = tpu.vector_load %arg8[%get3A_219, %get3A_220] {strides = array<i32>} : memref<16x128xf32, #tpu.memory_space<vmem>>, vector<1x16xf32>,
      %get3A_222 = vector.shape_cast %get3A_221 : vector<1x16xf32> to vector<16xf32>
      %mul3A_223 = arith.mulf %get3A_217, %get3A_222 : vector<16xf32>
      %add3A_224 = arith.addf %add3A_212, %mul3A_223 : vector<16xf32>
      %get3A_225 = arith.constant 1 : i32
      %get3A_226 = arith.index_cast %get3A_225 : i32 to index
      %get3A_227 = arith.constant 112 : index
      %get3A_228 = tpu.vector_load %arg9[%get3A_226, %get3A_227] {strides = array<i32>} : memref<16x128xf32, #tpu.memory_space<vmem>>, vector<1x16xf32>,
      %get3A_229 = vector.shape_cast %get3A_228 : vector<1x16xf32> to vector<16xf32>
      %get3A_230 = arith.constant 1 : i32
      %get3A_231 = arith.index_cast %get3A_230 : i32 to index
      %get3A_232 = arith.constant 112 : index
      %get3A_233 = tpu.vector_load %arg8[%get3A_231, %get3A_232] {strides = array<i32>} : memref<16x128xf32, #tpu.memory_space<vmem>>, vector<1x16xf32>,
      %get3A_234 = vector.shape_cast %get3A_233 : vector<1x16xf32> to vector<16xf32>
      %mul3A_235 = arith.mulf %get3A_229, %get3A_234 : vector<16xf32>
      %add3A_236 = arith.addf %add3A_224, %mul3A_235 : vector<16xf32>
      %xor3A_237 = arith.constant 8 : i32
      %xor3A_238 = vector.broadcast %xor3A_237 : i32 to vector<16xi32>
      %xor3A_239 = arith.xori %iota3A, %xor3A_238 : vector<16xi32>
      %broadcast_in_dim3A_240 = vector.shape_cast %xor3A_239 : vector<16xi32> to vector<16x1xi32>
      %gather3A_241 = vector.shape_cast %broadcast_in_dim3A_240 : vector<16x1xi32> to vector<16xi32>
      %gather3A_242 = tpu.dynamic_gather %add3A_236[%gather3A_241] in [0] : vector<16xf32>, vector<16xi32> -> vector<16xf32>
      %add3A_243 = arith.addf %add3A_236, %gather3A_242 : vector<16xf32>
      %xor3A_244 = arith.constant 4 : i32
      %xor3A_245 = vector.broadcast %xor3A_244 : i32 to vector<16xi32>
      %xor3A_246 = arith.xori %iota3A, %xor3A_245 : vector<16xi32>
      %broadcast_in_dim3A_247 = vector.shape_cast %xor3A_246 : vector<16xi32> to vector<16x1xi32>
      %gather3A_248 = vector.shape_cast %broadcast_in_dim3A_247 : vector<16x1xi32> to vector<16xi32>
      %gather3A_249 = tpu.dynamic_gather %add3A_243[%gather3A_248] in [0] : vector<16xf32>, vector<16xi32> -> vector<16xf32>
      %add3A_250 = arith.addf %add3A_243, %gather3A_249 : vector<16xf32>
      %xor3A_251 = arith.constant 2 : i32
      %xor3A_252 = vector.broadcast %xor3A_251 : i32 to vector<16xi32>
      %xor3A_253 = arith.xori %iota3A, %xor3A_252 : vector<16xi32>
      %broadcast_in_dim3A_254 = vector.shape_cast %xor3A_253 : vector<16xi32> to vector<16x1xi32>
      %gather3A_255 = vector.shape_cast %broadcast_in_dim3A_254 : vector<16x1xi32> to vector<16xi32>
      %gather3A_256 = tpu.dynamic_gather %add3A_250[%gather3A_255] in [0] : vector<16xf32>, vector<16xi32> -> vector<16xf32>
      %add3A_257 = arith.addf %add3A_250, %gather3A_256 : vector<16xf32>
      %xor3A_258 = arith.constant 1 : i32
      %xor3A_259 = vector.broadcast %xor3A_258 : i32 to vector<16xi32>
      %xor3A_260 = arith.xori %iota3A, %xor3A_259 : vector<16xi32>
      %broadcast_in_dim3A_261 = vector.shape_cast %xor3A_260 : vector<16xi32> to vector<16x1xi32>
      %gather3A_262 = vector.shape_cast %broadcast_in_dim3A_261 : vector<16x1xi32> to vector<16xi32>
      %gather3A_263 = tpu.dynamic_gather %add3A_257[%gather3A_262] in [0] : vector<16xf32>, vector<16xi32> -> vector<16xf32>
      %add3A_264 = arith.addf %add3A_257, %gather3A_263 : vector<16xf32>
      %eq3A_265 = arith.constant 1 : i32
      %eq3A_266 = vector.broadcast %eq3A_265 : i32 to vector<16xi32>
      %eq3A_267 = arith.cmpi eq, %iota3A, %eq3A_266 : vector<16xi32>
      %select_n3A_268 = arith.select %eq3A_267, %add3A_264, %select_n3A : vector<16xi1>, vector<16xf32>
      %broadcast_in_dim3A_269 = arith.constant 0.000000e+00 : f32
      %broadcast_in_dim3A_270 = vector.broadcast %broadcast_in_dim3A_269 : f32 to vector<16xf32>
      %get3A_271 = arith.constant 2 : i32
      %get3A_272 = arith.index_cast %get3A_271 : i32 to index
      %get3A_273 = arith.constant 0 : index
      %get3A_274 = tpu.vector_load %arg9[%get3A_272, %get3A_273] {strides = array<i32>} : memref<16x128xf32, #tpu.memory_space<vmem>>, vector<1x16xf32>,
      %get3A_275 = vector.shape_cast %get3A_274 : vector<1x16xf32> to vector<16xf32>
      %get3A_276 = arith.constant 2 : i32
      %get3A_277 = arith.index_cast %get3A_276 : i32 to index
      %get3A_278 = arith.constant 0 : index
      %get3A_279 = tpu.vector_load %arg8[%get3A_277, %get3A_278] {strides = array<i32>} : memref<16x128xf32, #tpu.memory_space<vmem>>, vector<1x16xf32>,
      %get3A_280 = vector.shape_cast %get3A_279 : vector<1x16xf32> to vector<16xf32>
      %mul3A_281 = arith.mulf %get3A_275, %get3A_280 : vector<16xf32>
      %add3A_282 = arith.addf %broadcast_in_dim3A_270, %mul3A_281 : vector<16xf32>
      %get3A_283 = arith.constant 2 : i32
      %get3A_284 = arith.index_cast %get3A_283 : i32 to index
      %get3A_285 = arith.constant 16 : index
      %get3A_286 = tpu.vector_load %arg9[%get3A_284, %get3A_285] {strides = array<i32>} : memref<16x128xf32, #tpu.memory_space<vmem>>, vector<1x16xf32>,
      %get3A_287 = vector.shape_cast %get3A_286 : vector<1x16xf32> to vector<16xf32>
      %get3A_288 = arith.constant 2 : i32
      %get3A_289 = arith.index_cast %get3A_288 : i32 to index
      %get3A_290 = arith.constant 16 : index
      %get3A_291 = tpu.vector_load %arg8[%get3A_289, %get3A_290] {strides = array<i32>} : memref<16x128xf32, #tpu.memory_space<vmem>>, vector<1x16xf32>,
      %get3A_292 = vector.shape_cast %get3A_291 : vector<1x16xf32> to vector<16xf32>
      %mul3A_293 = arith.mulf %get3A_287, %get3A_292 : vector<16xf32>
      %add3A_294 = arith.addf %add3A_282, %mul3A_293 : vector<16xf32>
      %get3A_295 = arith.constant 2 : i32
      %get3A_296 = arith.index_cast %get3A_295 : i32 to index
      %get3A_297 = arith.constant 32 : index
      %get3A_298 = tpu.vector_load %arg9[%get3A_296, %get3A_297] {strides = array<i32>} : memref<16x128xf32, #tpu.memory_space<vmem>>, vector<1x16xf32>,
      %get3A_299 = vector.shape_cast %get3A_298 : vector<1x16xf32> to vector<16xf32>
      %get3A_300 = arith.constant 2 : i32
      %get3A_301 = arith.index_cast %get3A_300 : i32 to index
      %get3A_302 = arith.constant 32 : index
      %get3A_303 = tpu.vector_load %arg8[%get3A_301, %get3A_302] {strides = array<i32>} : memref<16x128xf32, #tpu.memory_space<vmem>>, vector<1x16xf32>,
      %get3A_304 = vector.shape_cast %get3A_303 : vector<1x16xf32> to vector<16xf32>
      %mul3A_305 = arith.mulf %get3A_299, %get3A_304 : vector<16xf32>
      %add3A_306 = arith.addf %add3A_294, %mul3A_305 : vector<16xf32>
      %get3A_307 = arith.constant 2 : i32
      %get3A_308 = arith.index_cast %get3A_307 : i32 to index
      %get3A_309 = arith.constant 48 : index
      %get3A_310 = tpu.vector_load %arg9[%get3A_308, %get3A_309] {strides = array<i32>} : memref<16x128xf32, #tpu.memory_space<vmem>>, vector<1x16xf32>,
      %get3A_311 = vector.shape_cast %get3A_310 : vector<1x16xf32> to vector<16xf32>
      %get3A_312 = arith.constant 2 : i32
      %get3A_313 = arith.index_cast %get3A_312 : i32 to index
      %get3A_314 = arith.constant 48 : index
      %get3A_315 = tpu.vector_load %arg8[%get3A_313, %get3A_314] {strides = array<i32>} : memref<16x128xf32, #tpu.memory_space<vmem>>, vector<1x16xf32>,
      %get3A_316 = vector.shape_cast %get3A_315 : vector<1x16xf32> to vector<16xf32>
      %mul3A_317 = arith.mulf %get3A_311, %get3A_316 : vector<16xf32>
      %add3A_318 = arith.addf %add3A_306, %mul3A_317 : vector<16xf32>
      %get3A_319 = arith.constant 2 : i32
      %get3A_320 = arith.index_cast %get3A_319 : i32 to index
      %get3A_321 = arith.constant 64 : index
      %get3A_322 = tpu.vector_load %arg9[%get3A_320, %get3A_321] {strides = array<i32>} : memref<16x128xf32, #tpu.memory_space<vmem>>, vector<1x16xf32>,
      %get3A_323 = vector.shape_cast %get3A_322 : vector<1x16xf32> to vector<16xf32>
      %get3A_324 = arith.constant 2 : i32
      %get3A_325 = arith.index_cast %get3A_324 : i32 to index
      %get3A_326 = arith.constant 64 : index
      %get3A_327 = tpu.vector_load %arg8[%get3A_325, %get3A_326] {strides = array<i32>} : memref<16x128xf32, #tpu.memory_space<vmem>>, vector<1x16xf32>,
      %get3A_328 = vector.shape_cast %get3A_327 : vector<1x16xf32> to vector<16xf32>
      %mul3A_329 = arith.mulf %get3A_323, %get3A_328 : vector<16xf32>
      %add3A_330 = arith.addf %add3A_318, %mul3A_329 : vector<16xf32>
      %get3A_331 = arith.constant 2 : i32
      %get3A_332 = arith.index_cast %get3A_331 : i32 to index
      %get3A_333 = arith.constant 80 : index
      %get3A_334 = tpu.vector_load %arg9[%get3A_332, %get3A_333] {strides = array<i32>} : memref<16x128xf32, #tpu.memory_space<vmem>>, vector<1x16xf32>,
      %get3A_335 = vector.shape_cast %get3A_334 : vector<1x16xf32> to vector<16xf32>
      %get3A_336 = arith.constant 2 : i32
      %get3A_337 = arith.index_cast %get3A_336 : i32 to index
      %get3A_338 = arith.constant 80 : index
      %get3A_339 = tpu.vector_load %arg8[%get3A_337, %get3A_338] {strides = array<i32>} : memref<16x128xf32, #tpu.memory_space<vmem>>, vector<1x16xf32>,
      %get3A_340 = vector.shape_cast %get3A_339 : vector<1x16xf32> to vector<16xf32>
      %mul3A_341 = arith.mulf %get3A_335, %get3A_340 : vector<16xf32>
      %add3A_342 = arith.addf %add3A_330, %mul3A_341 : vector<16xf32>
      %get3A_343 = arith.constant 2 : i32
      %get3A_344 = arith.index_cast %get3A_343 : i32 to index
      %get3A_345 = arith.constant 96 : index
      %get3A_346 = tpu.vector_load %arg9[%get3A_344, %get3A_345] {strides = array<i32>} : memref<16x128xf32, #tpu.memory_space<vmem>>, vector<1x16xf32>,
      %get3A_347 = vector.shape_cast %get3A_346 : vector<1x16xf32> to vector<16xf32>
      %get3A_348 = arith.constant 2 : i32
      %get3A_349 = arith.index_cast %get3A_348 : i32 to index
      %get3A_350 = arith.constant 96 : index
      %get3A_351 = tpu.vector_load %arg8[%get3A_349, %get3A_350] {strides = array<i32>} : memref<16x128xf32, #tpu.memory_space<vmem>>, vector<1x16xf32>,
      %get3A_352 = vector.shape_cast %get3A_351 : vector<1x16xf32> to vector<16xf32>
      %mul3A_353 = arith.mulf %get3A_347, %get3A_352 : vector<16xf32>
      %add3A_354 = arith.addf %add3A_342, %mul3A_353 : vector<16xf32>
      %get3A_355 = arith.constant 2 : i32
      %get3A_356 = arith.index_cast %get3A_355 : i32 to index
      %get3A_357 = arith.constant 112 : index
      %get3A_358 = tpu.vector_load %arg9[%get3A_356, %get3A_357] {strides = array<i32>} : memref<16x128xf32, #tpu.memory_space<vmem>>, vector<1x16xf32>,
      %get3A_359 = vector.shape_cast %get3A_358 : vector<1x16xf32> to vector<16xf32>
      %get3A_360 = arith.constant 2 : i32
      %get3A_361 = arith.index_cast %get3A_360 : i32 to index
      %get3A_362 = arith.constant 112 : index
      %get3A_363 = tpu.vector_load %arg8[%get3A_361, %get3A_362] {strides = array<i32>} : memref<16x128xf32, #tpu.memory_space<vmem>>, vector<1x16xf32>,
      %get3A_364 = vector.shape_cast %get3A_363 : vector<1x16xf32> to vector<16xf32>
      %mul3A_365 = arith.mulf %get3A_359, %get3A_364 : vector<16xf32>
      %add3A_366 = arith.addf %add3A_354, %mul3A_365 : vector<16xf32>
      %xor3A_367 = arith.constant 8 : i32
      %xor3A_368 = vector.broadcast %xor3A_367 : i32 to vector<16xi32>
      %xor3A_369 = arith.xori %iota3A, %xor3A_368 : vector<16xi32>
      %broadcast_in_dim3A_370 = vector.shape_cast %xor3A_369 : vector<16xi32> to vector<16x1xi32>
      %gather3A_371 = vector.shape_cast %broadcast_in_dim3A_370 : vector<16x1xi32> to vector<16xi32>
      %gather3A_372 = tpu.dynamic_gather %add3A_366[%gather3A_371] in [0] : vector<16xf32>, vector<16xi32> -> vector<16xf32>
      %add3A_373 = arith.addf %add3A_366, %gather3A_372 : vector<16xf32>
      %xor3A_374 = arith.constant 4 : i32
      %xor3A_375 = vector.broadcast %xor3A_374 : i32 to vector<16xi32>
      %xor3A_376 = arith.xori %iota3A, %xor3A_375 : vector<16xi32>
      %broadcast_in_dim3A_377 = vector.shape_cast %xor3A_376 : vector<16xi32> to vector<16x1xi32>
      %gather3A_378 = vector.shape_cast %broadcast_in_dim3A_377 : vector<16x1xi32> to vector<16xi32>
      %gather3A_379 = tpu.dynamic_gather %add3A_373[%gather3A_378] in [0] : vector<16xf32>, vector<16xi32> -> vector<16xf32>
      %add3A_380 = arith.addf %add3A_373, %gather3A_379 : vector<16xf32>
      %xor3A_381 = arith.constant 2 : i32
      %xor3A_382 = vector.broadcast %xor3A_381 : i32 to vector<16xi32>
      %xor3A_383 = arith.xori %iota3A, %xor3A_382 : vector<16xi32>
      %broadcast_in_dim3A_384 = vector.shape_cast %xor3A_383 : vector<16xi32> to vector<16x1xi32>
      %gather3A_385 = vector.shape_cast %broadcast_in_dim3A_384 : vector<16x1xi32> to vector<16xi32>
      %gather3A_386 = tpu.dynamic_gather %add3A_380[%gather3A_385] in [0] : vector<16xf32>, vector<16xi32> -> vector<16xf32>
      %add3A_387 = arith.addf %add3A_380, %gather3A_386 : vector<16xf32>
      %xor3A_388 = arith.constant 1 : i32
      %xor3A_389 = vector.broadcast %xor3A_388 : i32 to vector<16xi32>
      %xor3A_390 = arith.xori %iota3A, %xor3A_389 : vector<16xi32>
      %broadcast_in_dim3A_391 = vector.shape_cast %xor3A_390 : vector<16xi32> to vector<16x1xi32>
      %gather3A_392 = vector.shape_cast %broadcast_in_dim3A_391 : vector<16x1xi32> to vector<16xi32>
      %gather3A_393 = tpu.dynamic_gather %add3A_387[%gather3A_392] in [0] : vector<16xf32>, vector<16xi32> -> vector<16xf32>
      %add3A_394 = arith.addf %add3A_387, %gather3A_393 : vector<16xf32>
      %eq3A_395 = arith.constant 2 : i32
      %eq3A_396 = vector.broadcast %eq3A_395 : i32 to vector<16xi32>
      %eq3A_397 = arith.cmpi eq, %iota3A, %eq3A_396 : vector<16xi32>
      %select_n3A_398 = arith.select %eq3A_397, %add3A_394, %select_n3A_268 : vector<16xi1>, vector<16xf32>
      %broadcast_in_dim3A_399 = arith.constant 0.000000e+00 : f32
      %broadcast_in_dim3A_400 = vector.broadcast %broadcast_in_dim3A_399 : f32 to vector<16xf32>
      %get3A_401 = arith.constant 3 : i32
      %get3A_402 = arith.index_cast %get3A_401 : i32 to index
      %get3A_403 = arith.constant 0 : index
      %get3A_404 = tpu.vector_load %arg9[%get3A_402, %get3A_403] {strides = array<i32>} : memref<16x128xf32, #tpu.memory_space<vmem>>, vector<1x16xf32>,
      %get3A_405 = vector.shape_cast %get3A_404 : vector<1x16xf32> to vector<16xf32>
      %get3A_406 = arith.constant 3 : i32
      %get3A_407 = arith.index_cast %get3A_406 : i32 to index
      %get3A_408 = arith.constant 0 : index
      %get3A_409 = tpu.vector_load %arg8[%get3A_407, %get3A_408] {strides = array<i32>} : memref<16x128xf32, #tpu.memory_space<vmem>>, vector<1x16xf32>,
      %get3A_410 = vector.shape_cast %get3A_409 : vector<1x16xf32> to vector<16xf32>
      %mul3A_411 = arith.mulf %get3A_405, %get3A_410 : vector<16xf32>
      %add3A_412 = arith.addf %broadcast_in_dim3A_400, %mul3A_411 : vector<16xf32>
      %get3A_413 = arith.constant 3 : i32
      %get3A_414 = arith.index_cast %get3A_413 : i32 to index
      %get3A_415 = arith.constant 16 : index
      %get3A_416 = tpu.vector_load %arg9[%get3A_414, %get3A_415] {strides = array<i32>} : memref<16x128xf32, #tpu.memory_space<vmem>>, vector<1x16xf32>,
      %get3A_417 = vector.shape_cast %get3A_416 : vector<1x16xf32> to vector<16xf32>
      %get3A_418 = arith.constant 3 : i32
      %get3A_419 = arith.index_cast %get3A_418 : i32 to index
      %get3A_420 = arith.constant 16 : index
      %get3A_421 = tpu.vector_load %arg8[%get3A_419, %get3A_420] {strides = array<i32>} : memref<16x128xf32, #tpu.memory_space<vmem>>, vector<1x16xf32>,
      %get3A_422 = vector.shape_cast %get3A_421 : vector<1x16xf32> to vector<16xf32>
      %mul3A_423 = arith.mulf %get3A_417, %get3A_422 : vector<16xf32>
      %add3A_424 = arith.addf %add3A_412, %mul3A_423 : vector<16xf32>
      %get3A_425 = arith.constant 3 : i32
      %get3A_426 = arith.index_cast %get3A_425 : i32 to index
      %get3A_427 = arith.constant 32 : index
      %get3A_428 = tpu.vector_load %arg9[%get3A_426, %get3A_427] {strides = array<i32>} : memref<16x128xf32, #tpu.memory_space<vmem>>, vector<1x16xf32>,
      %get3A_429 = vector.shape_cast %get3A_428 : vector<1x16xf32> to vector<16xf32>
      %get3A_430 = arith.constant 3 : i32
      %get3A_431 = arith.index_cast %get3A_430 : i32 to index
      %get3A_432 = arith.constant 32 : index
      %get3A_433 = tpu.vector_load %arg8[%get3A_431, %get3A_432] {strides = array<i32>} : memref<16x128xf32, #tpu.memory_space<vmem>>, vector<1x16xf32>,
      %get3A_434 = vector.shape_cast %get3A_433 : vector<1x16xf32> to vector<16xf32>
      %mul3A_435 = arith.mulf %get3A_429, %get3A_434 : vector<16xf32>
      %add3A_436 = arith.addf %add3A_424, %mul3A_435 : vector<16xf32>
      %get3A_437 = arith.constant 3 : i32
      %get3A_438 = arith.index_cast %get3A_437 : i32 to index
      %get3A_439 = arith.constant 48 : index
      %get3A_440 = tpu.vector_load %arg9[%get3A_438, %get3A_439] {strides = array<i32>} : memref<16x128xf32, #tpu.memory_space<vmem>>, vector<1x16xf32>,
      %get3A_441 = vector.shape_cast %get3A_440 : vector<1x16xf32> to vector<16xf32>
      %get3A_442 = arith.constant 3 : i32
      %get3A_443 = arith.index_cast %get3A_442 : i32 to index
      %get3A_444 = arith.constant 48 : index
      %get3A_445 = tpu.vector_load %arg8[%get3A_443, %get3A_444] {strides = array<i32>} : memref<16x128xf32, #tpu.memory_space<vmem>>, vector<1x16xf32>,
      %get3A_446 = vector.shape_cast %get3A_445 : vector<1x16xf32> to vector<16xf32>
      %mul3A_447 = arith.mulf %get3A_441, %get3A_446 : vector<16xf32>
      %add3A_448 = arith.addf %add3A_436, %mul3A_447 : vector<16xf32>
      %get3A_449 = arith.constant 3 : i32
      %get3A_450 = arith.index_cast %get3A_449 : i32 to index
      %get3A_451 = arith.constant 64 : index
      %get3A_452 = tpu.vector_load %arg9[%get3A_450, %get3A_451] {strides = array<i32>} : memref<16x128xf32, #tpu.memory_space<vmem>>, vector<1x16xf32>,
      %get3A_453 = vector.shape_cast %get3A_452 : vector<1x16xf32> to vector<16xf32>
      %get3A_454 = arith.constant 3 : i32
      %get3A_455 = arith.index_cast %get3A_454 : i32 to index
      %get3A_456 = arith.constant 64 : index
      %get3A_457 = tpu.vector_load %arg8[%get3A_455, %get3A_456] {strides = array<i32>} : memref<16x128xf32, #tpu.memory_space<vmem>>, vector<1x16xf32>,
      %get3A_458 = vector.shape_cast %get3A_457 : vector<1x16xf32> to vector<16xf32>
      %mul3A_459 = arith.mulf %get3A_453, %get3A_458 : vector<16xf32>
      %add3A_460 = arith.addf %add3A_448, %mul3A_459 : vector<16xf32>
      %get3A_461 = arith.constant 3 : i32
      %get3A_462 = arith.index_cast %get3A_461 : i32 to index
      %get3A_463 = arith.constant 80 : index
      %get3A_464 = tpu.vector_load %arg9[%get3A_462, %get3A_463] {strides = array<i32>} : memref<16x128xf32, #tpu.memory_space<vmem>>, vector<1x16xf32>,
      %get3A_465 = vector.shape_cast %get3A_464 : vector<1x16xf32> to vector<16xf32>
      %get3A_466 = arith.constant 3 : i32
      %get3A_467 = arith.index_cast %get3A_466 : i32 to index
      %get3A_468 = arith.constant 80 : index
      %get3A_469 = tpu.vector_load %arg8[%get3A_467, %get3A_468] {strides = array<i32>} : memref<16x128xf32, #tpu.memory_space<vmem>>, vector<1x16xf32>,
      %get3A_470 = vector.shape_cast %get3A_469 : vector<1x16xf32> to vector<16xf32>
      %mul3A_471 = arith.mulf %get3A_465, %get3A_470 : vector<16xf32>
      %add3A_472 = arith.addf %add3A_460, %mul3A_471 : vector<16xf32>
      %get3A_473 = arith.constant 3 : i32
      %get3A_474 = arith.index_cast %get3A_473 : i32 to index
      %get3A_475 = arith.constant 96 : index
      %get3A_476 = tpu.vector_load %arg9[%get3A_474, %get3A_475] {strides = array<i32>} : memref<16x128xf32, #tpu.memory_space<vmem>>, vector<1x16xf32>,
      %get3A_477 = vector.shape_cast %get3A_476 : vector<1x16xf32> to vector<16xf32>
      %get3A_478 = arith.constant 3 : i32
      %get3A_479 = arith.index_cast %get3A_478 : i32 to index
      %get3A_480 = arith.constant 96 : index
      %get3A_481 = tpu.vector_load %arg8[%get3A_479, %get3A_480] {strides = array<i32>} : memref<16x128xf32, #tpu.memory_space<vmem>>, vector<1x16xf32>,
      %get3A_482 = vector.shape_cast %get3A_481 : vector<1x16xf32> to vector<16xf32>
      %mul3A_483 = arith.mulf %get3A_477, %get3A_482 : vector<16xf32>
      %add3A_484 = arith.addf %add3A_472, %mul3A_483 : vector<16xf32>
      %get3A_485 = arith.constant 3 : i32
      %get3A_486 = arith.index_cast %get3A_485 : i32 to index
      %get3A_487 = arith.constant 112 : index
      %get3A_488 = tpu.vector_load %arg9[%get3A_486, %get3A_487] {strides = array<i32>} : memref<16x128xf32, #tpu.memory_space<vmem>>, vector<1x16xf32>,
      %get3A_489 = vector.shape_cast %get3A_488 : vector<1x16xf32> to vector<16xf32>
      %get3A_490 = arith.constant 3 : i32
      %get3A_491 = arith.index_cast %get3A_490 : i32 to index
      %get3A_492 = arith.constant 112 : index
      %get3A_493 = tpu.vector_load %arg8[%get3A_491, %get3A_492] {strides = array<i32>} : memref<16x128xf32, #tpu.memory_space<vmem>>, vector<1x16xf32>,
      %get3A_494 = vector.shape_cast %get3A_493 : vector<1x16xf32> to vector<16xf32>
      %mul3A_495 = arith.mulf %get3A_489, %get3A_494 : vector<16xf32>
      %add3A_496 = arith.addf %add3A_484, %mul3A_495 : vector<16xf32>
      %xor3A_497 = arith.constant 8 : i32
      %xor3A_498 = vector.broadcast %xor3A_497 : i32 to vector<16xi32>
      %xor3A_499 = arith.xori %iota3A, %xor3A_498 : vector<16xi32>
      %broadcast_in_dim3A_500 = vector.shape_cast %xor3A_499 : vector<16xi32> to vector<16x1xi32>
      %gather3A_501 = vector.shape_cast %broadcast_in_dim3A_500 : vector<16x1xi32> to vector<16xi32>
      %gather3A_502 = tpu.dynamic_gather %add3A_496[%gather3A_501] in [0] : vector<16xf32>, vector<16xi32> -> vector<16xf32>
      %add3A_503 = arith.addf %add3A_496, %gather3A_502 : vector<16xf32>
      %xor3A_504 = arith.constant 4 : i32
      %xor3A_505 = vector.broadcast %xor3A_504 : i32 to vector<16xi32>
      %xor3A_506 = arith.xori %iota3A, %xor3A_505 : vector<16xi32>
      %broadcast_in_dim3A_507 = vector.shape_cast %xor3A_506 : vector<16xi32> to vector<16x1xi32>
      %gather3A_508 = vector.shape_cast %broadcast_in_dim3A_507 : vector<16x1xi32> to vector<16xi32>
      %gather3A_509 = tpu.dynamic_gather %add3A_503[%gather3A_508] in [0] : vector<16xf32>, vector<16xi32> -> vector<16xf32>
      %add3A_510 = arith.addf %add3A_503, %gather3A_509 : vector<16xf32>
      %xor3A_511 = arith.constant 2 : i32
      %xor3A_512 = vector.broadcast %xor3A_511 : i32 to vector<16xi32>
      %xor3A_513 = arith.xori %iota3A, %xor3A_512 : vector<16xi32>
      %broadcast_in_dim3A_514 = vector.shape_cast %xor3A_513 : vector<16xi32> to vector<16x1xi32>
      %gather3A_515 = vector.shape_cast %broadcast_in_dim3A_514 : vector<16x1xi32> to vector<16xi32>
      %gather3A_516 = tpu.dynamic_gather %add3A_510[%gather3A_515] in [0] : vector<16xf32>, vector<16xi32> -> vector<16xf32>
      %add3A_517 = arith.addf %add3A_510, %gather3A_516 : vector<16xf32>
      %xor3A_518 = arith.constant 1 : i32
      %xor3A_519 = vector.broadcast %xor3A_518 : i32 to vector<16xi32>
      %xor3A_520 = arith.xori %iota3A, %xor3A_519 : vector<16xi32>
      %broadcast_in_dim3A_521 = vector.shape_cast %xor3A_520 : vector<16xi32> to vector<16x1xi32>
      %gather3A_522 = vector.shape_cast %broadcast_in_dim3A_521 : vector<16x1xi32> to vector<16xi32>
      %gather3A_523 = tpu.dynamic_gather %add3A_517[%gather3A_522] in [0] : vector<16xf32>, vector<16xi32> -> vector<16xf32>
      %add3A_524 = arith.addf %add3A_517, %gather3A_523 : vector<16xf32>
      %eq3A_525 = arith.constant 3 : i32
      %eq3A_526 = vector.broadcast %eq3A_525 : i32 to vector<16xi32>
      %eq3A_527 = arith.cmpi eq, %iota3A, %eq3A_526 : vector<16xi32>
      %select_n3A_528 = arith.select %eq3A_527, %add3A_524, %select_n3A_398 : vector<16xi1>, vector<16xf32>
      %broadcast_in_dim3A_529 = arith.constant 0.000000e+00 : f32
      %broadcast_in_dim3A_530 = vector.broadcast %broadcast_in_dim3A_529 : f32 to vector<16xf32>
      %get3A_531 = arith.constant 4 : i32
      %get3A_532 = arith.index_cast %get3A_531 : i32 to index
      %get3A_533 = arith.constant 0 : index
      %get3A_534 = tpu.vector_load %arg9[%get3A_532, %get3A_533] {strides = array<i32>} : memref<16x128xf32, #tpu.memory_space<vmem>>, vector<1x16xf32>,
      %get3A_535 = vector.shape_cast %get3A_534 : vector<1x16xf32> to vector<16xf32>
      %get3A_536 = arith.constant 4 : i32
      %get3A_537 = arith.index_cast %get3A_536 : i32 to index
      %get3A_538 = arith.constant 0 : index
      %get3A_539 = tpu.vector_load %arg8[%get3A_537, %get3A_538] {strides = array<i32>} : memref<16x128xf32, #tpu.memory_space<vmem>>, vector<1x16xf32>,
      %get3A_540 = vector.shape_cast %get3A_539 : vector<1x16xf32> to vector<16xf32>
      %mul3A_541 = arith.mulf %get3A_535, %get3A_540 : vector<16xf32>
      %add3A_542 = arith.addf %broadcast_in_dim3A_530, %mul3A_541 : vector<16xf32>
      %get3A_543 = arith.constant 4 : i32
      %get3A_544 = arith.index_cast %get3A_543 : i32 to index
      %get3A_545 = arith.constant 16 : index
      %get3A_546 = tpu.vector_load %arg9[%get3A_544, %get3A_545] {strides = array<i32>} : memref<16x128xf32, #tpu.memory_space<vmem>>, vector<1x16xf32>,
      %get3A_547 = vector.shape_cast %get3A_546 : vector<1x16xf32> to vector<16xf32>
      %get3A_548 = arith.constant 4 : i32
      %get3A_549 = arith.index_cast %get3A_548 : i32 to index
      %get3A_550 = arith.constant 16 : index
      %get3A_551 = tpu.vector_load %arg8[%get3A_549, %get3A_550] {strides = array<i32>} : memref<16x128xf32, #tpu.memory_space<vmem>>, vector<1x16xf32>,
      %get3A_552 = vector.shape_cast %get3A_551 : vector<1x16xf32> to vector<16xf32>
      %mul3A_553 = arith.mulf %get3A_547, %get3A_552 : vector<16xf32>
      %add3A_554 = arith.addf %add3A_542, %mul3A_553 : vector<16xf32>
      %get3A_555 = arith.constant 4 : i32
      %get3A_556 = arith.index_cast %get3A_555 : i32 to index
      %get3A_557 = arith.constant 32 : index
      %get3A_558 = tpu.vector_load %arg9[%get3A_556, %get3A_557] {strides = array<i32>} : memref<16x128xf32, #tpu.memory_space<vmem>>, vector<1x16xf32>,
      %get3A_559 = vector.shape_cast %get3A_558 : vector<1x16xf32> to vector<16xf32>
      %get3A_560 = arith.constant 4 : i32
      %get3A_561 = arith.index_cast %get3A_560 : i32 to index
      %get3A_562 = arith.constant 32 : index
      %get3A_563 = tpu.vector_load %arg8[%get3A_561, %get3A_562] {strides = array<i32>} : memref<16x128xf32, #tpu.memory_space<vmem>>, vector<1x16xf32>,
      %get3A_564 = vector.shape_cast %get3A_563 : vector<1x16xf32> to vector<16xf32>
      %mul3A_565 = arith.mulf %get3A_559, %get3A_564 : vector<16xf32>
      %add3A_566 = arith.addf %add3A_554, %mul3A_565 : vector<16xf32>
      %get3A_567 = arith.constant 4 : i32
      %get3A_568 = arith.index_cast %get3A_567 : i32 to index
      %get3A_569 = arith.constant 48 : index
      %get3A_570 = tpu.vector_load %arg9[%get3A_568, %get3A_569] {strides = array<i32>} : memref<16x128xf32, #tpu.memory_space<vmem>>, vector<1x16xf32>,
      %get3A_571 = vector.shape_cast %get3A_570 : vector<1x16xf32> to vector<16xf32>
      %get3A_572 = arith.constant 4 : i32
      %get3A_573 = arith.index_cast %get3A_572 : i32 to index
      %get3A_574 = arith.constant 48 : index
      %get3A_575 = tpu.vector_load %arg8[%get3A_573, %get3A_574] {strides = array<i32>} : memref<16x128xf32, #tpu.memory_space<vmem>>, vector<1x16xf32>,
      %get3A_576 = vector.shape_cast %get3A_575 : vector<1x16xf32> to vector<16xf32>
      %mul3A_577 = arith.mulf %get3A_571, %get3A_576 : vector<16xf32>
      %add3A_578 = arith.addf %add3A_566, %mul3A_577 : vector<16xf32>
      %get3A_579 = arith.constant 4 : i32
      %get3A_580 = arith.index_cast %get3A_579 : i32 to index
      %get3A_581 = arith.constant 64 : index
      %get3A_582 = tpu.vector_load %arg9[%get3A_580, %get3A_581] {strides = array<i32>} : memref<16x128xf32, #tpu.memory_space<vmem>>, vector<1x16xf32>,
      %get3A_583 = vector.shape_cast %get3A_582 : vector<1x16xf32> to vector<16xf32>
      %get3A_584 = arith.constant 4 : i32
      %get3A_585 = arith.index_cast %get3A_584 : i32 to index
      %get3A_586 = arith.constant 64 : index
      %get3A_587 = tpu.vector_load %arg8[%get3A_585, %get3A_586] {strides = array<i32>} : memref<16x128xf32, #tpu.memory_space<vmem>>, vector<1x16xf32>,
      %get3A_588 = vector.shape_cast %get3A_587 : vector<1x16xf32> to vector<16xf32>
      %mul3A_589 = arith.mulf %get3A_583, %get3A_588 : vector<16xf32>
      %add3A_590 = arith.addf %add3A_578, %mul3A_589 : vector<16xf32>
      %get3A_591 = arith.constant 4 : i32
      %get3A_592 = arith.index_cast %get3A_591 : i32 to index
      %get3A_593 = arith.constant 80 : index
      %get3A_594 = tpu.vector_load %arg9[%get3A_592, %get3A_593] {strides = array<i32>} : memref<16x128xf32, #tpu.memory_space<vmem>>, vector<1x16xf32>,
      %get3A_595 = vector.shape_cast %get3A_594 : vector<1x16xf32> to vector<16xf32>
      %get3A_596 = arith.constant 4 : i32
      %get3A_597 = arith.index_cast %get3A_596 : i32 to index
      %get3A_598 = arith.constant 80 : index
      %get3A_599 = tpu.vector_load %arg8[%get3A_597, %get3A_598] {strides = array<i32>} : memref<16x128xf32, #tpu.memory_space<vmem>>, vector<1x16xf32>,
      %get3A_600 = vector.shape_cast %get3A_599 : vector<1x16xf32> to vector<16xf32>
      %mul3A_601 = arith.mulf %get3A_595, %get3A_600 : vector<16xf32>
      %add3A_602 = arith.addf %add3A_590, %mul3A_601 : vector<16xf32>
      %get3A_603 = arith.constant 4 : i32
      %get3A_604 = arith.index_cast %get3A_603 : i32 to index
      %get3A_605 = arith.constant 96 : index
      %get3A_606 = tpu.vector_load %arg9[%get3A_604, %get3A_605] {strides = array<i32>} : memref<16x128xf32, #tpu.memory_space<vmem>>, vector<1x16xf32>,
      %get3A_607 = vector.shape_cast %get3A_606 : vector<1x16xf32> to vector<16xf32>
      %get3A_608 = arith.constant 4 : i32
      %get3A_609 = arith.index_cast %get3A_608 : i32 to index
      %get3A_610 = arith.constant 96 : index
      %get3A_611 = tpu.vector_load %arg8[%get3A_609, %get3A_610] {strides = array<i32>} : memref<16x128xf32, #tpu.memory_space<vmem>>, vector<1x16xf32>,
      %get3A_612 = vector.shape_cast %get3A_611 : vector<1x16xf32> to vector<16xf32>
      %mul3A_613 = arith.mulf %get3A_607, %get3A_612 : vector<16xf32>
      %add3A_614 = arith.addf %add3A_602, %mul3A_613 : vector<16xf32>
      %get3A_615 = arith.constant 4 : i32
      %get3A_616 = arith.index_cast %get3A_615 : i32 to index
      %get3A_617 = arith.constant 112 : index
      %get3A_618 = tpu.vector_load %arg9[%get3A_616, %get3A_617] {strides = array<i32>} : memref<16x128xf32, #tpu.memory_space<vmem>>, vector<1x16xf32>,
      %get3A_619 = vector.shape_cast %get3A_618 : vector<1x16xf32> to vector<16xf32>
      %get3A_620 = arith.constant 4 : i32
      %get3A_621 = arith.index_cast %get3A_620 : i32 to index
      %get3A_622 = arith.constant 112 : index
      %get3A_623 = tpu.vector_load %arg8[%get3A_621, %get3A_622] {strides = array<i32>} : memref<16x128xf32, #tpu.memory_space<vmem>>, vector<1x16xf32>,
      %get3A_624 = vector.shape_cast %get3A_623 : vector<1x16xf32> to vector<16xf32>
      %mul3A_625 = arith.mulf %get3A_619, %get3A_624 : vector<16xf32>
      %add3A_626 = arith.addf %add3A_614, %mul3A_625 : vector<16xf32>
      %xor3A_627 = arith.constant 8 : i32
      %xor3A_628 = vector.broadcast %xor3A_627 : i32 to vector<16xi32>
      %xor3A_629 = arith.xori %iota3A, %xor3A_628 : vector<16xi32>
      %broadcast_in_dim3A_630 = vector.shape_cast %xor3A_629 : vector<16xi32> to vector<16x1xi32>
      %gather3A_631 = vector.shape_cast %broadcast_in_dim3A_630 : vector<16x1xi32> to vector<16xi32>
      %gather3A_632 = tpu.dynamic_gather %add3A_626[%gather3A_631] in [0] : vector<16xf32>, vector<16xi32> -> vector<16xf32>
      %add3A_633 = arith.addf %add3A_626, %gather3A_632 : vector<16xf32>
      %xor3A_634 = arith.constant 4 : i32
      %xor3A_635 = vector.broadcast %xor3A_634 : i32 to vector<16xi32>
      %xor3A_636 = arith.xori %iota3A, %xor3A_635 : vector<16xi32>
      %broadcast_in_dim3A_637 = vector.shape_cast %xor3A_636 : vector<16xi32> to vector<16x1xi32>
      %gather3A_638 = vector.shape_cast %broadcast_in_dim3A_637 : vector<16x1xi32> to vector<16xi32>
      %gather3A_639 = tpu.dynamic_gather %add3A_633[%gather3A_638] in [0] : vector<16xf32>, vector<16xi32> -> vector<16xf32>
      %add3A_640 = arith.addf %add3A_633, %gather3A_639 : vector<16xf32>
      %xor3A_641 = arith.constant 2 : i32
      %xor3A_642 = vector.broadcast %xor3A_641 : i32 to vector<16xi32>
      %xor3A_643 = arith.xori %iota3A, %xor3A_642 : vector<16xi32>
      %broadcast_in_dim3A_644 = vector.shape_cast %xor3A_643 : vector<16xi32> to vector<16x1xi32>
      %gather3A_645 = vector.shape_cast %broadcast_in_dim3A_644 : vector<16x1xi32> to vector<16xi32>
      %gather3A_646 = tpu.dynamic_gather %add3A_640[%gather3A_645] in [0] : vector<16xf32>, vector<16xi32> -> vector<16xf32>
      %add3A_647 = arith.addf %add3A_640, %gather3A_646 : vector<16xf32>
      %xor3A_648 = arith.constant 1 : i32
      %xor3A_649 = vector.broadcast %xor3A_648 : i32 to vector<16xi32>
      %xor3A_650 = arith.xori %iota3A, %xor3A_649 : vector<16xi32>
      %broadcast_in_dim3A_651 = vector.shape_cast %xor3A_650 : vector<16xi32> to vector<16x1xi32>
      %gather3A_652 = vector.shape_cast %broadcast_in_dim3A_651 : vector<16x1xi32> to vector<16xi32>
      %gather3A_653 = tpu.dynamic_gather %add3A_647[%gather3A_652] in [0] : vector<16xf32>, vector<16xi32> -> vector<16xf32>
      %add3A_654 = arith.addf %add3A_647, %gather3A_653 : vector<16xf32>
      %eq3A_655 = arith.constant 4 : i32
      %eq3A_656 = vector.broadcast %eq3A_655 : i32 to vector<16xi32>
      %eq3A_657 = arith.cmpi eq, %iota3A, %eq3A_656 : vector<16xi32>
      %select_n3A_658 = arith.select %eq3A_657, %add3A_654, %select_n3A_528 : vector<16xi1>, vector<16xf32>
      %broadcast_in_dim3A_659 = arith.constant 0.000000e+00 : f32
      %broadcast_in_dim3A_660 = vector.broadcast %broadcast_in_dim3A_659 : f32 to vector<16xf32>
      %get3A_661 = arith.constant 5 : i32
      %get3A_662 = arith.index_cast %get3A_661 : i32 to index
      %get3A_663 = arith.constant 0 : index
      %get3A_664 = tpu.vector_load %arg9[%get3A_662, %get3A_663] {strides = array<i32>} : memref<16x128xf32, #tpu.memory_space<vmem>>, vector<1x16xf32>,
      %get3A_665 = vector.shape_cast %get3A_664 : vector<1x16xf32> to vector<16xf32>
      %get3A_666 = arith.constant 5 : i32
      %get3A_667 = arith.index_cast %get3A_666 : i32 to index
      %get3A_668 = arith.constant 0 : index
      %get3A_669 = tpu.vector_load %arg8[%get3A_667, %get3A_668] {strides = array<i32>} : memref<16x128xf32, #tpu.memory_space<vmem>>, vector<1x16xf32>,
      %get3A_670 = vector.shape_cast %get3A_669 : vector<1x16xf32> to vector<16xf32>
      %mul3A_671 = arith.mulf %get3A_665, %get3A_670 : vector<16xf32>
      %add3A_672 = arith.addf %broadcast_in_dim3A_660, %mul3A_671 : vector<16xf32>
      %get3A_673 = arith.constant 5 : i32
      %get3A_674 = arith.index_cast %get3A_673 : i32 to index
      %get3A_675 = arith.constant 16 : index
      %get3A_676 = tpu.vector_load %arg9[%get3A_674, %get3A_675] {strides = array<i32>} : memref<16x128xf32, #tpu.memory_space<vmem>>, vector<1x16xf32>,
      %get3A_677 = vector.shape_cast %get3A_676 : vector<1x16xf32> to vector<16xf32>
      %get3A_678 = arith.constant 5 : i32
      %get3A_679 = arith.index_cast %get3A_678 : i32 to index
      %get3A_680 = arith.constant 16 : index
      %get3A_681 = tpu.vector_load %arg8[%get3A_679, %get3A_680] {strides = array<i32>} : memref<16x128xf32, #tpu.memory_space<vmem>>, vector<1x16xf32>,
      %get3A_682 = vector.shape_cast %get3A_681 : vector<1x16xf32> to vector<16xf32>
      %mul3A_683 = arith.mulf %get3A_677, %get3A_682 : vector<16xf32>
      %add3A_684 = arith.addf %add3A_672, %mul3A_683 : vector<16xf32>
      %get3A_685 = arith.constant 5 : i32
      %get3A_686 = arith.index_cast %get3A_685 : i32 to index
      %get3A_687 = arith.constant 32 : index
      %get3A_688 = tpu.vector_load %arg9[%get3A_686, %get3A_687] {strides = array<i32>} : memref<16x128xf32, #tpu.memory_space<vmem>>, vector<1x16xf32>,
      %get3A_689 = vector.shape_cast %get3A_688 : vector<1x16xf32> to vector<16xf32>
      %get3A_690 = arith.constant 5 : i32
      %get3A_691 = arith.index_cast %get3A_690 : i32 to index
      %get3A_692 = arith.constant 32 : index
      %get3A_693 = tpu.vector_load %arg8[%get3A_691, %get3A_692] {strides = array<i32>} : memref<16x128xf32, #tpu.memory_space<vmem>>, vector<1x16xf32>,
      %get3A_694 = vector.shape_cast %get3A_693 : vector<1x16xf32> to vector<16xf32>
      %mul3A_695 = arith.mulf %get3A_689, %get3A_694 : vector<16xf32>
      %add3A_696 = arith.addf %add3A_684, %mul3A_695 : vector<16xf32>
      %get3A_697 = arith.constant 5 : i32
      %get3A_698 = arith.index_cast %get3A_697 : i32 to index
      %get3A_699 = arith.constant 48 : index
      %get3A_700 = tpu.vector_load %arg9[%get3A_698, %get3A_699] {strides = array<i32>} : memref<16x128xf32, #tpu.memory_space<vmem>>, vector<1x16xf32>,
      %get3A_701 = vector.shape_cast %get3A_700 : vector<1x16xf32> to vector<16xf32>
      %get3A_702 = arith.constant 5 : i32
      %get3A_703 = arith.index_cast %get3A_702 : i32 to index
      %get3A_704 = arith.constant 48 : index
      %get3A_705 = tpu.vector_load %arg8[%get3A_703, %get3A_704] {strides = array<i32>} : memref<16x128xf32, #tpu.memory_space<vmem>>, vector<1x16xf32>,
      %get3A_706 = vector.shape_cast %get3A_705 : vector<1x16xf32> to vector<16xf32>
      %mul3A_707 = arith.mulf %get3A_701, %get3A_706 : vector<16xf32>
      %add3A_708 = arith.addf %add3A_696, %mul3A_707 : vector<16xf32>
      %get3A_709 = arith.constant 5 : i32
      %get3A_710 = arith.index_cast %get3A_709 : i32 to index
      %get3A_711 = arith.constant 64 : index
      %get3A_712 = tpu.vector_load %arg9[%get3A_710, %get3A_711] {strides = array<i32>} : memref<16x128xf32, #tpu.memory_space<vmem>>, vector<1x16xf32>,
      %get3A_713 = vector.shape_cast %get3A_712 : vector<1x16xf32> to vector<16xf32>
      %get3A_714 = arith.constant 5 : i32
      %get3A_715 = arith.index_cast %get3A_714 : i32 to index
      %get3A_716 = arith.constant 64 : index
      %get3A_717 = tpu.vector_load %arg8[%get3A_715, %get3A_716] {strides = array<i32>} : memref<16x128xf32, #tpu.memory_space<vmem>>, vector<1x16xf32>,
      %get3A_718 = vector.shape_cast %get3A_717 : vector<1x16xf32> to vector<16xf32>
      %mul3A_719 = arith.mulf %get3A_713, %get3A_718 : vector<16xf32>
      %add3A_720 = arith.addf %add3A_708, %mul3A_719 : vector<16xf32>
      %get3A_721 = arith.constant 5 : i32
      %get3A_722 = arith.index_cast %get3A_721 : i32 to index
      %get3A_723 = arith.constant 80 : index
      %get3A_724 = tpu.vector_load %arg9[%get3A_722, %get3A_723] {strides = array<i32>} : memref<16x128xf32, #tpu.memory_space<vmem>>, vector<1x16xf32>,
      %get3A_725 = vector.shape_cast %get3A_724 : vector<1x16xf32> to vector<16xf32>
      %get3A_726 = arith.constant 5 : i32
      %get3A_727 = arith.index_cast %get3A_726 : i32 to index
      %get3A_728 = arith.constant 80 : index
      %get3A_729 = tpu.vector_load %arg8[%get3A_727, %get3A_728] {strides = array<i32>} : memref<16x128xf32, #tpu.memory_space<vmem>>, vector<1x16xf32>,
      %get3A_730 = vector.shape_cast %get3A_729 : vector<1x16xf32> to vector<16xf32>
      %mul3A_731 = arith.mulf %get3A_725, %get3A_730 : vector<16xf32>
      %add3A_732 = arith.addf %add3A_720, %mul3A_731 : vector<16xf32>
      %get3A_733 = arith.constant 5 : i32
      %get3A_734 = arith.index_cast %get3A_733 : i32 to index
      %get3A_735 = arith.constant 96 : index
      %get3A_736 = tpu.vector_load %arg9[%get3A_734, %get3A_735] {strides = array<i32>} : memref<16x128xf32, #tpu.memory_space<vmem>>, vector<1x16xf32>,
      %get3A_737 = vector.shape_cast %get3A_736 : vector<1x16xf32> to vector<16xf32>
      %get3A_738 = arith.constant 5 : i32
      %get3A_739 = arith.index_cast %get3A_738 : i32 to index
      %get3A_740 = arith.constant 96 : index
      %get3A_741 = tpu.vector_load %arg8[%get3A_739, %get3A_740] {strides = array<i32>} : memref<16x128xf32, #tpu.memory_space<vmem>>, vector<1x16xf32>,
      %get3A_742 = vector.shape_cast %get3A_741 : vector<1x16xf32> to vector<16xf32>
      %mul3A_743 = arith.mulf %get3A_737, %get3A_742 : vector<16xf32>
      %add3A_744 = arith.addf %add3A_732, %mul3A_743 : vector<16xf32>
      %get3A_745 = arith.constant 5 : i32
      %get3A_746 = arith.index_cast %get3A_745 : i32 to index
      %get3A_747 = arith.constant 112 : index
      %get3A_748 = tpu.vector_load %arg9[%get3A_746, %get3A_747] {strides = array<i32>} : memref<16x128xf32, #tpu.memory_space<vmem>>, vector<1x16xf32>,
      %get3A_749 = vector.shape_cast %get3A_748 : vector<1x16xf32> to vector<16xf32>
      %get3A_750 = arith.constant 5 : i32
      %get3A_751 = arith.index_cast %get3A_750 : i32 to index
      %get3A_752 = arith.constant 112 : index
      %get3A_753 = tpu.vector_load %arg8[%get3A_751, %get3A_752] {strides = array<i32>} : memref<16x128xf32, #tpu.memory_space<vmem>>, vector<1x16xf32>,
      %get3A_754 = vector.shape_cast %get3A_753 : vector<1x16xf32> to vector<16xf32>
      %mul3A_755 = arith.mulf %get3A_749, %get3A_754 : vector<16xf32>
      %add3A_756 = arith.addf %add3A_744, %mul3A_755 : vector<16xf32>
      %xor3A_757 = arith.constant 8 : i32
      %xor3A_758 = vector.broadcast %xor3A_757 : i32 to vector<16xi32>
      %xor3A_759 = arith.xori %iota3A, %xor3A_758 : vector<16xi32>
      %broadcast_in_dim3A_760 = vector.shape_cast %xor3A_759 : vector<16xi32> to vector<16x1xi32>
      %gather3A_761 = vector.shape_cast %broadcast_in_dim3A_760 : vector<16x1xi32> to vector<16xi32>
      %gather3A_762 = tpu.dynamic_gather %add3A_756[%gather3A_761] in [0] : vector<16xf32>, vector<16xi32> -> vector<16xf32>
      %add3A_763 = arith.addf %add3A_756, %gather3A_762 : vector<16xf32>
      %xor3A_764 = arith.constant 4 : i32
      %xor3A_765 = vector.broadcast %xor3A_764 : i32 to vector<16xi32>
      %xor3A_766 = arith.xori %iota3A, %xor3A_765 : vector<16xi32>
      %broadcast_in_dim3A_767 = vector.shape_cast %xor3A_766 : vector<16xi32> to vector<16x1xi32>
      %gather3A_768 = vector.shape_cast %broadcast_in_dim3A_767 : vector<16x1xi32> to vector<16xi32>
      %gather3A_769 = tpu.dynamic_gather %add3A_763[%gather3A_768] in [0] : vector<16xf32>, vector<16xi32> -> vector<16xf32>
      %add3A_770 = arith.addf %add3A_763, %gather3A_769 : vector<16xf32>
      %xor3A_771 = arith.constant 2 : i32
      %xor3A_772 = vector.broadcast %xor3A_771 : i32 to vector<16xi32>
      %xor3A_773 = arith.xori %iota3A, %xor3A_772 : vector<16xi32>
      %broadcast_in_dim3A_774 = vector.shape_cast %xor3A_773 : vector<16xi32> to vector<16x1xi32>
      %gather3A_775 = vector.shape_cast %broadcast_in_dim3A_774 : vector<16x1xi32> to vector<16xi32>
      %gather3A_776 = tpu.dynamic_gather %add3A_770[%gather3A_775] in [0] : vector<16xf32>, vector<16xi32> -> vector<16xf32>
      %add3A_777 = arith.addf %add3A_770, %gather3A_776 : vector<16xf32>
      %xor3A_778 = arith.constant 1 : i32
      %xor3A_779 = vector.broadcast %xor3A_778 : i32 to vector<16xi32>
      %xor3A_780 = arith.xori %iota3A, %xor3A_779 : vector<16xi32>
      %broadcast_in_dim3A_781 = vector.shape_cast %xor3A_780 : vector<16xi32> to vector<16x1xi32>
      %gather3A_782 = vector.shape_cast %broadcast_in_dim3A_781 : vector<16x1xi32> to vector<16xi32>
      %gather3A_783 = tpu.dynamic_gather %add3A_777[%gather3A_782] in [0] : vector<16xf32>, vector<16xi32> -> vector<16xf32>
      %add3A_784 = arith.addf %add3A_777, %gather3A_783 : vector<16xf32>
      %eq3A_785 = arith.constant 5 : i32
      %eq3A_786 = vector.broadcast %eq3A_785 : i32 to vector<16xi32>
      %eq3A_787 = arith.cmpi eq, %iota3A, %eq3A_786 : vector<16xi32>
      %select_n3A_788 = arith.select %eq3A_787, %add3A_784, %select_n3A_658 : vector<16xi1>, vector<16xf32>
      %broadcast_in_dim3A_789 = arith.constant 0.000000e+00 : f32
      %broadcast_in_dim3A_790 = vector.broadcast %broadcast_in_dim3A_789 : f32 to vector<16xf32>
      %get3A_791 = arith.constant 6 : i32
      %get3A_792 = arith.index_cast %get3A_791 : i32 to index
      %get3A_793 = arith.constant 0 : index
      %get3A_794 = tpu.vector_load %arg9[%get3A_792, %get3A_793] {strides = array<i32>} : memref<16x128xf32, #tpu.memory_space<vmem>>, vector<1x16xf32>,
      %get3A_795 = vector.shape_cast %get3A_794 : vector<1x16xf32> to vector<16xf32>
      %get3A_796 = arith.constant 6 : i32
      %get3A_797 = arith.index_cast %get3A_796 : i32 to index
      %get3A_798 = arith.constant 0 : index
      %get3A_799 = tpu.vector_load %arg8[%get3A_797, %get3A_798] {strides = array<i32>} : memref<16x128xf32, #tpu.memory_space<vmem>>, vector<1x16xf32>,
      %get3A_800 = vector.shape_cast %get3A_799 : vector<1x16xf32> to vector<16xf32>
      %mul3A_801 = arith.mulf %get3A_795, %get3A_800 : vector<16xf32>
      %add3A_802 = arith.addf %broadcast_in_dim3A_790, %mul3A_801 : vector<16xf32>
      %get3A_803 = arith.constant 6 : i32
      %get3A_804 = arith.index_cast %get3A_803 : i32 to index
      %get3A_805 = arith.constant 16 : index
      %get3A_806 = tpu.vector_load %arg9[%get3A_804, %get3A_805] {strides = array<i32>} : memref<16x128xf32, #tpu.memory_space<vmem>>, vector<1x16xf32>,
      %get3A_807 = vector.shape_cast %get3A_806 : vector<1x16xf32> to vector<16xf32>
      %get3A_808 = arith.constant 6 : i32
      %get3A_809 = arith.index_cast %get3A_808 : i32 to index
      %get3A_810 = arith.constant 16 : index
      %get3A_811 = tpu.vector_load %arg8[%get3A_809, %get3A_810] {strides = array<i32>} : memref<16x128xf32, #tpu.memory_space<vmem>>, vector<1x16xf32>,
      %get3A_812 = vector.shape_cast %get3A_811 : vector<1x16xf32> to vector<16xf32>
      %mul3A_813 = arith.mulf %get3A_807, %get3A_812 : vector<16xf32>
      %add3A_814 = arith.addf %add3A_802, %mul3A_813 : vector<16xf32>
      %get3A_815 = arith.constant 6 : i32
      %get3A_816 = arith.index_cast %get3A_815 : i32 to index
      %get3A_817 = arith.constant 32 : index
      %get3A_818 = tpu.vector_load %arg9[%get3A_816, %get3A_817] {strides = array<i32>} : memref<16x128xf32, #tpu.memory_space<vmem>>, vector<1x16xf32>,
      %get3A_819 = vector.shape_cast %get3A_818 : vector<1x16xf32> to vector<16xf32>
      %get3A_820 = arith.constant 6 : i32
      %get3A_821 = arith.index_cast %get3A_820 : i32 to index
      %get3A_822 = arith.constant 32 : index
      %get3A_823 = tpu.vector_load %arg8[%get3A_821, %get3A_822] {strides = array<i32>} : memref<16x128xf32, #tpu.memory_space<vmem>>, vector<1x16xf32>,
      %get3A_824 = vector.shape_cast %get3A_823 : vector<1x16xf32> to vector<16xf32>
      %mul3A_825 = arith.mulf %get3A_819, %get3A_824 : vector<16xf32>
      %add3A_826 = arith.addf %add3A_814, %mul3A_825 : vector<16xf32>
      %get3A_827 = arith.constant 6 : i32
      %get3A_828 = arith.index_cast %get3A_827 : i32 to index
      %get3A_829 = arith.constant 48 : index
      %get3A_830 = tpu.vector_load %arg9[%get3A_828, %get3A_829] {strides = array<i32>} : memref<16x128xf32, #tpu.memory_space<vmem>>, vector<1x16xf32>,
      %get3A_831 = vector.shape_cast %get3A_830 : vector<1x16xf32> to vector<16xf32>
      %get3A_832 = arith.constant 6 : i32
      %get3A_833 = arith.index_cast %get3A_832 : i32 to index
      %get3A_834 = arith.constant 48 : index
      %get3A_835 = tpu.vector_load %arg8[%get3A_833, %get3A_834] {strides = array<i32>} : memref<16x128xf32, #tpu.memory_space<vmem>>, vector<1x16xf32>,
      %get3A_836 = vector.shape_cast %get3A_835 : vector<1x16xf32> to vector<16xf32>
      %mul3A_837 = arith.mulf %get3A_831, %get3A_836 : vector<16xf32>
      %add3A_838 = arith.addf %add3A_826, %mul3A_837 : vector<16xf32>
      %get3A_839 = arith.constant 6 : i32
      %get3A_840 = arith.index_cast %get3A_839 : i32 to index
      %get3A_841 = arith.constant 64 : index
      %get3A_842 = tpu.vector_load %arg9[%get3A_840, %get3A_841] {strides = array<i32>} : memref<16x128xf32, #tpu.memory_space<vmem>>, vector<1x16xf32>,
      %get3A_843 = vector.shape_cast %get3A_842 : vector<1x16xf32> to vector<16xf32>
      %get3A_844 = arith.constant 6 : i32
      %get3A_845 = arith.index_cast %get3A_844 : i32 to index
      %get3A_846 = arith.constant 64 : index
      %get3A_847 = tpu.vector_load %arg8[%get3A_845, %get3A_846] {strides = array<i32>} : memref<16x128xf32, #tpu.memory_space<vmem>>, vector<1x16xf32>,
      %get3A_848 = vector.shape_cast %get3A_847 : vector<1x16xf32> to vector<16xf32>
      %mul3A_849 = arith.mulf %get3A_843, %get3A_848 : vector<16xf32>
      %add3A_850 = arith.addf %add3A_838, %mul3A_849 : vector<16xf32>
      %get3A_851 = arith.constant 6 : i32
      %get3A_852 = arith.index_cast %get3A_851 : i32 to index
      %get3A_853 = arith.constant 80 : index
      %get3A_854 = tpu.vector_load %arg9[%get3A_852, %get3A_853] {strides = array<i32>} : memref<16x128xf32, #tpu.memory_space<vmem>>, vector<1x16xf32>,
      %get3A_855 = vector.shape_cast %get3A_854 : vector<1x16xf32> to vector<16xf32>
      %get3A_856 = arith.constant 6 : i32
      %get3A_857 = arith.index_cast %get3A_856 : i32 to index
      %get3A_858 = arith.constant 80 : index
      %get3A_859 = tpu.vector_load %arg8[%get3A_857, %get3A_858] {strides = array<i32>} : memref<16x128xf32, #tpu.memory_space<vmem>>, vector<1x16xf32>,
      %get3A_860 = vector.shape_cast %get3A_859 : vector<1x16xf32> to vector<16xf32>
      %mul3A_861 = arith.mulf %get3A_855, %get3A_860 : vector<16xf32>
      %add3A_862 = arith.addf %add3A_850, %mul3A_861 : vector<16xf32>
      %get3A_863 = arith.constant 6 : i32
      %get3A_864 = arith.index_cast %get3A_863 : i32 to index
      %get3A_865 = arith.constant 96 : index
      %get3A_866 = tpu.vector_load %arg9[%get3A_864, %get3A_865] {strides = array<i32>} : memref<16x128xf32, #tpu.memory_space<vmem>>, vector<1x16xf32>,
      %get3A_867 = vector.shape_cast %get3A_866 : vector<1x16xf32> to vector<16xf32>
      %get3A_868 = arith.constant 6 : i32
      %get3A_869 = arith.index_cast %get3A_868 : i32 to index
      %get3A_870 = arith.constant 96 : index
      %get3A_871 = tpu.vector_load %arg8[%get3A_869, %get3A_870] {strides = array<i32>} : memref<16x128xf32, #tpu.memory_space<vmem>>, vector<1x16xf32>,
      %get3A_872 = vector.shape_cast %get3A_871 : vector<1x16xf32> to vector<16xf32>
      %mul3A_873 = arith.mulf %get3A_867, %get3A_872 : vector<16xf32>
      %add3A_874 = arith.addf %add3A_862, %mul3A_873 : vector<16xf32>
      %get3A_875 = arith.constant 6 : i32
      %get3A_876 = arith.index_cast %get3A_875 : i32 to index
      %get3A_877 = arith.constant 112 : index
      %get3A_878 = tpu.vector_load %arg9[%get3A_876, %get3A_877] {strides = array<i32>} : memref<16x128xf32, #tpu.memory_space<vmem>>, vector<1x16xf32>,
      %get3A_879 = vector.shape_cast %get3A_878 : vector<1x16xf32> to vector<16xf32>
      %get3A_880 = arith.constant 6 : i32
      %get3A_881 = arith.index_cast %get3A_880 : i32 to index
      %get3A_882 = arith.constant 112 : index
      %get3A_883 = tpu.vector_load %arg8[%get3A_881, %get3A_882] {strides = array<i32>} : memref<16x128xf32, #tpu.memory_space<vmem>>, vector<1x16xf32>,
      %get3A_884 = vector.shape_cast %get3A_883 : vector<1x16xf32> to vector<16xf32>
      %mul3A_885 = arith.mulf %get3A_879, %get3A_884 : vector<16xf32>
      %add3A_886 = arith.addf %add3A_874, %mul3A_885 : vector<16xf32>
      %xor3A_887 = arith.constant 8 : i32
      %xor3A_888 = vector.broadcast %xor3A_887 : i32 to vector<16xi32>
      %xor3A_889 = arith.xori %iota3A, %xor3A_888 : vector<16xi32>
      %broadcast_in_dim3A_890 = vector.shape_cast %xor3A_889 : vector<16xi32> to vector<16x1xi32>
      %gather3A_891 = vector.shape_cast %broadcast_in_dim3A_890 : vector<16x1xi32> to vector<16xi32>
      %gather3A_892 = tpu.dynamic_gather %add3A_886[%gather3A_891] in [0] : vector<16xf32>, vector<16xi32> -> vector<16xf32>
      %add3A_893 = arith.addf %add3A_886, %gather3A_892 : vector<16xf32>
      %xor3A_894 = arith.constant 4 : i32
      %xor3A_895 = vector.broadcast %xor3A_894 : i32 to vector<16xi32>
      %xor3A_896 = arith.xori %iota3A, %xor3A_895 : vector<16xi32>
      %broadcast_in_dim3A_897 = vector.shape_cast %xor3A_896 : vector<16xi32> to vector<16x1xi32>
      %gather3A_898 = vector.shape_cast %broadcast_in_dim3A_897 : vector<16x1xi32> to vector<16xi32>
      %gather3A_899 = tpu.dynamic_gather %add3A_893[%gather3A_898] in [0] : vector<16xf32>, vector<16xi32> -> vector<16xf32>
      %add3A_900 = arith.addf %add3A_893, %gather3A_899 : vector<16xf32>
      %xor3A_901 = arith.constant 2 : i32
      %xor3A_902 = vector.broadcast %xor3A_901 : i32 to vector<16xi32>
      %xor3A_903 = arith.xori %iota3A, %xor3A_902 : vector<16xi32>
      %broadcast_in_dim3A_904 = vector.shape_cast %xor3A_903 : vector<16xi32> to vector<16x1xi32>
      %gather3A_905 = vector.shape_cast %broadcast_in_dim3A_904 : vector<16x1xi32> to vector<16xi32>
      %gather3A_906 = tpu.dynamic_gather %add3A_900[%gather3A_905] in [0] : vector<16xf32>, vector<16xi32> -> vector<16xf32>
      %add3A_907 = arith.addf %add3A_900, %gather3A_906 : vector<16xf32>
      %xor3A_908 = arith.constant 1 : i32
      %xor3A_909 = vector.broadcast %xor3A_908 : i32 to vector<16xi32>
      %xor3A_910 = arith.xori %iota3A, %xor3A_909 : vector<16xi32>
      %broadcast_in_dim3A_911 = vector.shape_cast %xor3A_910 : vector<16xi32> to vector<16x1xi32>
      %gather3A_912 = vector.shape_cast %broadcast_in_dim3A_911 : vector<16x1xi32> to vector<16xi32>
      %gather3A_913 = tpu.dynamic_gather %add3A_907[%gather3A_912] in [0] : vector<16xf32>, vector<16xi32> -> vector<16xf32>
      %add3A_914 = arith.addf %add3A_907, %gather3A_913 : vector<16xf32>
      %eq3A_915 = arith.constant 6 : i32
      %eq3A_916 = vector.broadcast %eq3A_915 : i32 to vector<16xi32>
      %eq3A_917 = arith.cmpi eq, %iota3A, %eq3A_916 : vector<16xi32>
      %select_n3A_918 = arith.select %eq3A_917, %add3A_914, %select_n3A_788 : vector<16xi1>, vector<16xf32>
      %broadcast_in_dim3A_919 = arith.constant 0.000000e+00 : f32
      %broadcast_in_dim3A_920 = vector.broadcast %broadcast_in_dim3A_919 : f32 to vector<16xf32>
      %get3A_921 = arith.constant 7 : i32
      %get3A_922 = arith.index_cast %get3A_921 : i32 to index
      %get3A_923 = arith.constant 0 : index
      %get3A_924 = tpu.vector_load %arg9[%get3A_922, %get3A_923] {strides = array<i32>} : memref<16x128xf32, #tpu.memory_space<vmem>>, vector<1x16xf32>,
      %get3A_925 = vector.shape_cast %get3A_924 : vector<1x16xf32> to vector<16xf32>
      %get3A_926 = arith.constant 7 : i32
      %get3A_927 = arith.index_cast %get3A_926 : i32 to index
      %get3A_928 = arith.constant 0 : index
      %get3A_929 = tpu.vector_load %arg8[%get3A_927, %get3A_928] {strides = array<i32>} : memref<16x128xf32, #tpu.memory_space<vmem>>, vector<1x16xf32>,
      %get3A_930 = vector.shape_cast %get3A_929 : vector<1x16xf32> to vector<16xf32>
      %mul3A_931 = arith.mulf %get3A_925, %get3A_930 : vector<16xf32>
      %add3A_932 = arith.addf %broadcast_in_dim3A_920, %mul3A_931 : vector<16xf32>
      %get3A_933 = arith.constant 7 : i32
      %get3A_934 = arith.index_cast %get3A_933 : i32 to index
      %get3A_935 = arith.constant 16 : index
      %get3A_936 = tpu.vector_load %arg9[%get3A_934, %get3A_935] {strides = array<i32>} : memref<16x128xf32, #tpu.memory_space<vmem>>, vector<1x16xf32>,
      %get3A_937 = vector.shape_cast %get3A_936 : vector<1x16xf32> to vector<16xf32>
      %get3A_938 = arith.constant 7 : i32
      %get3A_939 = arith.index_cast %get3A_938 : i32 to index
      %get3A_940 = arith.constant 16 : index
      %get3A_941 = tpu.vector_load %arg8[%get3A_939, %get3A_940] {strides = array<i32>} : memref<16x128xf32, #tpu.memory_space<vmem>>, vector<1x16xf32>,
      %get3A_942 = vector.shape_cast %get3A_941 : vector<1x16xf32> to vector<16xf32>
      %mul3A_943 = arith.mulf %get3A_937, %get3A_942 : vector<16xf32>
      %add3A_944 = arith.addf %add3A_932, %mul3A_943 : vector<16xf32>
      %get3A_945 = arith.constant 7 : i32
      %get3A_946 = arith.index_cast %get3A_945 : i32 to index
      %get3A_947 = arith.constant 32 : index
      %get3A_948 = tpu.vector_load %arg9[%get3A_946, %get3A_947] {strides = array<i32>} : memref<16x128xf32, #tpu.memory_space<vmem>>, vector<1x16xf32>,
      %get3A_949 = vector.shape_cast %get3A_948 : vector<1x16xf32> to vector<16xf32>
      %get3A_950 = arith.constant 7 : i32
      %get3A_951 = arith.index_cast %get3A_950 : i32 to index
      %get3A_952 = arith.constant 32 : index
      %get3A_953 = tpu.vector_load %arg8[%get3A_951, %get3A_952] {strides = array<i32>} : memref<16x128xf32, #tpu.memory_space<vmem>>, vector<1x16xf32>,
      %get3A_954 = vector.shape_cast %get3A_953 : vector<1x16xf32> to vector<16xf32>
      %mul3A_955 = arith.mulf %get3A_949, %get3A_954 : vector<16xf32>
      %add3A_956 = arith.addf %add3A_944, %mul3A_955 : vector<16xf32>
      %get3A_957 = arith.constant 7 : i32
      %get3A_958 = arith.index_cast %get3A_957 : i32 to index
      %get3A_959 = arith.constant 48 : index
      %get3A_960 = tpu.vector_load %arg9[%get3A_958, %get3A_959] {strides = array<i32>} : memref<16x128xf32, #tpu.memory_space<vmem>>, vector<1x16xf32>,
      %get3A_961 = vector.shape_cast %get3A_960 : vector<1x16xf32> to vector<16xf32>
      %get3A_962 = arith.constant 7 : i32
      %get3A_963 = arith.index_cast %get3A_962 : i32 to index
      %get3A_964 = arith.constant 48 : index
      %get3A_965 = tpu.vector_load %arg8[%get3A_963, %get3A_964] {strides = array<i32>} : memref<16x128xf32, #tpu.memory_space<vmem>>, vector<1x16xf32>,
      %get3A_966 = vector.shape_cast %get3A_965 : vector<1x16xf32> to vector<16xf32>
      %mul3A_967 = arith.mulf %get3A_961, %get3A_966 : vector<16xf32>
      %add3A_968 = arith.addf %add3A_956, %mul3A_967 : vector<16xf32>
      %get3A_969 = arith.constant 7 : i32
      %get3A_970 = arith.index_cast %get3A_969 : i32 to index
      %get3A_971 = arith.constant 64 : index
      %get3A_972 = tpu.vector_load %arg9[%get3A_970, %get3A_971] {strides = array<i32>} : memref<16x128xf32, #tpu.memory_space<vmem>>, vector<1x16xf32>,
      %get3A_973 = vector.shape_cast %get3A_972 : vector<1x16xf32> to vector<16xf32>
      %get3A_974 = arith.constant 7 : i32
      %get3A_975 = arith.index_cast %get3A_974 : i32 to index
      %get3A_976 = arith.constant 64 : index
      %get3A_977 = tpu.vector_load %arg8[%get3A_975, %get3A_976] {strides = array<i32>} : memref<16x128xf32, #tpu.memory_space<vmem>>, vector<1x16xf32>,
      %get3A_978 = vector.shape_cast %get3A_977 : vector<1x16xf32> to vector<16xf32>
      %mul3A_979 = arith.mulf %get3A_973, %get3A_978 : vector<16xf32>
      %add3A_980 = arith.addf %add3A_968, %mul3A_979 : vector<16xf32>
      %get3A_981 = arith.constant 7 : i32
      %get3A_982 = arith.index_cast %get3A_981 : i32 to index
      %get3A_983 = arith.constant 80 : index
      %get3A_984 = tpu.vector_load %arg9[%get3A_982, %get3A_983] {strides = array<i32>} : memref<16x128xf32, #tpu.memory_space<vmem>>, vector<1x16xf32>,
      %get3A_985 = vector.shape_cast %get3A_984 : vector<1x16xf32> to vector<16xf32>
      %get3A_986 = arith.constant 7 : i32
      %get3A_987 = arith.index_cast %get3A_986 : i32 to index
      %get3A_988 = arith.constant 80 : index
      %get3A_989 = tpu.vector_load %arg8[%get3A_987, %get3A_988] {strides = array<i32>} : memref<16x128xf32, #tpu.memory_space<vmem>>, vector<1x16xf32>,
      %get3A_990 = vector.shape_cast %get3A_989 : vector<1x16xf32> to vector<16xf32>
      %mul3A_991 = arith.mulf %get3A_985, %get3A_990 : vector<16xf32>
      %add3A_992 = arith.addf %add3A_980, %mul3A_991 : vector<16xf32>
      %get3A_993 = arith.constant 7 : i32
      %get3A_994 = arith.index_cast %get3A_993 : i32 to index
      %get3A_995 = arith.constant 96 : index
      %get3A_996 = tpu.vector_load %arg9[%get3A_994, %get3A_995] {strides = array<i32>} : memref<16x128xf32, #tpu.memory_space<vmem>>, vector<1x16xf32>,
      %get3A_997 = vector.shape_cast %get3A_996 : vector<1x16xf32> to vector<16xf32>
      %get3A_998 = arith.constant 7 : i32
      %get3A_999 = arith.index_cast %get3A_998 : i32 to index
      %get3A_1000 = arith.constant 96 : index
      %get3A_1001 = tpu.vector_load %arg8[%get3A_999, %get3A_1000] {strides = array<i32>} : memref<16x128xf32, #tpu.memory_space<vmem>>, vector<1x16xf32>,
      %get3A_1002 = vector.shape_cast %get3A_1001 : vector<1x16xf32> to vector<16xf32>
      %mul3A_1003 = arith.mulf %get3A_997, %get3A_1002 : vector<16xf32>
      %add3A_1004 = arith.addf %add3A_992, %mul3A_1003 : vector<16xf32>
      %get3A_1005 = arith.constant 7 : i32
      %get3A_1006 = arith.index_cast %get3A_1005 : i32 to index
      %get3A_1007 = arith.constant 112 : index
      %get3A_1008 = tpu.vector_load %arg9[%get3A_1006, %get3A_1007] {strides = array<i32>} : memref<16x128xf32, #tpu.memory_space<vmem>>, vector<1x16xf32>,
      %get3A_1009 = vector.shape_cast %get3A_1008 : vector<1x16xf32> to vector<16xf32>
      %get3A_1010 = arith.constant 7 : i32
      %get3A_1011 = arith.index_cast %get3A_1010 : i32 to index
      %get3A_1012 = arith.constant 112 : index
      %get3A_1013 = tpu.vector_load %arg8[%get3A_1011, %get3A_1012] {strides = array<i32>} : memref<16x128xf32, #tpu.memory_space<vmem>>, vector<1x16xf32>,
      %get3A_1014 = vector.shape_cast %get3A_1013 : vector<1x16xf32> to vector<16xf32>
      %mul3A_1015 = arith.mulf %get3A_1009, %get3A_1014 : vector<16xf32>
      %add3A_1016 = arith.addf %add3A_1004, %mul3A_1015 : vector<16xf32>
      %xor3A_1017 = arith.constant 8 : i32
      %xor3A_1018 = vector.broadcast %xor3A_1017 : i32 to vector<16xi32>
      %xor3A_1019 = arith.xori %iota3A, %xor3A_1018 : vector<16xi32>
      %broadcast_in_dim3A_1020 = vector.shape_cast %xor3A_1019 : vector<16xi32> to vector<16x1xi32>
      %gather3A_1021 = vector.shape_cast %broadcast_in_dim3A_1020 : vector<16x1xi32> to vector<16xi32>
      %gather3A_1022 = tpu.dynamic_gather %add3A_1016[%gather3A_1021] in [0] : vector<16xf32>, vector<16xi32> -> vector<16xf32>
      %add3A_1023 = arith.addf %add3A_1016, %gather3A_1022 : vector<16xf32>
      %xor3A_1024 = arith.constant 4 : i32
      %xor3A_1025 = vector.broadcast %xor3A_1024 : i32 to vector<16xi32>
      %xor3A_1026 = arith.xori %iota3A, %xor3A_1025 : vector<16xi32>
      %broadcast_in_dim3A_1027 = vector.shape_cast %xor3A_1026 : vector<16xi32> to vector<16x1xi32>
      %gather3A_1028 = vector.shape_cast %broadcast_in_dim3A_1027 : vector<16x1xi32> to vector<16xi32>
      %gather3A_1029 = tpu.dynamic_gather %add3A_1023[%gather3A_1028] in [0] : vector<16xf32>, vector<16xi32> -> vector<16xf32>
      %add3A_1030 = arith.addf %add3A_1023, %gather3A_1029 : vector<16xf32>
      %xor3A_1031 = arith.constant 2 : i32
      %xor3A_1032 = vector.broadcast %xor3A_1031 : i32 to vector<16xi32>
      %xor3A_1033 = arith.xori %iota3A, %xor3A_1032 : vector<16xi32>
      %broadcast_in_dim3A_1034 = vector.shape_cast %xor3A_1033 : vector<16xi32> to vector<16x1xi32>
      %gather3A_1035 = vector.shape_cast %broadcast_in_dim3A_1034 : vector<16x1xi32> to vector<16xi32>
      %gather3A_1036 = tpu.dynamic_gather %add3A_1030[%gather3A_1035] in [0] : vector<16xf32>, vector<16xi32> -> vector<16xf32>
      %add3A_1037 = arith.addf %add3A_1030, %gather3A_1036 : vector<16xf32>
      %xor3A_1038 = arith.constant 1 : i32
      %xor3A_1039 = vector.broadcast %xor3A_1038 : i32 to vector<16xi32>
      %xor3A_1040 = arith.xori %iota3A, %xor3A_1039 : vector<16xi32>
      %broadcast_in_dim3A_1041 = vector.shape_cast %xor3A_1040 : vector<16xi32> to vector<16x1xi32>
      %gather3A_1042 = vector.shape_cast %broadcast_in_dim3A_1041 : vector<16x1xi32> to vector<16xi32>
      %gather3A_1043 = tpu.dynamic_gather %add3A_1037[%gather3A_1042] in [0] : vector<16xf32>, vector<16xi32> -> vector<16xf32>
      %add3A_1044 = arith.addf %add3A_1037, %gather3A_1043 : vector<16xf32>
      %eq3A_1045 = arith.constant 7 : i32
      %eq3A_1046 = vector.broadcast %eq3A_1045 : i32 to vector<16xi32>
      %eq3A_1047 = arith.cmpi eq, %iota3A, %eq3A_1046 : vector<16xi32>
      %select_n3A_1048 = arith.select %eq3A_1047, %add3A_1044, %select_n3A_918 : vector<16xi1>, vector<16xf32>
      %broadcast_in_dim3A_1049 = arith.constant 0.000000e+00 : f32
      %broadcast_in_dim3A_1050 = vector.broadcast %broadcast_in_dim3A_1049 : f32 to vector<16xf32>
      %get3A_1051 = arith.constant 8 : i32
      %get3A_1052 = arith.index_cast %get3A_1051 : i32 to index
      %get3A_1053 = arith.constant 0 : index
      %get3A_1054 = tpu.vector_load %arg9[%get3A_1052, %get3A_1053] {strides = array<i32>} : memref<16x128xf32, #tpu.memory_space<vmem>>, vector<1x16xf32>,
      %get3A_1055 = vector.shape_cast %get3A_1054 : vector<1x16xf32> to vector<16xf32>
      %get3A_1056 = arith.constant 8 : i32
      %get3A_1057 = arith.index_cast %get3A_1056 : i32 to index
      %get3A_1058 = arith.constant 0 : index
      %get3A_1059 = tpu.vector_load %arg8[%get3A_1057, %get3A_1058] {strides = array<i32>} : memref<16x128xf32, #tpu.memory_space<vmem>>, vector<1x16xf32>,
      %get3A_1060 = vector.shape_cast %get3A_1059 : vector<1x16xf32> to vector<16xf32>
      %mul3A_1061 = arith.mulf %get3A_1055, %get3A_1060 : vector<16xf32>
      %add3A_1062 = arith.addf %broadcast_in_dim3A_1050, %mul3A_1061 : vector<16xf32>
      %get3A_1063 = arith.constant 8 : i32
      %get3A_1064 = arith.index_cast %get3A_1063 : i32 to index
      %get3A_1065 = arith.constant 16 : index
      %get3A_1066 = tpu.vector_load %arg9[%get3A_1064, %get3A_1065] {strides = array<i32>} : memref<16x128xf32, #tpu.memory_space<vmem>>, vector<1x16xf32>,
      %get3A_1067 = vector.shape_cast %get3A_1066 : vector<1x16xf32> to vector<16xf32>
      %get3A_1068 = arith.constant 8 : i32
      %get3A_1069 = arith.index_cast %get3A_1068 : i32 to index
      %get3A_1070 = arith.constant 16 : index
      %get3A_1071 = tpu.vector_load %arg8[%get3A_1069, %get3A_1070] {strides = array<i32>} : memref<16x128xf32, #tpu.memory_space<vmem>>, vector<1x16xf32>,
      %get3A_1072 = vector.shape_cast %get3A_1071 : vector<1x16xf32> to vector<16xf32>
      %mul3A_1073 = arith.mulf %get3A_1067, %get3A_1072 : vector<16xf32>
      %add3A_1074 = arith.addf %add3A_1062, %mul3A_1073 : vector<16xf32>
      %get3A_1075 = arith.constant 8 : i32
      %get3A_1076 = arith.index_cast %get3A_1075 : i32 to index
      %get3A_1077 = arith.constant 32 : index
      %get3A_1078 = tpu.vector_load %arg9[%get3A_1076, %get3A_1077] {strides = array<i32>} : memref<16x128xf32, #tpu.memory_space<vmem>>, vector<1x16xf32>,
      %get3A_1079 = vector.shape_cast %get3A_1078 : vector<1x16xf32> to vector<16xf32>
      %get3A_1080 = arith.constant 8 : i32
      %get3A_1081 = arith.index_cast %get3A_1080 : i32 to index
      %get3A_1082 = arith.constant 32 : index
      %get3A_1083 = tpu.vector_load %arg8[%get3A_1081, %get3A_1082] {strides = array<i32>} : memref<16x128xf32, #tpu.memory_space<vmem>>, vector<1x16xf32>,
      %get3A_1084 = vector.shape_cast %get3A_1083 : vector<1x16xf32> to vector<16xf32>
      %mul3A_1085 = arith.mulf %get3A_1079, %get3A_1084 : vector<16xf32>
      %add3A_1086 = arith.addf %add3A_1074, %mul3A_1085 : vector<16xf32>
      %get3A_1087 = arith.constant 8 : i32
      %get3A_1088 = arith.index_cast %get3A_1087 : i32 to index
      %get3A_1089 = arith.constant 48 : index
      %get3A_1090 = tpu.vector_load %arg9[%get3A_1088, %get3A_1089] {strides = array<i32>} : memref<16x128xf32, #tpu.memory_space<vmem>>, vector<1x16xf32>,
      %get3A_1091 = vector.shape_cast %get3A_1090 : vector<1x16xf32> to vector<16xf32>
      %get3A_1092 = arith.constant 8 : i32
      %get3A_1093 = arith.index_cast %get3A_1092 : i32 to index
      %get3A_1094 = arith.constant 48 : index
      %get3A_1095 = tpu.vector_load %arg8[%get3A_1093, %get3A_1094] {strides = array<i32>} : memref<16x128xf32, #tpu.memory_space<vmem>>, vector<1x16xf32>,
      %get3A_1096 = vector.shape_cast %get3A_1095 : vector<1x16xf32> to vector<16xf32>
      %mul3A_1097 = arith.mulf %get3A_1091, %get3A_1096 : vector<16xf32>
      %add3A_1098 = arith.addf %add3A_1086, %mul3A_1097 : vector<16xf32>
      %get3A_1099 = arith.constant 8 : i32
      %get3A_1100 = arith.index_cast %get3A_1099 : i32 to index
      %get3A_1101 = arith.constant 64 : index
      %get3A_1102 = tpu.vector_load %arg9[%get3A_1100, %get3A_1101] {strides = array<i32>} : memref<16x128xf32, #tpu.memory_space<vmem>>, vector<1x16xf32>,
      %get3A_1103 = vector.shape_cast %get3A_1102 : vector<1x16xf32> to vector<16xf32>
      %get3A_1104 = arith.constant 8 : i32
      %get3A_1105 = arith.index_cast %get3A_1104 : i32 to index
      %get3A_1106 = arith.constant 64 : index
      %get3A_1107 = tpu.vector_load %arg8[%get3A_1105, %get3A_1106] {strides = array<i32>} : memref<16x128xf32, #tpu.memory_space<vmem>>, vector<1x16xf32>,
      %get3A_1108 = vector.shape_cast %get3A_1107 : vector<1x16xf32> to vector<16xf32>
      %mul3A_1109 = arith.mulf %get3A_1103, %get3A_1108 : vector<16xf32>
      %add3A_1110 = arith.addf %add3A_1098, %mul3A_1109 : vector<16xf32>
      %get3A_1111 = arith.constant 8 : i32
      %get3A_1112 = arith.index_cast %get3A_1111 : i32 to index
      %get3A_1113 = arith.constant 80 : index
      %get3A_1114 = tpu.vector_load %arg9[%get3A_1112, %get3A_1113] {strides = array<i32>} : memref<16x128xf32, #tpu.memory_space<vmem>>, vector<1x16xf32>,
      %get3A_1115 = vector.shape_cast %get3A_1114 : vector<1x16xf32> to vector<16xf32>
      %get3A_1116 = arith.constant 8 : i32
      %get3A_1117 = arith.index_cast %get3A_1116 : i32 to index
      %get3A_1118 = arith.constant 80 : index
      %get3A_1119 = tpu.vector_load %arg8[%get3A_1117, %get3A_1118] {strides = array<i32>} : memref<16x128xf32, #tpu.memory_space<vmem>>, vector<1x16xf32>,
      %get3A_1120 = vector.shape_cast %get3A_1119 : vector<1x16xf32> to vector<16xf32>
      %mul3A_1121 = arith.mulf %get3A_1115, %get3A_1120 : vector<16xf32>
      %add3A_1122 = arith.addf %add3A_1110, %mul3A_1121 : vector<16xf32>
      %get3A_1123 = arith.constant 8 : i32
      %get3A_1124 = arith.index_cast %get3A_1123 : i32 to index
      %get3A_1125 = arith.constant 96 : index
      %get3A_1126 = tpu.vector_load %arg9[%get3A_1124, %get3A_1125] {strides = array<i32>} : memref<16x128xf32, #tpu.memory_space<vmem>>, vector<1x16xf32>,
      %get3A_1127 = vector.shape_cast %get3A_1126 : vector<1x16xf32> to vector<16xf32>
      %get3A_1128 = arith.constant 8 : i32
      %get3A_1129 = arith.index_cast %get3A_1128 : i32 to index
      %get3A_1130 = arith.constant 96 : index
      %get3A_1131 = tpu.vector_load %arg8[%get3A_1129, %get3A_1130] {strides = array<i32>} : memref<16x128xf32, #tpu.memory_space<vmem>>, vector<1x16xf32>,
      %get3A_1132 = vector.shape_cast %get3A_1131 : vector<1x16xf32> to vector<16xf32>
      %mul3A_1133 = arith.mulf %get3A_1127, %get3A_1132 : vector<16xf32>
      %add3A_1134 = arith.addf %add3A_1122, %mul3A_1133 : vector<16xf32>
      %get3A_1135 = arith.constant 8 : i32
      %get3A_1136 = arith.index_cast %get3A_1135 : i32 to index
      %get3A_1137 = arith.constant 112 : index
      %get3A_1138 = tpu.vector_load %arg9[%get3A_1136, %get3A_1137] {strides = array<i32>} : memref<16x128xf32, #tpu.memory_space<vmem>>, vector<1x16xf32>,
      %get3A_1139 = vector.shape_cast %get3A_1138 : vector<1x16xf32> to vector<16xf32>
      %get3A_1140 = arith.constant 8 : i32
      %get3A_1141 = arith.index_cast %get3A_1140 : i32 to index
      %get3A_1142 = arith.constant 112 : index
      %get3A_1143 = tpu.vector_load %arg8[%get3A_1141, %get3A_1142] {strides = array<i32>} : memref<16x128xf32, #tpu.memory_space<vmem>>, vector<1x16xf32>,
      %get3A_1144 = vector.shape_cast %get3A_1143 : vector<1x16xf32> to vector<16xf32>
      %mul3A_1145 = arith.mulf %get3A_1139, %get3A_1144 : vector<16xf32>
      %add3A_1146 = arith.addf %add3A_1134, %mul3A_1145 : vector<16xf32>
      %xor3A_1147 = arith.constant 8 : i32
      %xor3A_1148 = vector.broadcast %xor3A_1147 : i32 to vector<16xi32>
      %xor3A_1149 = arith.xori %iota3A, %xor3A_1148 : vector<16xi32>
      %broadcast_in_dim3A_1150 = vector.shape_cast %xor3A_1149 : vector<16xi32> to vector<16x1xi32>
      %gather3A_1151 = vector.shape_cast %broadcast_in_dim3A_1150 : vector<16x1xi32> to vector<16xi32>
      %gather3A_1152 = tpu.dynamic_gather %add3A_1146[%gather3A_1151] in [0] : vector<16xf32>, vector<16xi32> -> vector<16xf32>
      %add3A_1153 = arith.addf %add3A_1146, %gather3A_1152 : vector<16xf32>
      %xor3A_1154 = arith.constant 4 : i32
      %xor3A_1155 = vector.broadcast %xor3A_1154 : i32 to vector<16xi32>
      %xor3A_1156 = arith.xori %iota3A, %xor3A_1155 : vector<16xi32>
      %broadcast_in_dim3A_1157 = vector.shape_cast %xor3A_1156 : vector<16xi32> to vector<16x1xi32>
      %gather3A_1158 = vector.shape_cast %broadcast_in_dim3A_1157 : vector<16x1xi32> to vector<16xi32>
      %gather3A_1159 = tpu.dynamic_gather %add3A_1153[%gather3A_1158] in [0] : vector<16xf32>, vector<16xi32> -> vector<16xf32>
      %add3A_1160 = arith.addf %add3A_1153, %gather3A_1159 : vector<16xf32>
      %xor3A_1161 = arith.constant 2 : i32
      %xor3A_1162 = vector.broadcast %xor3A_1161 : i32 to vector<16xi32>
      %xor3A_1163 = arith.xori %iota3A, %xor3A_1162 : vector<16xi32>
      %broadcast_in_dim3A_1164 = vector.shape_cast %xor3A_1163 : vector<16xi32> to vector<16x1xi32>
      %gather3A_1165 = vector.shape_cast %broadcast_in_dim3A_1164 : vector<16x1xi32> to vector<16xi32>
      %gather3A_1166 = tpu.dynamic_gather %add3A_1160[%gather3A_1165] in [0] : vector<16xf32>, vector<16xi32> -> vector<16xf32>
      %add3A_1167 = arith.addf %add3A_1160, %gather3A_1166 : vector<16xf32>
      %xor3A_1168 = arith.constant 1 : i32
      %xor3A_1169 = vector.broadcast %xor3A_1168 : i32 to vector<16xi32>
      %xor3A_1170 = arith.xori %iota3A, %xor3A_1169 : vector<16xi32>
      %broadcast_in_dim3A_1171 = vector.shape_cast %xor3A_1170 : vector<16xi32> to vector<16x1xi32>
      %gather3A_1172 = vector.shape_cast %broadcast_in_dim3A_1171 : vector<16x1xi32> to vector<16xi32>
      %gather3A_1173 = tpu.dynamic_gather %add3A_1167[%gather3A_1172] in [0] : vector<16xf32>, vector<16xi32> -> vector<16xf32>
      %add3A_1174 = arith.addf %add3A_1167, %gather3A_1173 : vector<16xf32>
      %eq3A_1175 = arith.constant 8 : i32
      %eq3A_1176 = vector.broadcast %eq3A_1175 : i32 to vector<16xi32>
      %eq3A_1177 = arith.cmpi eq, %iota3A, %eq3A_1176 : vector<16xi32>
      %select_n3A_1178 = arith.select %eq3A_1177, %add3A_1174, %select_n3A_1048 : vector<16xi1>, vector<16xf32>
      %broadcast_in_dim3A_1179 = arith.constant 0.000000e+00 : f32
      %broadcast_in_dim3A_1180 = vector.broadcast %broadcast_in_dim3A_1179 : f32 to vector<16xf32>
      %get3A_1181 = arith.constant 9 : i32
      %get3A_1182 = arith.index_cast %get3A_1181 : i32 to index
      %get3A_1183 = arith.constant 0 : index
      %get3A_1184 = tpu.vector_load %arg9[%get3A_1182, %get3A_1183] {strides = array<i32>} : memref<16x128xf32, #tpu.memory_space<vmem>>, vector<1x16xf32>,
      %get3A_1185 = vector.shape_cast %get3A_1184 : vector<1x16xf32> to vector<16xf32>
      %get3A_1186 = arith.constant 9 : i32
      %get3A_1187 = arith.index_cast %get3A_1186 : i32 to index
      %get3A_1188 = arith.constant 0 : index
      %get3A_1189 = tpu.vector_load %arg8[%get3A_1187, %get3A_1188] {strides = array<i32>} : memref<16x128xf32, #tpu.memory_space<vmem>>, vector<1x16xf32>,
      %get3A_1190 = vector.shape_cast %get3A_1189 : vector<1x16xf32> to vector<16xf32>
      %mul3A_1191 = arith.mulf %get3A_1185, %get3A_1190 : vector<16xf32>
      %add3A_1192 = arith.addf %broadcast_in_dim3A_1180, %mul3A_1191 : vector<16xf32>
      %get3A_1193 = arith.constant 9 : i32
      %get3A_1194 = arith.index_cast %get3A_1193 : i32 to index
      %get3A_1195 = arith.constant 16 : index
      %get3A_1196 = tpu.vector_load %arg9[%get3A_1194, %get3A_1195] {strides = array<i32>} : memref<16x128xf32, #tpu.memory_space<vmem>>, vector<1x16xf32>,
      %get3A_1197 = vector.shape_cast %get3A_1196 : vector<1x16xf32> to vector<16xf32>
      %get3A_1198 = arith.constant 9 : i32
      %get3A_1199 = arith.index_cast %get3A_1198 : i32 to index
      %get3A_1200 = arith.constant 16 : index
      %get3A_1201 = tpu.vector_load %arg8[%get3A_1199, %get3A_1200] {strides = array<i32>} : memref<16x128xf32, #tpu.memory_space<vmem>>, vector<1x16xf32>,
      %get3A_1202 = vector.shape_cast %get3A_1201 : vector<1x16xf32> to vector<16xf32>
      %mul3A_1203 = arith.mulf %get3A_1197, %get3A_1202 : vector<16xf32>
      %add3A_1204 = arith.addf %add3A_1192, %mul3A_1203 : vector<16xf32>
      %get3A_1205 = arith.constant 9 : i32
      %get3A_1206 = arith.index_cast %get3A_1205 : i32 to index
      %get3A_1207 = arith.constant 32 : index
      %get3A_1208 = tpu.vector_load %arg9[%get3A_1206, %get3A_1207] {strides = array<i32>} : memref<16x128xf32, #tpu.memory_space<vmem>>, vector<1x16xf32>,
      %get3A_1209 = vector.shape_cast %get3A_1208 : vector<1x16xf32> to vector<16xf32>
      %get3A_1210 = arith.constant 9 : i32
      %get3A_1211 = arith.index_cast %get3A_1210 : i32 to index
      %get3A_1212 = arith.constant 32 : index
      %get3A_1213 = tpu.vector_load %arg8[%get3A_1211, %get3A_1212] {strides = array<i32>} : memref<16x128xf32, #tpu.memory_space<vmem>>, vector<1x16xf32>,
      %get3A_1214 = vector.shape_cast %get3A_1213 : vector<1x16xf32> to vector<16xf32>
      %mul3A_1215 = arith.mulf %get3A_1209, %get3A_1214 : vector<16xf32>
      %add3A_1216 = arith.addf %add3A_1204, %mul3A_1215 : vector<16xf32>
      %get3A_1217 = arith.constant 9 : i32
      %get3A_1218 = arith.index_cast %get3A_1217 : i32 to index
      %get3A_1219 = arith.constant 48 : index
      %get3A_1220 = tpu.vector_load %arg9[%get3A_1218, %get3A_1219] {strides = array<i32>} : memref<16x128xf32, #tpu.memory_space<vmem>>, vector<1x16xf32>,
      %get3A_1221 = vector.shape_cast %get3A_1220 : vector<1x16xf32> to vector<16xf32>
      %get3A_1222 = arith.constant 9 : i32
      %get3A_1223 = arith.index_cast %get3A_1222 : i32 to index
      %get3A_1224 = arith.constant 48 : index
      %get3A_1225 = tpu.vector_load %arg8[%get3A_1223, %get3A_1224] {strides = array<i32>} : memref<16x128xf32, #tpu.memory_space<vmem>>, vector<1x16xf32>,
      %get3A_1226 = vector.shape_cast %get3A_1225 : vector<1x16xf32> to vector<16xf32>
      %mul3A_1227 = arith.mulf %get3A_1221, %get3A_1226 : vector<16xf32>
      %add3A_1228 = arith.addf %add3A_1216, %mul3A_1227 : vector<16xf32>
      %get3A_1229 = arith.constant 9 : i32
      %get3A_1230 = arith.index_cast %get3A_1229 : i32 to index
      %get3A_1231 = arith.constant 64 : index
      %get3A_1232 = tpu.vector_load %arg9[%get3A_1230, %get3A_1231] {strides = array<i32>} : memref<16x128xf32, #tpu.memory_space<vmem>>, vector<1x16xf32>,
      %get3A_1233 = vector.shape_cast %get3A_1232 : vector<1x16xf32> to vector<16xf32>
      %get3A_1234 = arith.constant 9 : i32
      %get3A_1235 = arith.index_cast %get3A_1234 : i32 to index
      %get3A_1236 = arith.constant 64 : index
      %get3A_1237 = tpu.vector_load %arg8[%get3A_1235, %get3A_1236] {strides = array<i32>} : memref<16x128xf32, #tpu.memory_space<vmem>>, vector<1x16xf32>,
      %get3A_1238 = vector.shape_cast %get3A_1237 : vector<1x16xf32> to vector<16xf32>
      %mul3A_1239 = arith.mulf %get3A_1233, %get3A_1238 : vector<16xf32>
      %add3A_1240 = arith.addf %add3A_1228, %mul3A_1239 : vector<16xf32>
      %get3A_1241 = arith.constant 9 : i32
      %get3A_1242 = arith.index_cast %get3A_1241 : i32 to index
      %get3A_1243 = arith.constant 80 : index
      %get3A_1244 = tpu.vector_load %arg9[%get3A_1242, %get3A_1243] {strides = array<i32>} : memref<16x128xf32, #tpu.memory_space<vmem>>, vector<1x16xf32>,
      %get3A_1245 = vector.shape_cast %get3A_1244 : vector<1x16xf32> to vector<16xf32>
      %get3A_1246 = arith.constant 9 : i32
      %get3A_1247 = arith.index_cast %get3A_1246 : i32 to index
      %get3A_1248 = arith.constant 80 : index
      %get3A_1249 = tpu.vector_load %arg8[%get3A_1247, %get3A_1248] {strides = array<i32>} : memref<16x128xf32, #tpu.memory_space<vmem>>, vector<1x16xf32>,
      %get3A_1250 = vector.shape_cast %get3A_1249 : vector<1x16xf32> to vector<16xf32>
      %mul3A_1251 = arith.mulf %get3A_1245, %get3A_1250 : vector<16xf32>
      %add3A_1252 = arith.addf %add3A_1240, %mul3A_1251 : vector<16xf32>
      %get3A_1253 = arith.constant 9 : i32
      %get3A_1254 = arith.index_cast %get3A_1253 : i32 to index
      %get3A_1255 = arith.constant 96 : index
      %get3A_1256 = tpu.vector_load %arg9[%get3A_1254, %get3A_1255] {strides = array<i32>} : memref<16x128xf32, #tpu.memory_space<vmem>>, vector<1x16xf32>,
      %get3A_1257 = vector.shape_cast %get3A_1256 : vector<1x16xf32> to vector<16xf32>
      %get3A_1258 = arith.constant 9 : i32
      %get3A_1259 = arith.index_cast %get3A_1258 : i32 to index
      %get3A_1260 = arith.constant 96 : index
      %get3A_1261 = tpu.vector_load %arg8[%get3A_1259, %get3A_1260] {strides = array<i32>} : memref<16x128xf32, #tpu.memory_space<vmem>>, vector<1x16xf32>,
      %get3A_1262 = vector.shape_cast %get3A_1261 : vector<1x16xf32> to vector<16xf32>
      %mul3A_1263 = arith.mulf %get3A_1257, %get3A_1262 : vector<16xf32>
      %add3A_1264 = arith.addf %add3A_1252, %mul3A_1263 : vector<16xf32>
      %get3A_1265 = arith.constant 9 : i32
      %get3A_1266 = arith.index_cast %get3A_1265 : i32 to index
      %get3A_1267 = arith.constant 112 : index
      %get3A_1268 = tpu.vector_load %arg9[%get3A_1266, %get3A_1267] {strides = array<i32>} : memref<16x128xf32, #tpu.memory_space<vmem>>, vector<1x16xf32>,
      %get3A_1269 = vector.shape_cast %get3A_1268 : vector<1x16xf32> to vector<16xf32>
      %get3A_1270 = arith.constant 9 : i32
      %get3A_1271 = arith.index_cast %get3A_1270 : i32 to index
      %get3A_1272 = arith.constant 112 : index
      %get3A_1273 = tpu.vector_load %arg8[%get3A_1271, %get3A_1272] {strides = array<i32>} : memref<16x128xf32, #tpu.memory_space<vmem>>, vector<1x16xf32>,
      %get3A_1274 = vector.shape_cast %get3A_1273 : vector<1x16xf32> to vector<16xf32>
      %mul3A_1275 = arith.mulf %get3A_1269, %get3A_1274 : vector<16xf32>
      %add3A_1276 = arith.addf %add3A_1264, %mul3A_1275 : vector<16xf32>
      %xor3A_1277 = arith.constant 8 : i32
      %xor3A_1278 = vector.broadcast %xor3A_1277 : i32 to vector<16xi32>
      %xor3A_1279 = arith.xori %iota3A, %xor3A_1278 : vector<16xi32>
      %broadcast_in_dim3A_1280 = vector.shape_cast %xor3A_1279 : vector<16xi32> to vector<16x1xi32>
      %gather3A_1281 = vector.shape_cast %broadcast_in_dim3A_1280 : vector<16x1xi32> to vector<16xi32>
      %gather3A_1282 = tpu.dynamic_gather %add3A_1276[%gather3A_1281] in [0] : vector<16xf32>, vector<16xi32> -> vector<16xf32>
      %add3A_1283 = arith.addf %add3A_1276, %gather3A_1282 : vector<16xf32>
      %xor3A_1284 = arith.constant 4 : i32
      %xor3A_1285 = vector.broadcast %xor3A_1284 : i32 to vector<16xi32>
      %xor3A_1286 = arith.xori %iota3A, %xor3A_1285 : vector<16xi32>
      %broadcast_in_dim3A_1287 = vector.shape_cast %xor3A_1286 : vector<16xi32> to vector<16x1xi32>
      %gather3A_1288 = vector.shape_cast %broadcast_in_dim3A_1287 : vector<16x1xi32> to vector<16xi32>
      %gather3A_1289 = tpu.dynamic_gather %add3A_1283[%gather3A_1288] in [0] : vector<16xf32>, vector<16xi32> -> vector<16xf32>
      %add3A_1290 = arith.addf %add3A_1283, %gather3A_1289 : vector<16xf32>
      %xor3A_1291 = arith.constant 2 : i32
      %xor3A_1292 = vector.broadcast %xor3A_1291 : i32 to vector<16xi32>
      %xor3A_1293 = arith.xori %iota3A, %xor3A_1292 : vector<16xi32>
      %broadcast_in_dim3A_1294 = vector.shape_cast %xor3A_1293 : vector<16xi32> to vector<16x1xi32>
      %gather3A_1295 = vector.shape_cast %broadcast_in_dim3A_1294 : vector<16x1xi32> to vector<16xi32>
      %gather3A_1296 = tpu.dynamic_gather %add3A_1290[%gather3A_1295] in [0] : vector<16xf32>, vector<16xi32> -> vector<16xf32>
      %add3A_1297 = arith.addf %add3A_1290, %gather3A_1296 : vector<16xf32>
      %xor3A_1298 = arith.constant 1 : i32
      %xor3A_1299 = vector.broadcast %xor3A_1298 : i32 to vector<16xi32>
      %xor3A_1300 = arith.xori %iota3A, %xor3A_1299 : vector<16xi32>
      %broadcast_in_dim3A_1301 = vector.shape_cast %xor3A_1300 : vector<16xi32> to vector<16x1xi32>
      %gather3A_1302 = vector.shape_cast %broadcast_in_dim3A_1301 : vector<16x1xi32> to vector<16xi32>
      %gather3A_1303 = tpu.dynamic_gather %add3A_1297[%gather3A_1302] in [0] : vector<16xf32>, vector<16xi32> -> vector<16xf32>
      %add3A_1304 = arith.addf %add3A_1297, %gather3A_1303 : vector<16xf32>
      %eq3A_1305 = arith.constant 9 : i32
      %eq3A_1306 = vector.broadcast %eq3A_1305 : i32 to vector<16xi32>
      %eq3A_1307 = arith.cmpi eq, %iota3A, %eq3A_1306 : vector<16xi32>
      %select_n3A_1308 = arith.select %eq3A_1307, %add3A_1304, %select_n3A_1178 : vector<16xi1>, vector<16xf32>
      %broadcast_in_dim3A_1309 = arith.constant 0.000000e+00 : f32
      %broadcast_in_dim3A_1310 = vector.broadcast %broadcast_in_dim3A_1309 : f32 to vector<16xf32>
      %get3A_1311 = arith.constant 10 : i32
      %get3A_1312 = arith.index_cast %get3A_1311 : i32 to index
      %get3A_1313 = arith.constant 0 : index
      %get3A_1314 = tpu.vector_load %arg9[%get3A_1312, %get3A_1313] {strides = array<i32>} : memref<16x128xf32, #tpu.memory_space<vmem>>, vector<1x16xf32>,
      %get3A_1315 = vector.shape_cast %get3A_1314 : vector<1x16xf32> to vector<16xf32>
      %get3A_1316 = arith.constant 10 : i32
      %get3A_1317 = arith.index_cast %get3A_1316 : i32 to index
      %get3A_1318 = arith.constant 0 : index
      %get3A_1319 = tpu.vector_load %arg8[%get3A_1317, %get3A_1318] {strides = array<i32>} : memref<16x128xf32, #tpu.memory_space<vmem>>, vector<1x16xf32>,
      %get3A_1320 = vector.shape_cast %get3A_1319 : vector<1x16xf32> to vector<16xf32>
      %mul3A_1321 = arith.mulf %get3A_1315, %get3A_1320 : vector<16xf32>
      %add3A_1322 = arith.addf %broadcast_in_dim3A_1310, %mul3A_1321 : vector<16xf32>
      %get3A_1323 = arith.constant 10 : i32
      %get3A_1324 = arith.index_cast %get3A_1323 : i32 to index
      %get3A_1325 = arith.constant 16 : index
      %get3A_1326 = tpu.vector_load %arg9[%get3A_1324, %get3A_1325] {strides = array<i32>} : memref<16x128xf32, #tpu.memory_space<vmem>>, vector<1x16xf32>,
      %get3A_1327 = vector.shape_cast %get3A_1326 : vector<1x16xf32> to vector<16xf32>
      %get3A_1328 = arith.constant 10 : i32
      %get3A_1329 = arith.index_cast %get3A_1328 : i32 to index
      %get3A_1330 = arith.constant 16 : index
      %get3A_1331 = tpu.vector_load %arg8[%get3A_1329, %get3A_1330] {strides = array<i32>} : memref<16x128xf32, #tpu.memory_space<vmem>>, vector<1x16xf32>,
      %get3A_1332 = vector.shape_cast %get3A_1331 : vector<1x16xf32> to vector<16xf32>
      %mul3A_1333 = arith.mulf %get3A_1327, %get3A_1332 : vector<16xf32>
      %add3A_1334 = arith.addf %add3A_1322, %mul3A_1333 : vector<16xf32>
      %get3A_1335 = arith.constant 10 : i32
      %get3A_1336 = arith.index_cast %get3A_1335 : i32 to index
      %get3A_1337 = arith.constant 32 : index
      %get3A_1338 = tpu.vector_load %arg9[%get3A_1336, %get3A_1337] {strides = array<i32>} : memref<16x128xf32, #tpu.memory_space<vmem>>, vector<1x16xf32>,
      %get3A_1339 = vector.shape_cast %get3A_1338 : vector<1x16xf32> to vector<16xf32>
      %get3A_1340 = arith.constant 10 : i32
      %get3A_1341 = arith.index_cast %get3A_1340 : i32 to index
      %get3A_1342 = arith.constant 32 : index
      %get3A_1343 = tpu.vector_load %arg8[%get3A_1341, %get3A_1342] {strides = array<i32>} : memref<16x128xf32, #tpu.memory_space<vmem>>, vector<1x16xf32>,
      %get3A_1344 = vector.shape_cast %get3A_1343 : vector<1x16xf32> to vector<16xf32>
      %mul3A_1345 = arith.mulf %get3A_1339, %get3A_1344 : vector<16xf32>
      %add3A_1346 = arith.addf %add3A_1334, %mul3A_1345 : vector<16xf32>
      %get3A_1347 = arith.constant 10 : i32
      %get3A_1348 = arith.index_cast %get3A_1347 : i32 to index
      %get3A_1349 = arith.constant 48 : index
      %get3A_1350 = tpu.vector_load %arg9[%get3A_1348, %get3A_1349] {strides = array<i32>} : memref<16x128xf32, #tpu.memory_space<vmem>>, vector<1x16xf32>,
      %get3A_1351 = vector.shape_cast %get3A_1350 : vector<1x16xf32> to vector<16xf32>
      %get3A_1352 = arith.constant 10 : i32
      %get3A_1353 = arith.index_cast %get3A_1352 : i32 to index
      %get3A_1354 = arith.constant 48 : index
      %get3A_1355 = tpu.vector_load %arg8[%get3A_1353, %get3A_1354] {strides = array<i32>} : memref<16x128xf32, #tpu.memory_space<vmem>>, vector<1x16xf32>,
      %get3A_1356 = vector.shape_cast %get3A_1355 : vector<1x16xf32> to vector<16xf32>
      %mul3A_1357 = arith.mulf %get3A_1351, %get3A_1356 : vector<16xf32>
      %add3A_1358 = arith.addf %add3A_1346, %mul3A_1357 : vector<16xf32>
      %get3A_1359 = arith.constant 10 : i32
      %get3A_1360 = arith.index_cast %get3A_1359 : i32 to index
      %get3A_1361 = arith.constant 64 : index
      %get3A_1362 = tpu.vector_load %arg9[%get3A_1360, %get3A_1361] {strides = array<i32>} : memref<16x128xf32, #tpu.memory_space<vmem>>, vector<1x16xf32>,
      %get3A_1363 = vector.shape_cast %get3A_1362 : vector<1x16xf32> to vector<16xf32>
      %get3A_1364 = arith.constant 10 : i32
      %get3A_1365 = arith.index_cast %get3A_1364 : i32 to index
      %get3A_1366 = arith.constant 64 : index
      %get3A_1367 = tpu.vector_load %arg8[%get3A_1365, %get3A_1366] {strides = array<i32>} : memref<16x128xf32, #tpu.memory_space<vmem>>, vector<1x16xf32>,
      %get3A_1368 = vector.shape_cast %get3A_1367 : vector<1x16xf32> to vector<16xf32>
      %mul3A_1369 = arith.mulf %get3A_1363, %get3A_1368 : vector<16xf32>
      %add3A_1370 = arith.addf %add3A_1358, %mul3A_1369 : vector<16xf32>
      %get3A_1371 = arith.constant 10 : i32
      %get3A_1372 = arith.index_cast %get3A_1371 : i32 to index
      %get3A_1373 = arith.constant 80 : index
      %get3A_1374 = tpu.vector_load %arg9[%get3A_1372, %get3A_1373] {strides = array<i32>} : memref<16x128xf32, #tpu.memory_space<vmem>>, vector<1x16xf32>,
      %get3A_1375 = vector.shape_cast %get3A_1374 : vector<1x16xf32> to vector<16xf32>
      %get3A_1376 = arith.constant 10 : i32
      %get3A_1377 = arith.index_cast %get3A_1376 : i32 to index
      %get3A_1378 = arith.constant 80 : index
      %get3A_1379 = tpu.vector_load %arg8[%get3A_1377, %get3A_1378] {strides = array<i32>} : memref<16x128xf32, #tpu.memory_space<vmem>>, vector<1x16xf32>,
      %get3A_1380 = vector.shape_cast %get3A_1379 : vector<1x16xf32> to vector<16xf32>
      %mul3A_1381 = arith.mulf %get3A_1375, %get3A_1380 : vector<16xf32>
      %add3A_1382 = arith.addf %add3A_1370, %mul3A_1381 : vector<16xf32>
      %get3A_1383 = arith.constant 10 : i32
      %get3A_1384 = arith.index_cast %get3A_1383 : i32 to index
      %get3A_1385 = arith.constant 96 : index
      %get3A_1386 = tpu.vector_load %arg9[%get3A_1384, %get3A_1385] {strides = array<i32>} : memref<16x128xf32, #tpu.memory_space<vmem>>, vector<1x16xf32>,
      %get3A_1387 = vector.shape_cast %get3A_1386 : vector<1x16xf32> to vector<16xf32>
      %get3A_1388 = arith.constant 10 : i32
      %get3A_1389 = arith.index_cast %get3A_1388 : i32 to index
      %get3A_1390 = arith.constant 96 : index
      %get3A_1391 = tpu.vector_load %arg8[%get3A_1389, %get3A_1390] {strides = array<i32>} : memref<16x128xf32, #tpu.memory_space<vmem>>, vector<1x16xf32>,
      %get3A_1392 = vector.shape_cast %get3A_1391 : vector<1x16xf32> to vector<16xf32>
      %mul3A_1393 = arith.mulf %get3A_1387, %get3A_1392 : vector<16xf32>
      %add3A_1394 = arith.addf %add3A_1382, %mul3A_1393 : vector<16xf32>
      %get3A_1395 = arith.constant 10 : i32
      %get3A_1396 = arith.index_cast %get3A_1395 : i32 to index
      %get3A_1397 = arith.constant 112 : index
      %get3A_1398 = tpu.vector_load %arg9[%get3A_1396, %get3A_1397] {strides = array<i32>} : memref<16x128xf32, #tpu.memory_space<vmem>>, vector<1x16xf32>,
      %get3A_1399 = vector.shape_cast %get3A_1398 : vector<1x16xf32> to vector<16xf32>
      %get3A_1400 = arith.constant 10 : i32
      %get3A_1401 = arith.index_cast %get3A_1400 : i32 to index
      %get3A_1402 = arith.constant 112 : index
      %get3A_1403 = tpu.vector_load %arg8[%get3A_1401, %get3A_1402] {strides = array<i32>} : memref<16x128xf32, #tpu.memory_space<vmem>>, vector<1x16xf32>,
      %get3A_1404 = vector.shape_cast %get3A_1403 : vector<1x16xf32> to vector<16xf32>
      %mul3A_1405 = arith.mulf %get3A_1399, %get3A_1404 : vector<16xf32>
      %add3A_1406 = arith.addf %add3A_1394, %mul3A_1405 : vector<16xf32>
      %xor3A_1407 = arith.constant 8 : i32
      %xor3A_1408 = vector.broadcast %xor3A_1407 : i32 to vector<16xi32>
      %xor3A_1409 = arith.xori %iota3A, %xor3A_1408 : vector<16xi32>
      %broadcast_in_dim3A_1410 = vector.shape_cast %xor3A_1409 : vector<16xi32> to vector<16x1xi32>
      %gather3A_1411 = vector.shape_cast %broadcast_in_dim3A_1410 : vector<16x1xi32> to vector<16xi32>
      %gather3A_1412 = tpu.dynamic_gather %add3A_1406[%gather3A_1411] in [0] : vector<16xf32>, vector<16xi32> -> vector<16xf32>
      %add3A_1413 = arith.addf %add3A_1406, %gather3A_1412 : vector<16xf32>
      %xor3A_1414 = arith.constant 4 : i32
      %xor3A_1415 = vector.broadcast %xor3A_1414 : i32 to vector<16xi32>
      %xor3A_1416 = arith.xori %iota3A, %xor3A_1415 : vector<16xi32>
      %broadcast_in_dim3A_1417 = vector.shape_cast %xor3A_1416 : vector<16xi32> to vector<16x1xi32>
      %gather3A_1418 = vector.shape_cast %broadcast_in_dim3A_1417 : vector<16x1xi32> to vector<16xi32>
      %gather3A_1419 = tpu.dynamic_gather %add3A_1413[%gather3A_1418] in [0] : vector<16xf32>, vector<16xi32> -> vector<16xf32>
      %add3A_1420 = arith.addf %add3A_1413, %gather3A_1419 : vector<16xf32>
      %xor3A_1421 = arith.constant 2 : i32
      %xor3A_1422 = vector.broadcast %xor3A_1421 : i32 to vector<16xi32>
      %xor3A_1423 = arith.xori %iota3A, %xor3A_1422 : vector<16xi32>
      %broadcast_in_dim3A_1424 = vector.shape_cast %xor3A_1423 : vector<16xi32> to vector<16x1xi32>
      %gather3A_1425 = vector.shape_cast %broadcast_in_dim3A_1424 : vector<16x1xi32> to vector<16xi32>
      %gather3A_1426 = tpu.dynamic_gather %add3A_1420[%gather3A_1425] in [0] : vector<16xf32>, vector<16xi32> -> vector<16xf32>
      %add3A_1427 = arith.addf %add3A_1420, %gather3A_1426 : vector<16xf32>
      %xor3A_1428 = arith.constant 1 : i32
      %xor3A_1429 = vector.broadcast %xor3A_1428 : i32 to vector<16xi32>
      %xor3A_1430 = arith.xori %iota3A, %xor3A_1429 : vector<16xi32>
      %broadcast_in_dim3A_1431 = vector.shape_cast %xor3A_1430 : vector<16xi32> to vector<16x1xi32>
      %gather3A_1432 = vector.shape_cast %broadcast_in_dim3A_1431 : vector<16x1xi32> to vector<16xi32>
      %gather3A_1433 = tpu.dynamic_gather %add3A_1427[%gather3A_1432] in [0] : vector<16xf32>, vector<16xi32> -> vector<16xf32>
      %add3A_1434 = arith.addf %add3A_1427, %gather3A_1433 : vector<16xf32>
      %eq3A_1435 = arith.constant 10 : i32
      %eq3A_1436 = vector.broadcast %eq3A_1435 : i32 to vector<16xi32>
      %eq3A_1437 = arith.cmpi eq, %iota3A, %eq3A_1436 : vector<16xi32>
      %select_n3A_1438 = arith.select %eq3A_1437, %add3A_1434, %select_n3A_1308 : vector<16xi1>, vector<16xf32>
      %broadcast_in_dim3A_1439 = arith.constant 0.000000e+00 : f32
      %broadcast_in_dim3A_1440 = vector.broadcast %broadcast_in_dim3A_1439 : f32 to vector<16xf32>
      %get3A_1441 = arith.constant 11 : i32
      %get3A_1442 = arith.index_cast %get3A_1441 : i32 to index
      %get3A_1443 = arith.constant 0 : index
      %get3A_1444 = tpu.vector_load %arg9[%get3A_1442, %get3A_1443] {strides = array<i32>} : memref<16x128xf32, #tpu.memory_space<vmem>>, vector<1x16xf32>,
      %get3A_1445 = vector.shape_cast %get3A_1444 : vector<1x16xf32> to vector<16xf32>
      %get3A_1446 = arith.constant 11 : i32
      %get3A_1447 = arith.index_cast %get3A_1446 : i32 to index
      %get3A_1448 = arith.constant 0 : index
      %get3A_1449 = tpu.vector_load %arg8[%get3A_1447, %get3A_1448] {strides = array<i32>} : memref<16x128xf32, #tpu.memory_space<vmem>>, vector<1x16xf32>,
      %get3A_1450 = vector.shape_cast %get3A_1449 : vector<1x16xf32> to vector<16xf32>
      %mul3A_1451 = arith.mulf %get3A_1445, %get3A_1450 : vector<16xf32>
      %add3A_1452 = arith.addf %broadcast_in_dim3A_1440, %mul3A_1451 : vector<16xf32>
      %get3A_1453 = arith.constant 11 : i32
      %get3A_1454 = arith.index_cast %get3A_1453 : i32 to index
      %get3A_1455 = arith.constant 16 : index
      %get3A_1456 = tpu.vector_load %arg9[%get3A_1454, %get3A_1455] {strides = array<i32>} : memref<16x128xf32, #tpu.memory_space<vmem>>, vector<1x16xf32>,
      %get3A_1457 = vector.shape_cast %get3A_1456 : vector<1x16xf32> to vector<16xf32>
      %get3A_1458 = arith.constant 11 : i32
      %get3A_1459 = arith.index_cast %get3A_1458 : i32 to index
      %get3A_1460 = arith.constant 16 : index
      %get3A_1461 = tpu.vector_load %arg8[%get3A_1459, %get3A_1460] {strides = array<i32>} : memref<16x128xf32, #tpu.memory_space<vmem>>, vector<1x16xf32>,
      %get3A_1462 = vector.shape_cast %get3A_1461 : vector<1x16xf32> to vector<16xf32>
      %mul3A_1463 = arith.mulf %get3A_1457, %get3A_1462 : vector<16xf32>
      %add3A_1464 = arith.addf %add3A_1452, %mul3A_1463 : vector<16xf32>
      %get3A_1465 = arith.constant 11 : i32
      %get3A_1466 = arith.index_cast %get3A_1465 : i32 to index
      %get3A_1467 = arith.constant 32 : index
      %get3A_1468 = tpu.vector_load %arg9[%get3A_1466, %get3A_1467] {strides = array<i32>} : memref<16x128xf32, #tpu.memory_space<vmem>>, vector<1x16xf32>,
      %get3A_1469 = vector.shape_cast %get3A_1468 : vector<1x16xf32> to vector<16xf32>
      %get3A_1470 = arith.constant 11 : i32
      %get3A_1471 = arith.index_cast %get3A_1470 : i32 to index
      %get3A_1472 = arith.constant 32 : index
      %get3A_1473 = tpu.vector_load %arg8[%get3A_1471, %get3A_1472] {strides = array<i32>} : memref<16x128xf32, #tpu.memory_space<vmem>>, vector<1x16xf32>,
      %get3A_1474 = vector.shape_cast %get3A_1473 : vector<1x16xf32> to vector<16xf32>
      %mul3A_1475 = arith.mulf %get3A_1469, %get3A_1474 : vector<16xf32>
      %add3A_1476 = arith.addf %add3A_1464, %mul3A_1475 : vector<16xf32>
      %get3A_1477 = arith.constant 11 : i32
      %get3A_1478 = arith.index_cast %get3A_1477 : i32 to index
      %get3A_1479 = arith.constant 48 : index
      %get3A_1480 = tpu.vector_load %arg9[%get3A_1478, %get3A_1479] {strides = array<i32>} : memref<16x128xf32, #tpu.memory_space<vmem>>, vector<1x16xf32>,
      %get3A_1481 = vector.shape_cast %get3A_1480 : vector<1x16xf32> to vector<16xf32>
      %get3A_1482 = arith.constant 11 : i32
      %get3A_1483 = arith.index_cast %get3A_1482 : i32 to index
      %get3A_1484 = arith.constant 48 : index
      %get3A_1485 = tpu.vector_load %arg8[%get3A_1483, %get3A_1484] {strides = array<i32>} : memref<16x128xf32, #tpu.memory_space<vmem>>, vector<1x16xf32>,
      %get3A_1486 = vector.shape_cast %get3A_1485 : vector<1x16xf32> to vector<16xf32>
      %mul3A_1487 = arith.mulf %get3A_1481, %get3A_1486 : vector<16xf32>
      %add3A_1488 = arith.addf %add3A_1476, %mul3A_1487 : vector<16xf32>
      %get3A_1489 = arith.constant 11 : i32
      %get3A_1490 = arith.index_cast %get3A_1489 : i32 to index
      %get3A_1491 = arith.constant 64 : index
      %get3A_1492 = tpu.vector_load %arg9[%get3A_1490, %get3A_1491] {strides = array<i32>} : memref<16x128xf32, #tpu.memory_space<vmem>>, vector<1x16xf32>,
      %get3A_1493 = vector.shape_cast %get3A_1492 : vector<1x16xf32> to vector<16xf32>
      %get3A_1494 = arith.constant 11 : i32
      %get3A_1495 = arith.index_cast %get3A_1494 : i32 to index
      %get3A_1496 = arith.constant 64 : index
      %get3A_1497 = tpu.vector_load %arg8[%get3A_1495, %get3A_1496] {strides = array<i32>} : memref<16x128xf32, #tpu.memory_space<vmem>>, vector<1x16xf32>,
      %get3A_1498 = vector.shape_cast %get3A_1497 : vector<1x16xf32> to vector<16xf32>
      %mul3A_1499 = arith.mulf %get3A_1493, %get3A_1498 : vector<16xf32>
      %add3A_1500 = arith.addf %add3A_1488, %mul3A_1499 : vector<16xf32>
      %get3A_1501 = arith.constant 11 : i32
      %get3A_1502 = arith.index_cast %get3A_1501 : i32 to index
      %get3A_1503 = arith.constant 80 : index
      %get3A_1504 = tpu.vector_load %arg9[%get3A_1502, %get3A_1503] {strides = array<i32>} : memref<16x128xf32, #tpu.memory_space<vmem>>, vector<1x16xf32>,
      %get3A_1505 = vector.shape_cast %get3A_1504 : vector<1x16xf32> to vector<16xf32>
      %get3A_1506 = arith.constant 11 : i32
      %get3A_1507 = arith.index_cast %get3A_1506 : i32 to index
      %get3A_1508 = arith.constant 80 : index
      %get3A_1509 = tpu.vector_load %arg8[%get3A_1507, %get3A_1508] {strides = array<i32>} : memref<16x128xf32, #tpu.memory_space<vmem>>, vector<1x16xf32>,
      %get3A_1510 = vector.shape_cast %get3A_1509 : vector<1x16xf32> to vector<16xf32>
      %mul3A_1511 = arith.mulf %get3A_1505, %get3A_1510 : vector<16xf32>
      %add3A_1512 = arith.addf %add3A_1500, %mul3A_1511 : vector<16xf32>
      %get3A_1513 = arith.constant 11 : i32
      %get3A_1514 = arith.index_cast %get3A_1513 : i32 to index
      %get3A_1515 = arith.constant 96 : index
      %get3A_1516 = tpu.vector_load %arg9[%get3A_1514, %get3A_1515] {strides = array<i32>} : memref<16x128xf32, #tpu.memory_space<vmem>>, vector<1x16xf32>,
      %get3A_1517 = vector.shape_cast %get3A_1516 : vector<1x16xf32> to vector<16xf32>
      %get3A_1518 = arith.constant 11 : i32
      %get3A_1519 = arith.index_cast %get3A_1518 : i32 to index
      %get3A_1520 = arith.constant 96 : index
      %get3A_1521 = tpu.vector_load %arg8[%get3A_1519, %get3A_1520] {strides = array<i32>} : memref<16x128xf32, #tpu.memory_space<vmem>>, vector<1x16xf32>,
      %get3A_1522 = vector.shape_cast %get3A_1521 : vector<1x16xf32> to vector<16xf32>
      %mul3A_1523 = arith.mulf %get3A_1517, %get3A_1522 : vector<16xf32>
      %add3A_1524 = arith.addf %add3A_1512, %mul3A_1523 : vector<16xf32>
      %get3A_1525 = arith.constant 11 : i32
      %get3A_1526 = arith.index_cast %get3A_1525 : i32 to index
      %get3A_1527 = arith.constant 112 : index
      %get3A_1528 = tpu.vector_load %arg9[%get3A_1526, %get3A_1527] {strides = array<i32>} : memref<16x128xf32, #tpu.memory_space<vmem>>, vector<1x16xf32>,
      %get3A_1529 = vector.shape_cast %get3A_1528 : vector<1x16xf32> to vector<16xf32>
      %get3A_1530 = arith.constant 11 : i32
      %get3A_1531 = arith.index_cast %get3A_1530 : i32 to index
      %get3A_1532 = arith.constant 112 : index
      %get3A_1533 = tpu.vector_load %arg8[%get3A_1531, %get3A_1532] {strides = array<i32>} : memref<16x128xf32, #tpu.memory_space<vmem>>, vector<1x16xf32>,
      %get3A_1534 = vector.shape_cast %get3A_1533 : vector<1x16xf32> to vector<16xf32>
      %mul3A_1535 = arith.mulf %get3A_1529, %get3A_1534 : vector<16xf32>
      %add3A_1536 = arith.addf %add3A_1524, %mul3A_1535 : vector<16xf32>
      %xor3A_1537 = arith.constant 8 : i32
      %xor3A_1538 = vector.broadcast %xor3A_1537 : i32 to vector<16xi32>
      %xor3A_1539 = arith.xori %iota3A, %xor3A_1538 : vector<16xi32>
      %broadcast_in_dim3A_1540 = vector.shape_cast %xor3A_1539 : vector<16xi32> to vector<16x1xi32>
      %gather3A_1541 = vector.shape_cast %broadcast_in_dim3A_1540 : vector<16x1xi32> to vector<16xi32>
      %gather3A_1542 = tpu.dynamic_gather %add3A_1536[%gather3A_1541] in [0] : vector<16xf32>, vector<16xi32> -> vector<16xf32>
      %add3A_1543 = arith.addf %add3A_1536, %gather3A_1542 : vector<16xf32>
      %xor3A_1544 = arith.constant 4 : i32
      %xor3A_1545 = vector.broadcast %xor3A_1544 : i32 to vector<16xi32>
      %xor3A_1546 = arith.xori %iota3A, %xor3A_1545 : vector<16xi32>
      %broadcast_in_dim3A_1547 = vector.shape_cast %xor3A_1546 : vector<16xi32> to vector<16x1xi32>
      %gather3A_1548 = vector.shape_cast %broadcast_in_dim3A_1547 : vector<16x1xi32> to vector<16xi32>
      %gather3A_1549 = tpu.dynamic_gather %add3A_1543[%gather3A_1548] in [0] : vector<16xf32>, vector<16xi32> -> vector<16xf32>
      %add3A_1550 = arith.addf %add3A_1543, %gather3A_1549 : vector<16xf32>
      %xor3A_1551 = arith.constant 2 : i32
      %xor3A_1552 = vector.broadcast %xor3A_1551 : i32 to vector<16xi32>
      %xor3A_1553 = arith.xori %iota3A, %xor3A_1552 : vector<16xi32>
      %broadcast_in_dim3A_1554 = vector.shape_cast %xor3A_1553 : vector<16xi32> to vector<16x1xi32>
      %gather3A_1555 = vector.shape_cast %broadcast_in_dim3A_1554 : vector<16x1xi32> to vector<16xi32>
      %gather3A_1556 = tpu.dynamic_gather %add3A_1550[%gather3A_1555] in [0] : vector<16xf32>, vector<16xi32> -> vector<16xf32>
      %add3A_1557 = arith.addf %add3A_1550, %gather3A_1556 : vector<16xf32>
      %xor3A_1558 = arith.constant 1 : i32
      %xor3A_1559 = vector.broadcast %xor3A_1558 : i32 to vector<16xi32>
      %xor3A_1560 = arith.xori %iota3A, %xor3A_1559 : vector<16xi32>
      %broadcast_in_dim3A_1561 = vector.shape_cast %xor3A_1560 : vector<16xi32> to vector<16x1xi32>
      %gather3A_1562 = vector.shape_cast %broadcast_in_dim3A_1561 : vector<16x1xi32> to vector<16xi32>
      %gather3A_1563 = tpu.dynamic_gather %add3A_1557[%gather3A_1562] in [0] : vector<16xf32>, vector<16xi32> -> vector<16xf32>
      %add3A_1564 = arith.addf %add3A_1557, %gather3A_1563 : vector<16xf32>
      %eq3A_1565 = arith.constant 11 : i32
      %eq3A_1566 = vector.broadcast %eq3A_1565 : i32 to vector<16xi32>
      %eq3A_1567 = arith.cmpi eq, %iota3A, %eq3A_1566 : vector<16xi32>
      %select_n3A_1568 = arith.select %eq3A_1567, %add3A_1564, %select_n3A_1438 : vector<16xi1>, vector<16xf32>
      %broadcast_in_dim3A_1569 = arith.constant 0.000000e+00 : f32
      %broadcast_in_dim3A_1570 = vector.broadcast %broadcast_in_dim3A_1569 : f32 to vector<16xf32>
      %get3A_1571 = arith.constant 12 : i32
      %get3A_1572 = arith.index_cast %get3A_1571 : i32 to index
      %get3A_1573 = arith.constant 0 : index
      %get3A_1574 = tpu.vector_load %arg9[%get3A_1572, %get3A_1573] {strides = array<i32>} : memref<16x128xf32, #tpu.memory_space<vmem>>, vector<1x16xf32>,
      %get3A_1575 = vector.shape_cast %get3A_1574 : vector<1x16xf32> to vector<16xf32>
      %get3A_1576 = arith.constant 12 : i32
      %get3A_1577 = arith.index_cast %get3A_1576 : i32 to index
      %get3A_1578 = arith.constant 0 : index
      %get3A_1579 = tpu.vector_load %arg8[%get3A_1577, %get3A_1578] {strides = array<i32>} : memref<16x128xf32, #tpu.memory_space<vmem>>, vector<1x16xf32>,
      %get3A_1580 = vector.shape_cast %get3A_1579 : vector<1x16xf32> to vector<16xf32>
      %mul3A_1581 = arith.mulf %get3A_1575, %get3A_1580 : vector<16xf32>
      %add3A_1582 = arith.addf %broadcast_in_dim3A_1570, %mul3A_1581 : vector<16xf32>
      %get3A_1583 = arith.constant 12 : i32
      %get3A_1584 = arith.index_cast %get3A_1583 : i32 to index
      %get3A_1585 = arith.constant 16 : index
      %get3A_1586 = tpu.vector_load %arg9[%get3A_1584, %get3A_1585] {strides = array<i32>} : memref<16x128xf32, #tpu.memory_space<vmem>>, vector<1x16xf32>,
      %get3A_1587 = vector.shape_cast %get3A_1586 : vector<1x16xf32> to vector<16xf32>
      %get3A_1588 = arith.constant 12 : i32
      %get3A_1589 = arith.index_cast %get3A_1588 : i32 to index
      %get3A_1590 = arith.constant 16 : index
      %get3A_1591 = tpu.vector_load %arg8[%get3A_1589, %get3A_1590] {strides = array<i32>} : memref<16x128xf32, #tpu.memory_space<vmem>>, vector<1x16xf32>,
      %get3A_1592 = vector.shape_cast %get3A_1591 : vector<1x16xf32> to vector<16xf32>
      %mul3A_1593 = arith.mulf %get3A_1587, %get3A_1592 : vector<16xf32>
      %add3A_1594 = arith.addf %add3A_1582, %mul3A_1593 : vector<16xf32>
      %get3A_1595 = arith.constant 12 : i32
      %get3A_1596 = arith.index_cast %get3A_1595 : i32 to index
      %get3A_1597 = arith.constant 32 : index
      %get3A_1598 = tpu.vector_load %arg9[%get3A_1596, %get3A_1597] {strides = array<i32>} : memref<16x128xf32, #tpu.memory_space<vmem>>, vector<1x16xf32>,
      %get3A_1599 = vector.shape_cast %get3A_1598 : vector<1x16xf32> to vector<16xf32>
      %get3A_1600 = arith.constant 12 : i32
      %get3A_1601 = arith.index_cast %get3A_1600 : i32 to index
      %get3A_1602 = arith.constant 32 : index
      %get3A_1603 = tpu.vector_load %arg8[%get3A_1601, %get3A_1602] {strides = array<i32>} : memref<16x128xf32, #tpu.memory_space<vmem>>, vector<1x16xf32>,
      %get3A_1604 = vector.shape_cast %get3A_1603 : vector<1x16xf32> to vector<16xf32>
      %mul3A_1605 = arith.mulf %get3A_1599, %get3A_1604 : vector<16xf32>
      %add3A_1606 = arith.addf %add3A_1594, %mul3A_1605 : vector<16xf32>
      %get3A_1607 = arith.constant 12 : i32
      %get3A_1608 = arith.index_cast %get3A_1607 : i32 to index
      %get3A_1609 = arith.constant 48 : index
      %get3A_1610 = tpu.vector_load %arg9[%get3A_1608, %get3A_1609] {strides = array<i32>} : memref<16x128xf32, #tpu.memory_space<vmem>>, vector<1x16xf32>,
      %get3A_1611 = vector.shape_cast %get3A_1610 : vector<1x16xf32> to vector<16xf32>
      %get3A_1612 = arith.constant 12 : i32
      %get3A_1613 = arith.index_cast %get3A_1612 : i32 to index
      %get3A_1614 = arith.constant 48 : index
      %get3A_1615 = tpu.vector_load %arg8[%get3A_1613, %get3A_1614] {strides = array<i32>} : memref<16x128xf32, #tpu.memory_space<vmem>>, vector<1x16xf32>,
      %get3A_1616 = vector.shape_cast %get3A_1615 : vector<1x16xf32> to vector<16xf32>
      %mul3A_1617 = arith.mulf %get3A_1611, %get3A_1616 : vector<16xf32>
      %add3A_1618 = arith.addf %add3A_1606, %mul3A_1617 : vector<16xf32>
      %get3A_1619 = arith.constant 12 : i32
      %get3A_1620 = arith.index_cast %get3A_1619 : i32 to index
      %get3A_1621 = arith.constant 64 : index
      %get3A_1622 = tpu.vector_load %arg9[%get3A_1620, %get3A_1621] {strides = array<i32>} : memref<16x128xf32, #tpu.memory_space<vmem>>, vector<1x16xf32>,
      %get3A_1623 = vector.shape_cast %get3A_1622 : vector<1x16xf32> to vector<16xf32>
      %get3A_1624 = arith.constant 12 : i32
      %get3A_1625 = arith.index_cast %get3A_1624 : i32 to index
      %get3A_1626 = arith.constant 64 : index
      %get3A_1627 = tpu.vector_load %arg8[%get3A_1625, %get3A_1626] {strides = array<i32>} : memref<16x128xf32, #tpu.memory_space<vmem>>, vector<1x16xf32>,
      %get3A_1628 = vector.shape_cast %get3A_1627 : vector<1x16xf32> to vector<16xf32>
      %mul3A_1629 = arith.mulf %get3A_1623, %get3A_1628 : vector<16xf32>
      %add3A_1630 = arith.addf %add3A_1618, %mul3A_1629 : vector<16xf32>
      %get3A_1631 = arith.constant 12 : i32
      %get3A_1632 = arith.index_cast %get3A_1631 : i32 to index
      %get3A_1633 = arith.constant 80 : index
      %get3A_1634 = tpu.vector_load %arg9[%get3A_1632, %get3A_1633] {strides = array<i32>} : memref<16x128xf32, #tpu.memory_space<vmem>>, vector<1x16xf32>,
      %get3A_1635 = vector.shape_cast %get3A_1634 : vector<1x16xf32> to vector<16xf32>
      %get3A_1636 = arith.constant 12 : i32
      %get3A_1637 = arith.index_cast %get3A_1636 : i32 to index
      %get3A_1638 = arith.constant 80 : index
      %get3A_1639 = tpu.vector_load %arg8[%get3A_1637, %get3A_1638] {strides = array<i32>} : memref<16x128xf32, #tpu.memory_space<vmem>>, vector<1x16xf32>,
      %get3A_1640 = vector.shape_cast %get3A_1639 : vector<1x16xf32> to vector<16xf32>
      %mul3A_1641 = arith.mulf %get3A_1635, %get3A_1640 : vector<16xf32>
      %add3A_1642 = arith.addf %add3A_1630, %mul3A_1641 : vector<16xf32>
      %get3A_1643 = arith.constant 12 : i32
      %get3A_1644 = arith.index_cast %get3A_1643 : i32 to index
      %get3A_1645 = arith.constant 96 : index
      %get3A_1646 = tpu.vector_load %arg9[%get3A_1644, %get3A_1645] {strides = array<i32>} : memref<16x128xf32, #tpu.memory_space<vmem>>, vector<1x16xf32>,
      %get3A_1647 = vector.shape_cast %get3A_1646 : vector<1x16xf32> to vector<16xf32>
      %get3A_1648 = arith.constant 12 : i32
      %get3A_1649 = arith.index_cast %get3A_1648 : i32 to index
      %get3A_1650 = arith.constant 96 : index
      %get3A_1651 = tpu.vector_load %arg8[%get3A_1649, %get3A_1650] {strides = array<i32>} : memref<16x128xf32, #tpu.memory_space<vmem>>, vector<1x16xf32>,
      %get3A_1652 = vector.shape_cast %get3A_1651 : vector<1x16xf32> to vector<16xf32>
      %mul3A_1653 = arith.mulf %get3A_1647, %get3A_1652 : vector<16xf32>
      %add3A_1654 = arith.addf %add3A_1642, %mul3A_1653 : vector<16xf32>
      %get3A_1655 = arith.constant 12 : i32
      %get3A_1656 = arith.index_cast %get3A_1655 : i32 to index
      %get3A_1657 = arith.constant 112 : index
      %get3A_1658 = tpu.vector_load %arg9[%get3A_1656, %get3A_1657] {strides = array<i32>} : memref<16x128xf32, #tpu.memory_space<vmem>>, vector<1x16xf32>,
      %get3A_1659 = vector.shape_cast %get3A_1658 : vector<1x16xf32> to vector<16xf32>
      %get3A_1660 = arith.constant 12 : i32
      %get3A_1661 = arith.index_cast %get3A_1660 : i32 to index
      %get3A_1662 = arith.constant 112 : index
      %get3A_1663 = tpu.vector_load %arg8[%get3A_1661, %get3A_1662] {strides = array<i32>} : memref<16x128xf32, #tpu.memory_space<vmem>>, vector<1x16xf32>,
      %get3A_1664 = vector.shape_cast %get3A_1663 : vector<1x16xf32> to vector<16xf32>
      %mul3A_1665 = arith.mulf %get3A_1659, %get3A_1664 : vector<16xf32>
      %add3A_1666 = arith.addf %add3A_1654, %mul3A_1665 : vector<16xf32>
      %xor3A_1667 = arith.constant 8 : i32
      %xor3A_1668 = vector.broadcast %xor3A_1667 : i32 to vector<16xi32>
      %xor3A_1669 = arith.xori %iota3A, %xor3A_1668 : vector<16xi32>
      %broadcast_in_dim3A_1670 = vector.shape_cast %xor3A_1669 : vector<16xi32> to vector<16x1xi32>
      %gather3A_1671 = vector.shape_cast %broadcast_in_dim3A_1670 : vector<16x1xi32> to vector<16xi32>
      %gather3A_1672 = tpu.dynamic_gather %add3A_1666[%gather3A_1671] in [0] : vector<16xf32>, vector<16xi32> -> vector<16xf32>
      %add3A_1673 = arith.addf %add3A_1666, %gather3A_1672 : vector<16xf32>
      %xor3A_1674 = arith.constant 4 : i32
      %xor3A_1675 = vector.broadcast %xor3A_1674 : i32 to vector<16xi32>
      %xor3A_1676 = arith.xori %iota3A, %xor3A_1675 : vector<16xi32>
      %broadcast_in_dim3A_1677 = vector.shape_cast %xor3A_1676 : vector<16xi32> to vector<16x1xi32>
      %gather3A_1678 = vector.shape_cast %broadcast_in_dim3A_1677 : vector<16x1xi32> to vector<16xi32>
      %gather3A_1679 = tpu.dynamic_gather %add3A_1673[%gather3A_1678] in [0] : vector<16xf32>, vector<16xi32> -> vector<16xf32>
      %add3A_1680 = arith.addf %add3A_1673, %gather3A_1679 : vector<16xf32>
      %xor3A_1681 = arith.constant 2 : i32
      %xor3A_1682 = vector.broadcast %xor3A_1681 : i32 to vector<16xi32>
      %xor3A_1683 = arith.xori %iota3A, %xor3A_1682 : vector<16xi32>
      %broadcast_in_dim3A_1684 = vector.shape_cast %xor3A_1683 : vector<16xi32> to vector<16x1xi32>
      %gather3A_1685 = vector.shape_cast %broadcast_in_dim3A_1684 : vector<16x1xi32> to vector<16xi32>
      %gather3A_1686 = tpu.dynamic_gather %add3A_1680[%gather3A_1685] in [0] : vector<16xf32>, vector<16xi32> -> vector<16xf32>
      %add3A_1687 = arith.addf %add3A_1680, %gather3A_1686 : vector<16xf32>
      %xor3A_1688 = arith.constant 1 : i32
      %xor3A_1689 = vector.broadcast %xor3A_1688 : i32 to vector<16xi32>
      %xor3A_1690 = arith.xori %iota3A, %xor3A_1689 : vector<16xi32>
      %broadcast_in_dim3A_1691 = vector.shape_cast %xor3A_1690 : vector<16xi32> to vector<16x1xi32>
      %gather3A_1692 = vector.shape_cast %broadcast_in_dim3A_1691 : vector<16x1xi32> to vector<16xi32>
      %gather3A_1693 = tpu.dynamic_gather %add3A_1687[%gather3A_1692] in [0] : vector<16xf32>, vector<16xi32> -> vector<16xf32>
      %add3A_1694 = arith.addf %add3A_1687, %gather3A_1693 : vector<16xf32>
      %eq3A_1695 = arith.constant 12 : i32
      %eq3A_1696 = vector.broadcast %eq3A_1695 : i32 to vector<16xi32>
      %eq3A_1697 = arith.cmpi eq, %iota3A, %eq3A_1696 : vector<16xi32>
      %select_n3A_1698 = arith.select %eq3A_1697, %add3A_1694, %select_n3A_1568 : vector<16xi1>, vector<16xf32>
      %broadcast_in_dim3A_1699 = arith.constant 0.000000e+00 : f32
      %broadcast_in_dim3A_1700 = vector.broadcast %broadcast_in_dim3A_1699 : f32 to vector<16xf32>
      %get3A_1701 = arith.constant 13 : i32
      %get3A_1702 = arith.index_cast %get3A_1701 : i32 to index
      %get3A_1703 = arith.constant 0 : index
      %get3A_1704 = tpu.vector_load %arg9[%get3A_1702, %get3A_1703] {strides = array<i32>} : memref<16x128xf32, #tpu.memory_space<vmem>>, vector<1x16xf32>,
      %get3A_1705 = vector.shape_cast %get3A_1704 : vector<1x16xf32> to vector<16xf32>
      %get3A_1706 = arith.constant 13 : i32
      %get3A_1707 = arith.index_cast %get3A_1706 : i32 to index
      %get3A_1708 = arith.constant 0 : index
      %get3A_1709 = tpu.vector_load %arg8[%get3A_1707, %get3A_1708] {strides = array<i32>} : memref<16x128xf32, #tpu.memory_space<vmem>>, vector<1x16xf32>,
      %get3A_1710 = vector.shape_cast %get3A_1709 : vector<1x16xf32> to vector<16xf32>
      %mul3A_1711 = arith.mulf %get3A_1705, %get3A_1710 : vector<16xf32>
      %add3A_1712 = arith.addf %broadcast_in_dim3A_1700, %mul3A_1711 : vector<16xf32>
      %get3A_1713 = arith.constant 13 : i32
      %get3A_1714 = arith.index_cast %get3A_1713 : i32 to index
      %get3A_1715 = arith.constant 16 : index
      %get3A_1716 = tpu.vector_load %arg9[%get3A_1714, %get3A_1715] {strides = array<i32>} : memref<16x128xf32, #tpu.memory_space<vmem>>, vector<1x16xf32>,
      %get3A_1717 = vector.shape_cast %get3A_1716 : vector<1x16xf32> to vector<16xf32>
      %get3A_1718 = arith.constant 13 : i32
      %get3A_1719 = arith.index_cast %get3A_1718 : i32 to index
      %get3A_1720 = arith.constant 16 : index
      %get3A_1721 = tpu.vector_load %arg8[%get3A_1719, %get3A_1720] {strides = array<i32>} : memref<16x128xf32, #tpu.memory_space<vmem>>, vector<1x16xf32>,
      %get3A_1722 = vector.shape_cast %get3A_1721 : vector<1x16xf32> to vector<16xf32>
      %mul3A_1723 = arith.mulf %get3A_1717, %get3A_1722 : vector<16xf32>
      %add3A_1724 = arith.addf %add3A_1712, %mul3A_1723 : vector<16xf32>
      %get3A_1725 = arith.constant 13 : i32
      %get3A_1726 = arith.index_cast %get3A_1725 : i32 to index
      %get3A_1727 = arith.constant 32 : index
      %get3A_1728 = tpu.vector_load %arg9[%get3A_1726, %get3A_1727] {strides = array<i32>} : memref<16x128xf32, #tpu.memory_space<vmem>>, vector<1x16xf32>,
      %get3A_1729 = vector.shape_cast %get3A_1728 : vector<1x16xf32> to vector<16xf32>
      %get3A_1730 = arith.constant 13 : i32
      %get3A_1731 = arith.index_cast %get3A_1730 : i32 to index
      %get3A_1732 = arith.constant 32 : index
      %get3A_1733 = tpu.vector_load %arg8[%get3A_1731, %get3A_1732] {strides = array<i32>} : memref<16x128xf32, #tpu.memory_space<vmem>>, vector<1x16xf32>,
      %get3A_1734 = vector.shape_cast %get3A_1733 : vector<1x16xf32> to vector<16xf32>
      %mul3A_1735 = arith.mulf %get3A_1729, %get3A_1734 : vector<16xf32>
      %add3A_1736 = arith.addf %add3A_1724, %mul3A_1735 : vector<16xf32>
      %get3A_1737 = arith.constant 13 : i32
      %get3A_1738 = arith.index_cast %get3A_1737 : i32 to index
      %get3A_1739 = arith.constant 48 : index
      %get3A_1740 = tpu.vector_load %arg9[%get3A_1738, %get3A_1739] {strides = array<i32>} : memref<16x128xf32, #tpu.memory_space<vmem>>, vector<1x16xf32>,
      %get3A_1741 = vector.shape_cast %get3A_1740 : vector<1x16xf32> to vector<16xf32>
      %get3A_1742 = arith.constant 13 : i32
      %get3A_1743 = arith.index_cast %get3A_1742 : i32 to index
      %get3A_1744 = arith.constant 48 : index
      %get3A_1745 = tpu.vector_load %arg8[%get3A_1743, %get3A_1744] {strides = array<i32>} : memref<16x128xf32, #tpu.memory_space<vmem>>, vector<1x16xf32>,
      %get3A_1746 = vector.shape_cast %get3A_1745 : vector<1x16xf32> to vector<16xf32>
      %mul3A_1747 = arith.mulf %get3A_1741, %get3A_1746 : vector<16xf32>
      %add3A_1748 = arith.addf %add3A_1736, %mul3A_1747 : vector<16xf32>
      %get3A_1749 = arith.constant 13 : i32
      %get3A_1750 = arith.index_cast %get3A_1749 : i32 to index
      %get3A_1751 = arith.constant 64 : index
      %get3A_1752 = tpu.vector_load %arg9[%get3A_1750, %get3A_1751] {strides = array<i32>} : memref<16x128xf32, #tpu.memory_space<vmem>>, vector<1x16xf32>,
      %get3A_1753 = vector.shape_cast %get3A_1752 : vector<1x16xf32> to vector<16xf32>
      %get3A_1754 = arith.constant 13 : i32
      %get3A_1755 = arith.index_cast %get3A_1754 : i32 to index
      %get3A_1756 = arith.constant 64 : index
      %get3A_1757 = tpu.vector_load %arg8[%get3A_1755, %get3A_1756] {strides = array<i32>} : memref<16x128xf32, #tpu.memory_space<vmem>>, vector<1x16xf32>,
      %get3A_1758 = vector.shape_cast %get3A_1757 : vector<1x16xf32> to vector<16xf32>
      %mul3A_1759 = arith.mulf %get3A_1753, %get3A_1758 : vector<16xf32>
      %add3A_1760 = arith.addf %add3A_1748, %mul3A_1759 : vector<16xf32>
      %get3A_1761 = arith.constant 13 : i32
      %get3A_1762 = arith.index_cast %get3A_1761 : i32 to index
      %get3A_1763 = arith.constant 80 : index
      %get3A_1764 = tpu.vector_load %arg9[%get3A_1762, %get3A_1763] {strides = array<i32>} : memref<16x128xf32, #tpu.memory_space<vmem>>, vector<1x16xf32>,
      %get3A_1765 = vector.shape_cast %get3A_1764 : vector<1x16xf32> to vector<16xf32>
      %get3A_1766 = arith.constant 13 : i32
      %get3A_1767 = arith.index_cast %get3A_1766 : i32 to index
      %get3A_1768 = arith.constant 80 : index
      %get3A_1769 = tpu.vector_load %arg8[%get3A_1767, %get3A_1768] {strides = array<i32>} : memref<16x128xf32, #tpu.memory_space<vmem>>, vector<1x16xf32>,
      %get3A_1770 = vector.shape_cast %get3A_1769 : vector<1x16xf32> to vector<16xf32>
      %mul3A_1771 = arith.mulf %get3A_1765, %get3A_1770 : vector<16xf32>
      %add3A_1772 = arith.addf %add3A_1760, %mul3A_1771 : vector<16xf32>
      %get3A_1773 = arith.constant 13 : i32
      %get3A_1774 = arith.index_cast %get3A_1773 : i32 to index
      %get3A_1775 = arith.constant 96 : index
      %get3A_1776 = tpu.vector_load %arg9[%get3A_1774, %get3A_1775] {strides = array<i32>} : memref<16x128xf32, #tpu.memory_space<vmem>>, vector<1x16xf32>,
      %get3A_1777 = vector.shape_cast %get3A_1776 : vector<1x16xf32> to vector<16xf32>
      %get3A_1778 = arith.constant 13 : i32
      %get3A_1779 = arith.index_cast %get3A_1778 : i32 to index
      %get3A_1780 = arith.constant 96 : index
      %get3A_1781 = tpu.vector_load %arg8[%get3A_1779, %get3A_1780] {strides = array<i32>} : memref<16x128xf32, #tpu.memory_space<vmem>>, vector<1x16xf32>,
      %get3A_1782 = vector.shape_cast %get3A_1781 : vector<1x16xf32> to vector<16xf32>
      %mul3A_1783 = arith.mulf %get3A_1777, %get3A_1782 : vector<16xf32>
      %add3A_1784 = arith.addf %add3A_1772, %mul3A_1783 : vector<16xf32>
      %get3A_1785 = arith.constant 13 : i32
      %get3A_1786 = arith.index_cast %get3A_1785 : i32 to index
      %get3A_1787 = arith.constant 112 : index
      %get3A_1788 = tpu.vector_load %arg9[%get3A_1786, %get3A_1787] {strides = array<i32>} : memref<16x128xf32, #tpu.memory_space<vmem>>, vector<1x16xf32>,
      %get3A_1789 = vector.shape_cast %get3A_1788 : vector<1x16xf32> to vector<16xf32>
      %get3A_1790 = arith.constant 13 : i32
      %get3A_1791 = arith.index_cast %get3A_1790 : i32 to index
      %get3A_1792 = arith.constant 112 : index
      %get3A_1793 = tpu.vector_load %arg8[%get3A_1791, %get3A_1792] {strides = array<i32>} : memref<16x128xf32, #tpu.memory_space<vmem>>, vector<1x16xf32>,
      %get3A_1794 = vector.shape_cast %get3A_1793 : vector<1x16xf32> to vector<16xf32>
      %mul3A_1795 = arith.mulf %get3A_1789, %get3A_1794 : vector<16xf32>
      %add3A_1796 = arith.addf %add3A_1784, %mul3A_1795 : vector<16xf32>
      %xor3A_1797 = arith.constant 8 : i32
      %xor3A_1798 = vector.broadcast %xor3A_1797 : i32 to vector<16xi32>
      %xor3A_1799 = arith.xori %iota3A, %xor3A_1798 : vector<16xi32>
      %broadcast_in_dim3A_1800 = vector.shape_cast %xor3A_1799 : vector<16xi32> to vector<16x1xi32>
      %gather3A_1801 = vector.shape_cast %broadcast_in_dim3A_1800 : vector<16x1xi32> to vector<16xi32>
      %gather3A_1802 = tpu.dynamic_gather %add3A_1796[%gather3A_1801] in [0] : vector<16xf32>, vector<16xi32> -> vector<16xf32>
      %add3A_1803 = arith.addf %add3A_1796, %gather3A_1802 : vector<16xf32>
      %xor3A_1804 = arith.constant 4 : i32
      %xor3A_1805 = vector.broadcast %xor3A_1804 : i32 to vector<16xi32>
      %xor3A_1806 = arith.xori %iota3A, %xor3A_1805 : vector<16xi32>
      %broadcast_in_dim3A_1807 = vector.shape_cast %xor3A_1806 : vector<16xi32> to vector<16x1xi32>
      %gather3A_1808 = vector.shape_cast %broadcast_in_dim3A_1807 : vector<16x1xi32> to vector<16xi32>
      %gather3A_1809 = tpu.dynamic_gather %add3A_1803[%gather3A_1808] in [0] : vector<16xf32>, vector<16xi32> -> vector<16xf32>
      %add3A_1810 = arith.addf %add3A_1803, %gather3A_1809 : vector<16xf32>
      %xor3A_1811 = arith.constant 2 : i32
      %xor3A_1812 = vector.broadcast %xor3A_1811 : i32 to vector<16xi32>
      %xor3A_1813 = arith.xori %iota3A, %xor3A_1812 : vector<16xi32>
      %broadcast_in_dim3A_1814 = vector.shape_cast %xor3A_1813 : vector<16xi32> to vector<16x1xi32>
      %gather3A_1815 = vector.shape_cast %broadcast_in_dim3A_1814 : vector<16x1xi32> to vector<16xi32>
      %gather3A_1816 = tpu.dynamic_gather %add3A_1810[%gather3A_1815] in [0] : vector<16xf32>, vector<16xi32> -> vector<16xf32>
      %add3A_1817 = arith.addf %add3A_1810, %gather3A_1816 : vector<16xf32>
      %xor3A_1818 = arith.constant 1 : i32
      %xor3A_1819 = vector.broadcast %xor3A_1818 : i32 to vector<16xi32>
      %xor3A_1820 = arith.xori %iota3A, %xor3A_1819 : vector<16xi32>
      %broadcast_in_dim3A_1821 = vector.shape_cast %xor3A_1820 : vector<16xi32> to vector<16x1xi32>
      %gather3A_1822 = vector.shape_cast %broadcast_in_dim3A_1821 : vector<16x1xi32> to vector<16xi32>
      %gather3A_1823 = tpu.dynamic_gather %add3A_1817[%gather3A_1822] in [0] : vector<16xf32>, vector<16xi32> -> vector<16xf32>
      %add3A_1824 = arith.addf %add3A_1817, %gather3A_1823 : vector<16xf32>
      %eq3A_1825 = arith.constant 13 : i32
      %eq3A_1826 = vector.broadcast %eq3A_1825 : i32 to vector<16xi32>
      %eq3A_1827 = arith.cmpi eq, %iota3A, %eq3A_1826 : vector<16xi32>
      %select_n3A_1828 = arith.select %eq3A_1827, %add3A_1824, %select_n3A_1698 : vector<16xi1>, vector<16xf32>
      %broadcast_in_dim3A_1829 = arith.constant 0.000000e+00 : f32
      %broadcast_in_dim3A_1830 = vector.broadcast %broadcast_in_dim3A_1829 : f32 to vector<16xf32>
      %get3A_1831 = arith.constant 14 : i32
      %get3A_1832 = arith.index_cast %get3A_1831 : i32 to index
      %get3A_1833 = arith.constant 0 : index
      %get3A_1834 = tpu.vector_load %arg9[%get3A_1832, %get3A_1833] {strides = array<i32>} : memref<16x128xf32, #tpu.memory_space<vmem>>, vector<1x16xf32>,
      %get3A_1835 = vector.shape_cast %get3A_1834 : vector<1x16xf32> to vector<16xf32>
      %get3A_1836 = arith.constant 14 : i32
      %get3A_1837 = arith.index_cast %get3A_1836 : i32 to index
      %get3A_1838 = arith.constant 0 : index
      %get3A_1839 = tpu.vector_load %arg8[%get3A_1837, %get3A_1838] {strides = array<i32>} : memref<16x128xf32, #tpu.memory_space<vmem>>, vector<1x16xf32>,
      %get3A_1840 = vector.shape_cast %get3A_1839 : vector<1x16xf32> to vector<16xf32>
      %mul3A_1841 = arith.mulf %get3A_1835, %get3A_1840 : vector<16xf32>
      %add3A_1842 = arith.addf %broadcast_in_dim3A_1830, %mul3A_1841 : vector<16xf32>
      %get3A_1843 = arith.constant 14 : i32
      %get3A_1844 = arith.index_cast %get3A_1843 : i32 to index
      %get3A_1845 = arith.constant 16 : index
      %get3A_1846 = tpu.vector_load %arg9[%get3A_1844, %get3A_1845] {strides = array<i32>} : memref<16x128xf32, #tpu.memory_space<vmem>>, vector<1x16xf32>,
      %get3A_1847 = vector.shape_cast %get3A_1846 : vector<1x16xf32> to vector<16xf32>
      %get3A_1848 = arith.constant 14 : i32
      %get3A_1849 = arith.index_cast %get3A_1848 : i32 to index
      %get3A_1850 = arith.constant 16 : index
      %get3A_1851 = tpu.vector_load %arg8[%get3A_1849, %get3A_1850] {strides = array<i32>} : memref<16x128xf32, #tpu.memory_space<vmem>>, vector<1x16xf32>,
      %get3A_1852 = vector.shape_cast %get3A_1851 : vector<1x16xf32> to vector<16xf32>
      %mul3A_1853 = arith.mulf %get3A_1847, %get3A_1852 : vector<16xf32>
      %add3A_1854 = arith.addf %add3A_1842, %mul3A_1853 : vector<16xf32>
      %get3A_1855 = arith.constant 14 : i32
      %get3A_1856 = arith.index_cast %get3A_1855 : i32 to index
      %get3A_1857 = arith.constant 32 : index
      %get3A_1858 = tpu.vector_load %arg9[%get3A_1856, %get3A_1857] {strides = array<i32>} : memref<16x128xf32, #tpu.memory_space<vmem>>, vector<1x16xf32>,
      %get3A_1859 = vector.shape_cast %get3A_1858 : vector<1x16xf32> to vector<16xf32>
      %get3A_1860 = arith.constant 14 : i32
      %get3A_1861 = arith.index_cast %get3A_1860 : i32 to index
      %get3A_1862 = arith.constant 32 : index
      %get3A_1863 = tpu.vector_load %arg8[%get3A_1861, %get3A_1862] {strides = array<i32>} : memref<16x128xf32, #tpu.memory_space<vmem>>, vector<1x16xf32>,
      %get3A_1864 = vector.shape_cast %get3A_1863 : vector<1x16xf32> to vector<16xf32>
      %mul3A_1865 = arith.mulf %get3A_1859, %get3A_1864 : vector<16xf32>
      %add3A_1866 = arith.addf %add3A_1854, %mul3A_1865 : vector<16xf32>
      %get3A_1867 = arith.constant 14 : i32
      %get3A_1868 = arith.index_cast %get3A_1867 : i32 to index
      %get3A_1869 = arith.constant 48 : index
      %get3A_1870 = tpu.vector_load %arg9[%get3A_1868, %get3A_1869] {strides = array<i32>} : memref<16x128xf32, #tpu.memory_space<vmem>>, vector<1x16xf32>,
      %get3A_1871 = vector.shape_cast %get3A_1870 : vector<1x16xf32> to vector<16xf32>
      %get3A_1872 = arith.constant 14 : i32
      %get3A_1873 = arith.index_cast %get3A_1872 : i32 to index
      %get3A_1874 = arith.constant 48 : index
      %get3A_1875 = tpu.vector_load %arg8[%get3A_1873, %get3A_1874] {strides = array<i32>} : memref<16x128xf32, #tpu.memory_space<vmem>>, vector<1x16xf32>,
      %get3A_1876 = vector.shape_cast %get3A_1875 : vector<1x16xf32> to vector<16xf32>
      %mul3A_1877 = arith.mulf %get3A_1871, %get3A_1876 : vector<16xf32>
      %add3A_1878 = arith.addf %add3A_1866, %mul3A_1877 : vector<16xf32>
      %get3A_1879 = arith.constant 14 : i32
      %get3A_1880 = arith.index_cast %get3A_1879 : i32 to index
      %get3A_1881 = arith.constant 64 : index
      %get3A_1882 = tpu.vector_load %arg9[%get3A_1880, %get3A_1881] {strides = array<i32>} : memref<16x128xf32, #tpu.memory_space<vmem>>, vector<1x16xf32>,
      %get3A_1883 = vector.shape_cast %get3A_1882 : vector<1x16xf32> to vector<16xf32>
      %get3A_1884 = arith.constant 14 : i32
      %get3A_1885 = arith.index_cast %get3A_1884 : i32 to index
      %get3A_1886 = arith.constant 64 : index
      %get3A_1887 = tpu.vector_load %arg8[%get3A_1885, %get3A_1886] {strides = array<i32>} : memref<16x128xf32, #tpu.memory_space<vmem>>, vector<1x16xf32>,
      %get3A_1888 = vector.shape_cast %get3A_1887 : vector<1x16xf32> to vector<16xf32>
      %mul3A_1889 = arith.mulf %get3A_1883, %get3A_1888 : vector<16xf32>
      %add3A_1890 = arith.addf %add3A_1878, %mul3A_1889 : vector<16xf32>
      %get3A_1891 = arith.constant 14 : i32
      %get3A_1892 = arith.index_cast %get3A_1891 : i32 to index
      %get3A_1893 = arith.constant 80 : index
      %get3A_1894 = tpu.vector_load %arg9[%get3A_1892, %get3A_1893] {strides = array<i32>} : memref<16x128xf32, #tpu.memory_space<vmem>>, vector<1x16xf32>,
      %get3A_1895 = vector.shape_cast %get3A_1894 : vector<1x16xf32> to vector<16xf32>
      %get3A_1896 = arith.constant 14 : i32
      %get3A_1897 = arith.index_cast %get3A_1896 : i32 to index
      %get3A_1898 = arith.constant 80 : index
      %get3A_1899 = tpu.vector_load %arg8[%get3A_1897, %get3A_1898] {strides = array<i32>} : memref<16x128xf32, #tpu.memory_space<vmem>>, vector<1x16xf32>,
      %get3A_1900 = vector.shape_cast %get3A_1899 : vector<1x16xf32> to vector<16xf32>
      %mul3A_1901 = arith.mulf %get3A_1895, %get3A_1900 : vector<16xf32>
      %add3A_1902 = arith.addf %add3A_1890, %mul3A_1901 : vector<16xf32>
      %get3A_1903 = arith.constant 14 : i32
      %get3A_1904 = arith.index_cast %get3A_1903 : i32 to index
      %get3A_1905 = arith.constant 96 : index
      %get3A_1906 = tpu.vector_load %arg9[%get3A_1904, %get3A_1905] {strides = array<i32>} : memref<16x128xf32, #tpu.memory_space<vmem>>, vector<1x16xf32>,
      %get3A_1907 = vector.shape_cast %get3A_1906 : vector<1x16xf32> to vector<16xf32>
      %get3A_1908 = arith.constant 14 : i32
      %get3A_1909 = arith.index_cast %get3A_1908 : i32 to index
      %get3A_1910 = arith.constant 96 : index
      %get3A_1911 = tpu.vector_load %arg8[%get3A_1909, %get3A_1910] {strides = array<i32>} : memref<16x128xf32, #tpu.memory_space<vmem>>, vector<1x16xf32>,
      %get3A_1912 = vector.shape_cast %get3A_1911 : vector<1x16xf32> to vector<16xf32>
      %mul3A_1913 = arith.mulf %get3A_1907, %get3A_1912 : vector<16xf32>
      %add3A_1914 = arith.addf %add3A_1902, %mul3A_1913 : vector<16xf32>
      %get3A_1915 = arith.constant 14 : i32
      %get3A_1916 = arith.index_cast %get3A_1915 : i32 to index
      %get3A_1917 = arith.constant 112 : index
      %get3A_1918 = tpu.vector_load %arg9[%get3A_1916, %get3A_1917] {strides = array<i32>} : memref<16x128xf32, #tpu.memory_space<vmem>>, vector<1x16xf32>,
      %get3A_1919 = vector.shape_cast %get3A_1918 : vector<1x16xf32> to vector<16xf32>
      %get3A_1920 = arith.constant 14 : i32
      %get3A_1921 = arith.index_cast %get3A_1920 : i32 to index
      %get3A_1922 = arith.constant 112 : index
      %get3A_1923 = tpu.vector_load %arg8[%get3A_1921, %get3A_1922] {strides = array<i32>} : memref<16x128xf32, #tpu.memory_space<vmem>>, vector<1x16xf32>,
      %get3A_1924 = vector.shape_cast %get3A_1923 : vector<1x16xf32> to vector<16xf32>
      %mul3A_1925 = arith.mulf %get3A_1919, %get3A_1924 : vector<16xf32>
      %add3A_1926 = arith.addf %add3A_1914, %mul3A_1925 : vector<16xf32>
      %xor3A_1927 = arith.constant 8 : i32
      %xor3A_1928 = vector.broadcast %xor3A_1927 : i32 to vector<16xi32>
      %xor3A_1929 = arith.xori %iota3A, %xor3A_1928 : vector<16xi32>
      %broadcast_in_dim3A_1930 = vector.shape_cast %xor3A_1929 : vector<16xi32> to vector<16x1xi32>
      %gather3A_1931 = vector.shape_cast %broadcast_in_dim3A_1930 : vector<16x1xi32> to vector<16xi32>
      %gather3A_1932 = tpu.dynamic_gather %add3A_1926[%gather3A_1931] in [0] : vector<16xf32>, vector<16xi32> -> vector<16xf32>
      %add3A_1933 = arith.addf %add3A_1926, %gather3A_1932 : vector<16xf32>
      %xor3A_1934 = arith.constant 4 : i32
      %xor3A_1935 = vector.broadcast %xor3A_1934 : i32 to vector<16xi32>
      %xor3A_1936 = arith.xori %iota3A, %xor3A_1935 : vector<16xi32>
      %broadcast_in_dim3A_1937 = vector.shape_cast %xor3A_1936 : vector<16xi32> to vector<16x1xi32>
      %gather3A_1938 = vector.shape_cast %broadcast_in_dim3A_1937 : vector<16x1xi32> to vector<16xi32>
      %gather3A_1939 = tpu.dynamic_gather %add3A_1933[%gather3A_1938] in [0] : vector<16xf32>, vector<16xi32> -> vector<16xf32>
      %add3A_1940 = arith.addf %add3A_1933, %gather3A_1939 : vector<16xf32>
      %xor3A_1941 = arith.constant 2 : i32
      %xor3A_1942 = vector.broadcast %xor3A_1941 : i32 to vector<16xi32>
      %xor3A_1943 = arith.xori %iota3A, %xor3A_1942 : vector<16xi32>
      %broadcast_in_dim3A_1944 = vector.shape_cast %xor3A_1943 : vector<16xi32> to vector<16x1xi32>
      %gather3A_1945 = vector.shape_cast %broadcast_in_dim3A_1944 : vector<16x1xi32> to vector<16xi32>
      %gather3A_1946 = tpu.dynamic_gather %add3A_1940[%gather3A_1945] in [0] : vector<16xf32>, vector<16xi32> -> vector<16xf32>
      %add3A_1947 = arith.addf %add3A_1940, %gather3A_1946 : vector<16xf32>
      %xor3A_1948 = arith.constant 1 : i32
      %xor3A_1949 = vector.broadcast %xor3A_1948 : i32 to vector<16xi32>
      %xor3A_1950 = arith.xori %iota3A, %xor3A_1949 : vector<16xi32>
      %broadcast_in_dim3A_1951 = vector.shape_cast %xor3A_1950 : vector<16xi32> to vector<16x1xi32>
      %gather3A_1952 = vector.shape_cast %broadcast_in_dim3A_1951 : vector<16x1xi32> to vector<16xi32>
      %gather3A_1953 = tpu.dynamic_gather %add3A_1947[%gather3A_1952] in [0] : vector<16xf32>, vector<16xi32> -> vector<16xf32>
      %add3A_1954 = arith.addf %add3A_1947, %gather3A_1953 : vector<16xf32>
      %eq3A_1955 = arith.constant 14 : i32
      %eq3A_1956 = vector.broadcast %eq3A_1955 : i32 to vector<16xi32>
      %eq3A_1957 = arith.cmpi eq, %iota3A, %eq3A_1956 : vector<16xi32>
      %select_n3A_1958 = arith.select %eq3A_1957, %add3A_1954, %select_n3A_1828 : vector<16xi1>, vector<16xf32>
      %broadcast_in_dim3A_1959 = arith.constant 0.000000e+00 : f32
      %broadcast_in_dim3A_1960 = vector.broadcast %broadcast_in_dim3A_1959 : f32 to vector<16xf32>
      %get3A_1961 = arith.constant 15 : i32
      %get3A_1962 = arith.index_cast %get3A_1961 : i32 to index
      %get3A_1963 = arith.constant 0 : index
      %get3A_1964 = tpu.vector_load %arg9[%get3A_1962, %get3A_1963] {strides = array<i32>} : memref<16x128xf32, #tpu.memory_space<vmem>>, vector<1x16xf32>,
      %get3A_1965 = vector.shape_cast %get3A_1964 : vector<1x16xf32> to vector<16xf32>
      %get3A_1966 = arith.constant 15 : i32
      %get3A_1967 = arith.index_cast %get3A_1966 : i32 to index
      %get3A_1968 = arith.constant 0 : index
      %get3A_1969 = tpu.vector_load %arg8[%get3A_1967, %get3A_1968] {strides = array<i32>} : memref<16x128xf32, #tpu.memory_space<vmem>>, vector<1x16xf32>,
      %get3A_1970 = vector.shape_cast %get3A_1969 : vector<1x16xf32> to vector<16xf32>
      %mul3A_1971 = arith.mulf %get3A_1965, %get3A_1970 : vector<16xf32>
      %add3A_1972 = arith.addf %broadcast_in_dim3A_1960, %mul3A_1971 : vector<16xf32>
      %get3A_1973 = arith.constant 15 : i32
      %get3A_1974 = arith.index_cast %get3A_1973 : i32 to index
      %get3A_1975 = arith.constant 16 : index
      %get3A_1976 = tpu.vector_load %arg9[%get3A_1974, %get3A_1975] {strides = array<i32>} : memref<16x128xf32, #tpu.memory_space<vmem>>, vector<1x16xf32>,
      %get3A_1977 = vector.shape_cast %get3A_1976 : vector<1x16xf32> to vector<16xf32>
      %get3A_1978 = arith.constant 15 : i32
      %get3A_1979 = arith.index_cast %get3A_1978 : i32 to index
      %get3A_1980 = arith.constant 16 : index
      %get3A_1981 = tpu.vector_load %arg8[%get3A_1979, %get3A_1980] {strides = array<i32>} : memref<16x128xf32, #tpu.memory_space<vmem>>, vector<1x16xf32>,
      %get3A_1982 = vector.shape_cast %get3A_1981 : vector<1x16xf32> to vector<16xf32>
      %mul3A_1983 = arith.mulf %get3A_1977, %get3A_1982 : vector<16xf32>
      %add3A_1984 = arith.addf %add3A_1972, %mul3A_1983 : vector<16xf32>
      %get3A_1985 = arith.constant 15 : i32
      %get3A_1986 = arith.index_cast %get3A_1985 : i32 to index
      %get3A_1987 = arith.constant 32 : index
      %get3A_1988 = tpu.vector_load %arg9[%get3A_1986, %get3A_1987] {strides = array<i32>} : memref<16x128xf32, #tpu.memory_space<vmem>>, vector<1x16xf32>,
      %get3A_1989 = vector.shape_cast %get3A_1988 : vector<1x16xf32> to vector<16xf32>
      %get3A_1990 = arith.constant 15 : i32
      %get3A_1991 = arith.index_cast %get3A_1990 : i32 to index
      %get3A_1992 = arith.constant 32 : index
      %get3A_1993 = tpu.vector_load %arg8[%get3A_1991, %get3A_1992] {strides = array<i32>} : memref<16x128xf32, #tpu.memory_space<vmem>>, vector<1x16xf32>,
      %get3A_1994 = vector.shape_cast %get3A_1993 : vector<1x16xf32> to vector<16xf32>
      %mul3A_1995 = arith.mulf %get3A_1989, %get3A_1994 : vector<16xf32>
      %add3A_1996 = arith.addf %add3A_1984, %mul3A_1995 : vector<16xf32>
      %get3A_1997 = arith.constant 15 : i32
      %get3A_1998 = arith.index_cast %get3A_1997 : i32 to index
      %get3A_1999 = arith.constant 48 : index
      %get3A_2000 = tpu.vector_load %arg9[%get3A_1998, %get3A_1999] {strides = array<i32>} : memref<16x128xf32, #tpu.memory_space<vmem>>, vector<1x16xf32>,
      %get3A_2001 = vector.shape_cast %get3A_2000 : vector<1x16xf32> to vector<16xf32>
      %get3A_2002 = arith.constant 15 : i32
      %get3A_2003 = arith.index_cast %get3A_2002 : i32 to index
      %get3A_2004 = arith.constant 48 : index
      %get3A_2005 = tpu.vector_load %arg8[%get3A_2003, %get3A_2004] {strides = array<i32>} : memref<16x128xf32, #tpu.memory_space<vmem>>, vector<1x16xf32>,
      %get3A_2006 = vector.shape_cast %get3A_2005 : vector<1x16xf32> to vector<16xf32>
      %mul3A_2007 = arith.mulf %get3A_2001, %get3A_2006 : vector<16xf32>
      %add3A_2008 = arith.addf %add3A_1996, %mul3A_2007 : vector<16xf32>
      %get3A_2009 = arith.constant 15 : i32
      %get3A_2010 = arith.index_cast %get3A_2009 : i32 to index
      %get3A_2011 = arith.constant 64 : index
      %get3A_2012 = tpu.vector_load %arg9[%get3A_2010, %get3A_2011] {strides = array<i32>} : memref<16x128xf32, #tpu.memory_space<vmem>>, vector<1x16xf32>,
      %get3A_2013 = vector.shape_cast %get3A_2012 : vector<1x16xf32> to vector<16xf32>
      %get3A_2014 = arith.constant 15 : i32
      %get3A_2015 = arith.index_cast %get3A_2014 : i32 to index
      %get3A_2016 = arith.constant 64 : index
      %get3A_2017 = tpu.vector_load %arg8[%get3A_2015, %get3A_2016] {strides = array<i32>} : memref<16x128xf32, #tpu.memory_space<vmem>>, vector<1x16xf32>,
      %get3A_2018 = vector.shape_cast %get3A_2017 : vector<1x16xf32> to vector<16xf32>
      %mul3A_2019 = arith.mulf %get3A_2013, %get3A_2018 : vector<16xf32>
      %add3A_2020 = arith.addf %add3A_2008, %mul3A_2019 : vector<16xf32>
      %get3A_2021 = arith.constant 15 : i32
      %get3A_2022 = arith.index_cast %get3A_2021 : i32 to index
      %get3A_2023 = arith.constant 80 : index
      %get3A_2024 = tpu.vector_load %arg9[%get3A_2022, %get3A_2023] {strides = array<i32>} : memref<16x128xf32, #tpu.memory_space<vmem>>, vector<1x16xf32>,
      %get3A_2025 = vector.shape_cast %get3A_2024 : vector<1x16xf32> to vector<16xf32>
      %get3A_2026 = arith.constant 15 : i32
      %get3A_2027 = arith.index_cast %get3A_2026 : i32 to index
      %get3A_2028 = arith.constant 80 : index
      %get3A_2029 = tpu.vector_load %arg8[%get3A_2027, %get3A_2028] {strides = array<i32>} : memref<16x128xf32, #tpu.memory_space<vmem>>, vector<1x16xf32>,
      %get3A_2030 = vector.shape_cast %get3A_2029 : vector<1x16xf32> to vector<16xf32>
      %mul3A_2031 = arith.mulf %get3A_2025, %get3A_2030 : vector<16xf32>
      %add3A_2032 = arith.addf %add3A_2020, %mul3A_2031 : vector<16xf32>
      %get3A_2033 = arith.constant 15 : i32
      %get3A_2034 = arith.index_cast %get3A_2033 : i32 to index
      %get3A_2035 = arith.constant 96 : index
      %get3A_2036 = tpu.vector_load %arg9[%get3A_2034, %get3A_2035] {strides = array<i32>} : memref<16x128xf32, #tpu.memory_space<vmem>>, vector<1x16xf32>,
      %get3A_2037 = vector.shape_cast %get3A_2036 : vector<1x16xf32> to vector<16xf32>
      %get3A_2038 = arith.constant 15 : i32
      %get3A_2039 = arith.index_cast %get3A_2038 : i32 to index
      %get3A_2040 = arith.constant 96 : index
      %get3A_2041 = tpu.vector_load %arg8[%get3A_2039, %get3A_2040] {strides = array<i32>} : memref<16x128xf32, #tpu.memory_space<vmem>>, vector<1x16xf32>,
      %get3A_2042 = vector.shape_cast %get3A_2041 : vector<1x16xf32> to vector<16xf32>
      %mul3A_2043 = arith.mulf %get3A_2037, %get3A_2042 : vector<16xf32>
      %add3A_2044 = arith.addf %add3A_2032, %mul3A_2043 : vector<16xf32>
      %get3A_2045 = arith.constant 15 : i32
      %get3A_2046 = arith.index_cast %get3A_2045 : i32 to index
      %get3A_2047 = arith.constant 112 : index
      %get3A_2048 = tpu.vector_load %arg9[%get3A_2046, %get3A_2047] {strides = array<i32>} : memref<16x128xf32, #tpu.memory_space<vmem>>, vector<1x16xf32>,
      %get3A_2049 = vector.shape_cast %get3A_2048 : vector<1x16xf32> to vector<16xf32>
      %get3A_2050 = arith.constant 15 : i32
      %get3A_2051 = arith.index_cast %get3A_2050 : i32 to index
      %get3A_2052 = arith.constant 112 : index
      %get3A_2053 = tpu.vector_load %arg8[%get3A_2051, %get3A_2052] {strides = array<i32>} : memref<16x128xf32, #tpu.memory_space<vmem>>, vector<1x16xf32>,
      %get3A_2054 = vector.shape_cast %get3A_2053 : vector<1x16xf32> to vector<16xf32>
      %mul3A_2055 = arith.mulf %get3A_2049, %get3A_2054 : vector<16xf32>
      %add3A_2056 = arith.addf %add3A_2044, %mul3A_2055 : vector<16xf32>
      %xor3A_2057 = arith.constant 8 : i32
      %xor3A_2058 = vector.broadcast %xor3A_2057 : i32 to vector<16xi32>
      %xor3A_2059 = arith.xori %iota3A, %xor3A_2058 : vector<16xi32>
      %broadcast_in_dim3A_2060 = vector.shape_cast %xor3A_2059 : vector<16xi32> to vector<16x1xi32>
      %gather3A_2061 = vector.shape_cast %broadcast_in_dim3A_2060 : vector<16x1xi32> to vector<16xi32>
      %gather3A_2062 = tpu.dynamic_gather %add3A_2056[%gather3A_2061] in [0] : vector<16xf32>, vector<16xi32> -> vector<16xf32>
      %add3A_2063 = arith.addf %add3A_2056, %gather3A_2062 : vector<16xf32>
      %xor3A_2064 = arith.constant 4 : i32
      %xor3A_2065 = vector.broadcast %xor3A_2064 : i32 to vector<16xi32>
      %xor3A_2066 = arith.xori %iota3A, %xor3A_2065 : vector<16xi32>
      %broadcast_in_dim3A_2067 = vector.shape_cast %xor3A_2066 : vector<16xi32> to vector<16x1xi32>
      %gather3A_2068 = vector.shape_cast %broadcast_in_dim3A_2067 : vector<16x1xi32> to vector<16xi32>
      %gather3A_2069 = tpu.dynamic_gather %add3A_2063[%gather3A_2068] in [0] : vector<16xf32>, vector<16xi32> -> vector<16xf32>
      %add3A_2070 = arith.addf %add3A_2063, %gather3A_2069 : vector<16xf32>
      %xor3A_2071 = arith.constant 2 : i32
      %xor3A_2072 = vector.broadcast %xor3A_2071 : i32 to vector<16xi32>
      %xor3A_2073 = arith.xori %iota3A, %xor3A_2072 : vector<16xi32>
      %broadcast_in_dim3A_2074 = vector.shape_cast %xor3A_2073 : vector<16xi32> to vector<16x1xi32>
      %gather3A_2075 = vector.shape_cast %broadcast_in_dim3A_2074 : vector<16x1xi32> to vector<16xi32>
      %gather3A_2076 = tpu.dynamic_gather %add3A_2070[%gather3A_2075] in [0] : vector<16xf32>, vector<16xi32> -> vector<16xf32>
      %add3A_2077 = arith.addf %add3A_2070, %gather3A_2076 : vector<16xf32>
      %xor3A_2078 = arith.constant 1 : i32
      %xor3A_2079 = vector.broadcast %xor3A_2078 : i32 to vector<16xi32>
      %xor3A_2080 = arith.xori %iota3A, %xor3A_2079 : vector<16xi32>
      %broadcast_in_dim3A_2081 = vector.shape_cast %xor3A_2080 : vector<16xi32> to vector<16x1xi32>
      %gather3A_2082 = vector.shape_cast %broadcast_in_dim3A_2081 : vector<16x1xi32> to vector<16xi32>
      %gather3A_2083 = tpu.dynamic_gather %add3A_2077[%gather3A_2082] in [0] : vector<16xf32>, vector<16xi32> -> vector<16xf32>
      %add3A_2084 = arith.addf %add3A_2077, %gather3A_2083 : vector<16xf32>
      %eq3A_2085 = arith.constant 15 : i32
      %eq3A_2086 = vector.broadcast %eq3A_2085 : i32 to vector<16xi32>
      %eq3A_2087 = arith.cmpi eq, %iota3A, %eq3A_2086 : vector<16xi32>
      %select_n3A_2088 = arith.select %eq3A_2087, %add3A_2084, %select_n3A_1958 : vector<16xi1>, vector<16xf32>
      %get3A_2089 = arith.constant 0 : index
      %get3A_2090 = tpu.vector_load %arg10[%get3A_2089] {strides = array<i32>} : memref<16xf32, #tpu.memory_space<vmem>>, vector<16xf32>,
      %get3A_2091 = vector.shape_cast %get3A_2090 : vector<16xf32> to vector<16xf32>
      %mul3A_2092 = arith.mulf %select_n3A_2088, %get3A_2091 : vector<16xf32>
      %swap3A = arith.constant 0 : index
      %swap3A_2093 = tpu.vector_load %arg11[%swap3A] {strides = array<i32>} : memref<16xf32, #tpu.memory_space<vmem>>, vector<16xf32>,
      %swap3A_2094 = vector.shape_cast %swap3A_2093 : vector<16xf32> to vector<16xf32>
      %swap3A_2095 = vector.shape_cast %mul3A_2092 : vector<16xf32> to vector<16xf32>
      tpu.vector_store %arg11[%swap3A], %swap3A_2095 {strides = array<i32>} : memref<16xf32, #tpu.memory_space<vmem>>, vector<16xf32>,
      "tpu.region"() ({
        %run_scoped3A = tpu.sem_alloc : memref<!tpu.dma_semaphore, #tpu.memory_space<semaphore_mem>>
        %dma_start3A_2096 = tpu.memref_slice %arg6[%mul3A_4] : memref<128xf32, #tpu.memory_space<hbm>> -> memref<16xf32, #tpu.memory_space<hbm>>
        %dma_start3A_2097 = tpu.memref_slice %arg6[%mul3A_4] : memref<128xf32, #tpu.memory_space<hbm>> -> memref<16xf32, #tpu.memory_space<hbm>>
        tpu.enqueue_dma source(%arg11 : memref<16xf32, #tpu.memory_space<vmem>>) target(%dma_start3A_2097 : memref<16xf32, #tpu.memory_space<hbm>>) target_semaphore(%run_scoped3A : memref<!tpu.dma_semaphore, #tpu.memory_space<semaphore_mem>>)
        %dma_wait3A_2098 = tpu.memref_slice %arg6[%mul3A_4] : memref<128xf32, #tpu.memory_space<hbm>> -> memref<16xf32, #tpu.memory_space<hbm>>
        %dma_wait3A_2099 = tpu.memref_slice %arg6[%mul3A_4] : memref<128xf32, #tpu.memory_space<hbm>> -> memref<16xf32, #tpu.memory_space<hbm>>
        tpu.wait_dma2 semaphore(%run_scoped3A : memref<!tpu.dma_semaphore, #tpu.memory_space<semaphore_mem>>) src(%arg11 : memref<16xf32, #tpu.memory_space<vmem>>) dst(%dma_wait3A_2099 : memref<16xf32, #tpu.memory_space<hbm>>)
        tpu.yield
      }) : () -> ()
    } else {
    }
    return
  }
}

module attributes {stable_mosaic.version = 14 : i64} {
  func.func @_oim_body(%arg0: i32, %arg1: memref<1xf32, #tpu.memory_space<smem>>, %arg2: memref<128x128xbf16, #tpu.memory_space<vmem>>, %arg3: memref<128x1xi32, #tpu.memory_space<vmem>>, %arg4: memref<1x1x5000xf32, #tpu.memory_space<vmem>>, %arg5: memref<1x1x5000xf32, #tpu.memory_space<vmem>>, %arg6: memref<1x1x5000xf32, #tpu.memory_space<vmem>>, %arg7: memref<1x1x5000xf32, #tpu.memory_space<vmem>>, %arg8: memref<5000x128xf32, #tpu.memory_space<vmem>>, %arg9: memref<5000x128xf32, #tpu.memory_space<vmem>>, %arg10: memref<5000x128xf32, #tpu.memory_space<vmem>>, %arg11: memref<5000x128xf32, #tpu.memory_space<vmem>>, %arg12: memref<5000x128xf32, #tpu.memory_space<vmem>>, %arg13: memref<1x2xf32, #tpu.memory_space<vmem>>, %arg14: memref<128x1xf32, #tpu.memory_space<vmem>>) attributes {dimension_semantics = [#tpu.dimension_semantics<arbitrary>], iteration_bounds = array<i64: 6>, scalar_prefetch = 0 : i64, scratch_operands = 1 : i64, tpu.core_type = #tpu.core_type<tc>, window_params = [{transform_indices = @transform_0, window_bounds = array<i64: 1>}, {pipeline_mode = #tpu.pipeline_mode<synchronous>, transform_indices = @transform_1, window_bounds = array<i64: 128, 128>}, {pipeline_mode = #tpu.pipeline_mode<synchronous>, transform_indices = @transform_2, window_bounds = array<i64: 128, 1>}, {transform_indices = @transform_3, window_bounds = array<i64: 1, 1, 5000>}, {transform_indices = @transform_4, window_bounds = array<i64: 1, 1, 5000>}, {transform_indices = @transform_5, window_bounds = array<i64: 1, 1, 5000>}, {transform_indices = @transform_6, window_bounds = array<i64: 1, 1, 5000>}, {transform_indices = @transform_7, window_bounds = array<i64: 5000, 128>}, {transform_indices = @transform_8, window_bounds = array<i64: 5000, 128>}, {transform_indices = @transform_9, window_bounds = array<i64: 5000, 128>}, {transform_indices = @transform_10, window_bounds = array<i64: 5000, 128>}, {pipeline_mode = #tpu.pipeline_mode<synchronous>, transform_indices = @transform_11, window_bounds = array<i64: 5000, 128>}, {pipeline_mode = #tpu.pipeline_mode<synchronous>, transform_indices = @transform_12, window_bounds = array<i64: 1, 2>}]} {
    %eq3A = arith.constant 0 : i32
    %eq3A_0 = arith.cmpi eq, %arg0, %eq3A : i32
    %convert_element_type3A = arith.extui %eq3A_0 : i1 to i32
    %cond3A = arith.constant 0 : i32
    %cond3A_1 = arith.cmpi ne, %convert_element_type3A, %cond3A : i32
    scf.if %cond3A_1 {
      %broadcast_in_dim3A = arith.constant 0.000000e+00 : f32
      %broadcast_in_dim3A_20 = vector.broadcast %broadcast_in_dim3A : f32 to vector<128x1xf32>
      %swap3A = arith.constant 0 : index
      %swap3A_21 = arith.constant 0 : index
      %swap3A_22 = vector.load %arg14[%swap3A, %swap3A_21] : memref<128x1xf32, #tpu.memory_space<vmem>>, vector<128x1xf32>
      tpu.vector_store %arg14[%swap3A, %swap3A_21], %broadcast_in_dim3A_20 {strides = array<i32>} : memref<128x1xf32, #tpu.memory_space<vmem>>, vector<128x1xf32>,
    } else {
    }
    %get3A = arith.constant 0 : index
    %get3A_2 = arith.constant 0 : index
    %get3A_3 = vector.load %arg2[%get3A, %get3A_2] : memref<128x128xbf16, #tpu.memory_space<vmem>>, vector<128x128xbf16>
    %get3A_4 = arith.constant 0 : index
    %get3A_5 = memref.load %arg1[%get3A_4] : memref<1xf32, #tpu.memory_space<smem>>
    %lt3A = arith.constant 5 : i32
    %lt3A_6 = arith.cmpi slt, %arg0, %lt3A : i32
    %convert_element_type3A_7 = arith.extui %lt3A_6 : i1 to i32
    %cond3A_8 = arith.constant 0 : i32
    %cond3A_9 = arith.cmpi ne, %convert_element_type3A_7, %cond3A_8 : i32
    scf.if %cond3A_9 {
      %get3A_20 = arith.constant 0 : index
      %get3A_21 = arith.constant 0 : index
      %get3A_22 = vector.load %arg8[%get3A_20, %get3A_21] : memref<5000x128xf32, #tpu.memory_space<vmem>>, vector<5000x128xf32>
      %get3A_23 = arith.constant 0 : index
      %get3A_24 = arith.constant 0 : index
      %get3A_25 = arith.constant 0 : index
      %get3A_26 = vector.load %arg4[%get3A_23, %get3A_24, %get3A_25] : memref<1x1x5000xf32, #tpu.memory_space<vmem>>, vector<1x1x5000xf32>
      %get3A_27 = vector.shape_cast %get3A_26 : vector<1x1x5000xf32> to vector<5000xf32>
      %convert_element_type3A_28 = arith.truncf %get3A_22 : vector<5000x128xf32> to vector<5000x128xbf16>
      %dot_general3A = arith.constant dense<0.000000e+00> : vector<128x5000xf32>
      %dot_general3A_29 = tpu.matmul %get3A_3, %convert_element_type3A_28, %dot_general3A {dimension_numbers = #tpu.dot_dimension_numbers<[1], [1], [0], [0], [0, 0, 1, 0], [], []>, transpose_lhs_hint = false} : vector<128x128xbf16>, vector<5000x128xbf16>, vector<128x5000xf32> -> vector<128x5000xf32>
      %broadcast_in_dim3A = vector.shape_cast %get3A_27 : vector<5000xf32> to vector<1x5000xf32>
      %mul3A = vector.broadcast %broadcast_in_dim3A : vector<1x5000xf32> to vector<128x5000xf32>
      %mul3A_30 = arith.mulf %dot_general3A_29, %mul3A : vector<128x5000xf32>
      %sub3A = vector.broadcast %get3A_5 : f32 to vector<128x5000xf32>
      %sub3A_31 = arith.subf %mul3A_30, %sub3A : vector<128x5000xf32>
      %exp23A = math.exp2 %sub3A_31 : vector<128x5000xf32>
      %get3A_32 = arith.constant 0 : index
      %get3A_33 = arith.constant 0 : index
      %get3A_34 = vector.load %arg14[%get3A_32, %get3A_33] : memref<128x1xf32, #tpu.memory_space<vmem>>, vector<128x1xf32>
      %reduce_sum3A = arith.constant dense<0.000000e+00> : vector<128xf32>
      %reduce_sum3A_35 = vector.multi_reduction <add>, %exp23A, %reduce_sum3A [1] : vector<128x5000xf32> to vector<128xf32>
      %broadcast_in_dim3A_36 = vector.shape_cast %reduce_sum3A_35 : vector<128xf32> to vector<128x1xf32>
      %add3A = arith.addf %get3A_34, %broadcast_in_dim3A_36 : vector<128x1xf32>
      %swap3A = arith.constant 0 : index
      %swap3A_37 = arith.constant 0 : index
      %swap3A_38 = vector.load %arg14[%swap3A, %swap3A_37] : memref<128x1xf32, #tpu.memory_space<vmem>>, vector<128x1xf32>
      tpu.vector_store %arg14[%swap3A, %swap3A_37], %add3A {strides = array<i32>} : memref<128x1xf32, #tpu.memory_space<vmem>>, vector<128x1xf32>,
      %get3A_39 = arith.constant 0 : index
      %get3A_40 = arith.constant 0 : index
      %get3A_41 = vector.load %arg9[%get3A_39, %get3A_40] : memref<5000x128xf32, #tpu.memory_space<vmem>>, vector<5000x128xf32>
      %get3A_42 = arith.constant 0 : index
      %get3A_43 = arith.constant 0 : index
      %get3A_44 = arith.constant 0 : index
      %get3A_45 = vector.load %arg5[%get3A_42, %get3A_43, %get3A_44] : memref<1x1x5000xf32, #tpu.memory_space<vmem>>, vector<1x1x5000xf32>
      %get3A_46 = vector.shape_cast %get3A_45 : vector<1x1x5000xf32> to vector<5000xf32>
      %convert_element_type3A_47 = arith.truncf %get3A_41 : vector<5000x128xf32> to vector<5000x128xbf16>
      %dot_general3A_48 = arith.constant dense<0.000000e+00> : vector<128x5000xf32>
      %dot_general3A_49 = tpu.matmul %get3A_3, %convert_element_type3A_47, %dot_general3A_48 {dimension_numbers = #tpu.dot_dimension_numbers<[1], [1], [0], [0], [0, 0, 1, 0], [], []>, transpose_lhs_hint = false} : vector<128x128xbf16>, vector<5000x128xbf16>, vector<128x5000xf32> -> vector<128x5000xf32>
      %broadcast_in_dim3A_50 = vector.shape_cast %get3A_46 : vector<5000xf32> to vector<1x5000xf32>
      %mul3A_51 = vector.broadcast %broadcast_in_dim3A_50 : vector<1x5000xf32> to vector<128x5000xf32>
      %mul3A_52 = arith.mulf %dot_general3A_49, %mul3A_51 : vector<128x5000xf32>
      %sub3A_53 = vector.broadcast %get3A_5 : f32 to vector<128x5000xf32>
      %sub3A_54 = arith.subf %mul3A_52, %sub3A_53 : vector<128x5000xf32>
      %exp23A_55 = math.exp2 %sub3A_54 : vector<128x5000xf32>
      %get3A_56 = arith.constant 0 : index
      %get3A_57 = arith.constant 0 : index
      %get3A_58 = vector.load %arg14[%get3A_56, %get3A_57] : memref<128x1xf32, #tpu.memory_space<vmem>>, vector<128x1xf32>
      %reduce_sum3A_59 = arith.constant dense<0.000000e+00> : vector<128xf32>
      %reduce_sum3A_60 = vector.multi_reduction <add>, %exp23A_55, %reduce_sum3A_59 [1] : vector<128x5000xf32> to vector<128xf32>
      %broadcast_in_dim3A_61 = vector.shape_cast %reduce_sum3A_60 : vector<128xf32> to vector<128x1xf32>
      %add3A_62 = arith.addf %get3A_58, %broadcast_in_dim3A_61 : vector<128x1xf32>
      %swap3A_63 = arith.constant 0 : index
      %swap3A_64 = arith.constant 0 : index
      %swap3A_65 = vector.load %arg14[%swap3A_63, %swap3A_64] : memref<128x1xf32, #tpu.memory_space<vmem>>, vector<128x1xf32>
      tpu.vector_store %arg14[%swap3A_63, %swap3A_64], %add3A_62 {strides = array<i32>} : memref<128x1xf32, #tpu.memory_space<vmem>>, vector<128x1xf32>,
      %get3A_66 = arith.constant 0 : index
      %get3A_67 = arith.constant 0 : index
      %get3A_68 = vector.load %arg10[%get3A_66, %get3A_67] : memref<5000x128xf32, #tpu.memory_space<vmem>>, vector<5000x128xf32>
      %get3A_69 = arith.constant 0 : index
      %get3A_70 = arith.constant 0 : index
      %get3A_71 = arith.constant 0 : index
      %get3A_72 = vector.load %arg6[%get3A_69, %get3A_70, %get3A_71] : memref<1x1x5000xf32, #tpu.memory_space<vmem>>, vector<1x1x5000xf32>
      %get3A_73 = vector.shape_cast %get3A_72 : vector<1x1x5000xf32> to vector<5000xf32>
      %convert_element_type3A_74 = arith.truncf %get3A_68 : vector<5000x128xf32> to vector<5000x128xbf16>
      %dot_general3A_75 = arith.constant dense<0.000000e+00> : vector<128x5000xf32>
      %dot_general3A_76 = tpu.matmul %get3A_3, %convert_element_type3A_74, %dot_general3A_75 {dimension_numbers = #tpu.dot_dimension_numbers<[1], [1], [0], [0], [0, 0, 1, 0], [], []>, transpose_lhs_hint = false} : vector<128x128xbf16>, vector<5000x128xbf16>, vector<128x5000xf32> -> vector<128x5000xf32>
      %broadcast_in_dim3A_77 = vector.shape_cast %get3A_73 : vector<5000xf32> to vector<1x5000xf32>
      %mul3A_78 = vector.broadcast %broadcast_in_dim3A_77 : vector<1x5000xf32> to vector<128x5000xf32>
      %mul3A_79 = arith.mulf %dot_general3A_76, %mul3A_78 : vector<128x5000xf32>
      %sub3A_80 = vector.broadcast %get3A_5 : f32 to vector<128x5000xf32>
      %sub3A_81 = arith.subf %mul3A_79, %sub3A_80 : vector<128x5000xf32>
      %exp23A_82 = math.exp2 %sub3A_81 : vector<128x5000xf32>
      %get3A_83 = arith.constant 0 : index
      %get3A_84 = arith.constant 0 : index
      %get3A_85 = vector.load %arg14[%get3A_83, %get3A_84] : memref<128x1xf32, #tpu.memory_space<vmem>>, vector<128x1xf32>
      %reduce_sum3A_86 = arith.constant dense<0.000000e+00> : vector<128xf32>
      %reduce_sum3A_87 = vector.multi_reduction <add>, %exp23A_82, %reduce_sum3A_86 [1] : vector<128x5000xf32> to vector<128xf32>
      %broadcast_in_dim3A_88 = vector.shape_cast %reduce_sum3A_87 : vector<128xf32> to vector<128x1xf32>
      %add3A_89 = arith.addf %get3A_85, %broadcast_in_dim3A_88 : vector<128x1xf32>
      %swap3A_90 = arith.constant 0 : index
      %swap3A_91 = arith.constant 0 : index
      %swap3A_92 = vector.load %arg14[%swap3A_90, %swap3A_91] : memref<128x1xf32, #tpu.memory_space<vmem>>, vector<128x1xf32>
      tpu.vector_store %arg14[%swap3A_90, %swap3A_91], %add3A_89 {strides = array<i32>} : memref<128x1xf32, #tpu.memory_space<vmem>>, vector<128x1xf32>,
      %get3A_93 = arith.constant 0 : index
      %get3A_94 = arith.constant 0 : index
      %get3A_95 = vector.load %arg11[%get3A_93, %get3A_94] : memref<5000x128xf32, #tpu.memory_space<vmem>>, vector<5000x128xf32>
      %get3A_96 = arith.constant 0 : index
      %get3A_97 = arith.constant 0 : index
      %get3A_98 = arith.constant 0 : index
      %get3A_99 = vector.load %arg7[%get3A_96, %get3A_97, %get3A_98] : memref<1x1x5000xf32, #tpu.memory_space<vmem>>, vector<1x1x5000xf32>
      %get3A_100 = vector.shape_cast %get3A_99 : vector<1x1x5000xf32> to vector<5000xf32>
      %convert_element_type3A_101 = arith.truncf %get3A_95 : vector<5000x128xf32> to vector<5000x128xbf16>
      %dot_general3A_102 = arith.constant dense<0.000000e+00> : vector<128x5000xf32>
      %dot_general3A_103 = tpu.matmul %get3A_3, %convert_element_type3A_101, %dot_general3A_102 {dimension_numbers = #tpu.dot_dimension_numbers<[1], [1], [0], [0], [0, 0, 1, 0], [], []>, transpose_lhs_hint = false} : vector<128x128xbf16>, vector<5000x128xbf16>, vector<128x5000xf32> -> vector<128x5000xf32>
      %broadcast_in_dim3A_104 = vector.shape_cast %get3A_100 : vector<5000xf32> to vector<1x5000xf32>
      %mul3A_105 = vector.broadcast %broadcast_in_dim3A_104 : vector<1x5000xf32> to vector<128x5000xf32>
      %mul3A_106 = arith.mulf %dot_general3A_103, %mul3A_105 : vector<128x5000xf32>
      %sub3A_107 = vector.broadcast %get3A_5 : f32 to vector<128x5000xf32>
      %sub3A_108 = arith.subf %mul3A_106, %sub3A_107 : vector<128x5000xf32>
      %exp23A_109 = math.exp2 %sub3A_108 : vector<128x5000xf32>
      %get3A_110 = arith.constant 0 : index
      %get3A_111 = arith.constant 0 : index
      %get3A_112 = vector.load %arg14[%get3A_110, %get3A_111] : memref<128x1xf32, #tpu.memory_space<vmem>>, vector<128x1xf32>
      %reduce_sum3A_113 = arith.constant dense<0.000000e+00> : vector<128xf32>
      %reduce_sum3A_114 = vector.multi_reduction <add>, %exp23A_109, %reduce_sum3A_113 [1] : vector<128x5000xf32> to vector<128xf32>
      %broadcast_in_dim3A_115 = vector.shape_cast %reduce_sum3A_114 : vector<128xf32> to vector<128x1xf32>
      %add3A_116 = arith.addf %get3A_112, %broadcast_in_dim3A_115 : vector<128x1xf32>
      %swap3A_117 = arith.constant 0 : index
      %swap3A_118 = arith.constant 0 : index
      %swap3A_119 = vector.load %arg14[%swap3A_117, %swap3A_118] : memref<128x1xf32, #tpu.memory_space<vmem>>, vector<128x1xf32>
      tpu.vector_store %arg14[%swap3A_117, %swap3A_118], %add3A_116 {strides = array<i32>} : memref<128x1xf32, #tpu.memory_space<vmem>>, vector<128x1xf32>,
    } else {
    }
    %eq3A_10 = arith.constant 5 : i32
    %eq3A_11 = arith.cmpi eq, %arg0, %eq3A_10 : i32
    %convert_element_type3A_12 = arith.extui %eq3A_11 : i1 to i32
    %cond3A_13 = arith.constant 0 : i32
    %cond3A_14 = arith.cmpi ne, %convert_element_type3A_12, %cond3A_13 : i32
    scf.if %cond3A_14 {
      %get3A_20 = arith.constant 0 : index
      %get3A_21 = arith.constant 0 : index
      %get3A_22 = vector.load %arg12[%get3A_20, %get3A_21] : memref<5000x128xf32, #tpu.memory_space<vmem>>, vector<5000x128xf32>
      %get3A_23 = arith.constant 0 : index
      %get3A_24 = arith.constant 0 : index
      %get3A_25 = arith.constant 0 : index
      %get3A_26 = vector.load %arg4[%get3A_23, %get3A_24, %get3A_25] : memref<1x1x5000xf32, #tpu.memory_space<vmem>>, vector<1x1x5000xf32>
      %get3A_27 = vector.shape_cast %get3A_26 : vector<1x1x5000xf32> to vector<5000xf32>
      %convert_element_type3A_28 = arith.truncf %get3A_22 : vector<5000x128xf32> to vector<5000x128xbf16>
      %dot_general3A = arith.constant dense<0.000000e+00> : vector<128x5000xf32>
      %dot_general3A_29 = tpu.matmul %get3A_3, %convert_element_type3A_28, %dot_general3A {dimension_numbers = #tpu.dot_dimension_numbers<[1], [1], [0], [0], [0, 0, 1, 0], [], []>, transpose_lhs_hint = false} : vector<128x128xbf16>, vector<5000x128xbf16>, vector<128x5000xf32> -> vector<128x5000xf32>
      %broadcast_in_dim3A = vector.shape_cast %get3A_27 : vector<5000xf32> to vector<1x5000xf32>
      %mul3A = vector.broadcast %broadcast_in_dim3A : vector<1x5000xf32> to vector<128x5000xf32>
      %mul3A_30 = arith.mulf %dot_general3A_29, %mul3A : vector<128x5000xf32>
      %sub3A = vector.broadcast %get3A_5 : f32 to vector<128x5000xf32>
      %sub3A_31 = arith.subf %mul3A_30, %sub3A : vector<128x5000xf32>
      %exp23A = math.exp2 %sub3A_31 : vector<128x5000xf32>
      %get3A_32 = arith.constant 0 : index
      %get3A_33 = arith.constant 0 : index
      %get3A_34 = vector.load %arg14[%get3A_32, %get3A_33] : memref<128x1xf32, #tpu.memory_space<vmem>>, vector<128x1xf32>
      %reduce_sum3A = arith.constant dense<0.000000e+00> : vector<128xf32>
      %reduce_sum3A_35 = vector.multi_reduction <add>, %exp23A, %reduce_sum3A [1] : vector<128x5000xf32> to vector<128xf32>
      %broadcast_in_dim3A_36 = vector.shape_cast %reduce_sum3A_35 : vector<128xf32> to vector<128x1xf32>
      %add3A = arith.addf %get3A_34, %broadcast_in_dim3A_36 : vector<128x1xf32>
      %swap3A = arith.constant 0 : index
      %swap3A_37 = arith.constant 0 : index
      %swap3A_38 = vector.load %arg14[%swap3A, %swap3A_37] : memref<128x1xf32, #tpu.memory_space<vmem>>, vector<128x1xf32>
      tpu.vector_store %arg14[%swap3A, %swap3A_37], %add3A {strides = array<i32>} : memref<128x1xf32, #tpu.memory_space<vmem>>, vector<128x1xf32>,
    } else {
    }
    %eq3A_15 = arith.constant 5 : i32
    %eq3A_16 = arith.cmpi eq, %arg0, %eq3A_15 : i32
    %convert_element_type3A_17 = arith.extui %eq3A_16 : i1 to i32
    %cond3A_18 = arith.constant 0 : i32
    %cond3A_19 = arith.cmpi ne, %convert_element_type3A_17, %cond3A_18 : i32
    scf.if %cond3A_19 {
      %mul3A = arith.constant 0.693147182 : f32
      %mul3A_20 = arith.mulf %get3A_5, %mul3A : f32
      %get3A_21 = arith.constant 0 : index
      %get3A_22 = arith.constant 0 : index
      %get3A_23 = vector.load %arg14[%get3A_21, %get3A_22] : memref<128x1xf32, #tpu.memory_space<vmem>>, vector<128x1xf32>
      %log3A = math.log %get3A_23 : vector<128x1xf32>
      %add3A = vector.broadcast %mul3A_20 : f32 to vector<128x1xf32>
      %add3A_24 = arith.addf %add3A, %log3A : vector<128x1xf32>
      %get3A_25 = arith.constant 0 : index
      %get3A_26 = arith.constant 0 : index
      %get3A_27 = vector.load %arg3[%get3A_25, %get3A_26] : memref<128x1xi32, #tpu.memory_space<vmem>>, vector<128x1xi32>
      %ne3A = arith.constant 5554 : i32
      %ne3A_28 = vector.broadcast %ne3A : i32 to vector<128x1xi32>
      %ne3A_29 = arith.cmpi ne, %get3A_27, %ne3A_28 : vector<128x1xi32>
      %convert_element_type3A_30 = arith.extui %ne3A_29 : vector<128x1xi1> to vector<128x1xi32>
      %convert_element_type3A_31 = arith.sitofp %convert_element_type3A_30 : vector<128x1xi32> to vector<128x1xf32>
      %reduce_sum3A = vector.shape_cast %convert_element_type3A_31 : vector<128x1xf32> to vector<1x128x1xf32>
      %reduce_sum3A_32 = arith.constant dense<0.000000e+00> : vector<1xf32>
      %reduce_sum3A_33 = vector.multi_reduction <add>, %reduce_sum3A, %reduce_sum3A_32 [1, 2] : vector<1x128x1xf32> to vector<1xf32>
      %reduce_sum3A_34 = vector.shape_cast %reduce_sum3A_33 : vector<1xf32> to vector<1x1x1xf32>
      %reduce_sum3A_35 = vector.extract %reduce_sum3A_34[0, 0, 0] : f32 from vector<1x1x1xf32>
      %max3A = arith.constant 1.000000e+00 : f32
      %max3A_36 = arith.maximumf %reduce_sum3A_35, %max3A : f32
      %mul3A_37 = arith.mulf %add3A_24, %convert_element_type3A_31 : vector<128x1xf32>
      %reduce_sum3A_38 = vector.shape_cast %mul3A_37 : vector<128x1xf32> to vector<1x128x1xf32>
      %reduce_sum3A_39 = arith.constant dense<0.000000e+00> : vector<1xf32>
      %reduce_sum3A_40 = vector.multi_reduction <add>, %reduce_sum3A_38, %reduce_sum3A_39 [1, 2] : vector<1x128x1xf32> to vector<1xf32>
      %reduce_sum3A_41 = vector.shape_cast %reduce_sum3A_40 : vector<1xf32> to vector<1x1x1xf32>
      %reduce_sum3A_42 = vector.extract %reduce_sum3A_41[0, 0, 0] : f32 from vector<1x1x1xf32>
      %reshape3A = vector.broadcast %reduce_sum3A_42 : f32 to vector<1x1xf32>
      %reshape3A_43 = vector.broadcast %max3A_36 : f32 to vector<1x1xf32>
      %concatenate3A = tpu.concatenate %reshape3A, %reshape3A_43 in 1 : vector<1x1xf32>, vector<1x1xf32> -> vector<1x2xf32>
      %swap3A = arith.constant 0 : index
      %swap3A_44 = arith.constant 0 : index
      %swap3A_45 = vector.load %arg13[%swap3A, %swap3A_44] : memref<1x2xf32, #tpu.memory_space<vmem>>, vector<1x2xf32>
      tpu.vector_store %arg13[%swap3A, %swap3A_44], %concatenate3A {strides = array<i32>} : memref<1x2xf32, #tpu.memory_space<vmem>>, vector<1x2xf32>,
    } else {
    }
    return
  }
  func.func @transform_0(%arg0: i32) -> i32 {
    %c0_i32 = arith.constant 0 : i32
    %c0_i32_0 = arith.constant 0 : i32
    return %c0_i32 : i32
  }
  func.func @transform_1(%arg0: i32) -> (i32, i32) {
    %c0_i32 = arith.constant 0 : i32
    %c0_i32_0 = arith.constant 0 : i32
    %c0_i32_1 = arith.constant 0 : i32
    return %c0_i32, %c0_i32_0 : i32, i32
  }
  func.func @transform_2(%arg0: i32) -> (i32, i32) {
    %c0_i32 = arith.constant 0 : i32
    %c0_i32_0 = arith.constant 0 : i32
    %c0_i32_1 = arith.constant 0 : i32
    return %c0_i32, %c0_i32_0 : i32, i32
  }
  func.func @transform_3(%arg0: i32) -> (i32, i32, i32) {
    %lt3A = arith.constant 5 : i32
    %lt3A_0 = arith.cmpi slt, %arg0, %lt3A : i32
    %add3A = arith.constant 0 : i32
    %add3A_1 = arith.addi %arg0, %add3A : i32
    %jit3A = arith.constant 20 : i32
    %select_n3A = arith.select %lt3A_0, %add3A_1, %jit3A : i32
    %c0_i32 = arith.constant 0 : i32
    %c0_i32_2 = arith.constant 0 : i32
    %c0_i32_3 = arith.constant 0 : i32
    return %select_n3A, %c0_i32, %c0_i32_2 : i32, i32, i32
  }
  func.func @transform_4(%arg0: i32) -> (i32, i32, i32) {
    %lt3A = arith.constant 5 : i32
    %lt3A_0 = arith.cmpi slt, %arg0, %lt3A : i32
    %add3A = arith.constant 5 : i32
    %add3A_1 = arith.addi %arg0, %add3A : i32
    %jit3A = arith.constant 20 : i32
    %select_n3A = arith.select %lt3A_0, %add3A_1, %jit3A : i32
    %c0_i32 = arith.constant 0 : i32
    %c0_i32_2 = arith.constant 0 : i32
    %c0_i32_3 = arith.constant 0 : i32
    return %select_n3A, %c0_i32, %c0_i32_2 : i32, i32, i32
  }
  func.func @transform_5(%arg0: i32) -> (i32, i32, i32) {
    %lt3A = arith.constant 5 : i32
    %lt3A_0 = arith.cmpi slt, %arg0, %lt3A : i32
    %add3A = arith.constant 10 : i32
    %add3A_1 = arith.addi %arg0, %add3A : i32
    %jit3A = arith.constant 20 : i32
    %select_n3A = arith.select %lt3A_0, %add3A_1, %jit3A : i32
    %c0_i32 = arith.constant 0 : i32
    %c0_i32_2 = arith.constant 0 : i32
    %c0_i32_3 = arith.constant 0 : i32
    return %select_n3A, %c0_i32, %c0_i32_2 : i32, i32, i32
  }
  func.func @transform_6(%arg0: i32) -> (i32, i32, i32) {
    %lt3A = arith.constant 5 : i32
    %lt3A_0 = arith.cmpi slt, %arg0, %lt3A : i32
    %add3A = arith.constant 15 : i32
    %add3A_1 = arith.addi %arg0, %add3A : i32
    %jit3A = arith.constant 20 : i32
    %select_n3A = arith.select %lt3A_0, %add3A_1, %jit3A : i32
    %c0_i32 = arith.constant 0 : i32
    %c0_i32_2 = arith.constant 0 : i32
    %c0_i32_3 = arith.constant 0 : i32
    return %select_n3A, %c0_i32, %c0_i32_2 : i32, i32, i32
  }
  func.func @transform_7(%arg0: i32) -> (i32, i32) {
    %min3A = arith.constant 4 : i32
    %min3A_0 = arith.minsi %arg0, %min3A : i32
    %add3A = arith.constant 0 : i32
    %add3A_1 = arith.addi %min3A_0, %add3A : i32
    %c0_i32 = arith.constant 0 : i32
    %c0_i32_2 = arith.constant 0 : i32
    return %add3A_1, %c0_i32 : i32, i32
  }
  func.func @transform_8(%arg0: i32) -> (i32, i32) {
    %min3A = arith.constant 4 : i32
    %min3A_0 = arith.minsi %arg0, %min3A : i32
    %add3A = arith.constant 5 : i32
    %add3A_1 = arith.addi %min3A_0, %add3A : i32
    %c0_i32 = arith.constant 0 : i32
    %c0_i32_2 = arith.constant 0 : i32
    return %add3A_1, %c0_i32 : i32, i32
  }
  func.func @transform_9(%arg0: i32) -> (i32, i32) {
    %min3A = arith.constant 4 : i32
    %min3A_0 = arith.minsi %arg0, %min3A : i32
    %add3A = arith.constant 10 : i32
    %add3A_1 = arith.addi %min3A_0, %add3A : i32
    %c0_i32 = arith.constant 0 : i32
    %c0_i32_2 = arith.constant 0 : i32
    return %add3A_1, %c0_i32 : i32, i32
  }
  func.func @transform_10(%arg0: i32) -> (i32, i32) {
    %min3A = arith.constant 4 : i32
    %min3A_0 = arith.minsi %arg0, %min3A : i32
    %add3A = arith.constant 15 : i32
    %add3A_1 = arith.addi %min3A_0, %add3A : i32
    %c0_i32 = arith.constant 0 : i32
    %c0_i32_2 = arith.constant 0 : i32
    return %add3A_1, %c0_i32 : i32, i32
  }
  func.func @transform_11(%arg0: i32) -> (i32, i32) {
    %c0_i32 = arith.constant 0 : i32
    %c0_i32_0 = arith.constant 0 : i32
    %c0_i32_1 = arith.constant 0 : i32
    return %c0_i32, %c0_i32_0 : i32, i32
  }
  func.func @transform_12(%arg0: i32) -> (i32, i32) {
    %c0_i32 = arith.constant 0 : i32
    %c0_i32_0 = arith.constant 0 : i32
    %c0_i32_1 = arith.constant 0 : i32
    return %c0_i32, %c0_i32_0 : i32, i32
  }
}

</mosaic_0001>

<sc_bundles>
// kernel: kernel.4.cloned.1.call-start
scs
__scs_entry_jumppad:
0x0: {  	(pc) =	sbr.rel $0x88, $3  }
0x1: {  	(tag) =	ssettag $0x0;
	lr =	simm.s32 $0x1  }
0x2: {  	[smem:$0x3F9C] =	sst lr;
	_ =	strace $0xD0000000  }
0x3: {  	_ = 	snop  }
0x4: {  	_ = 	snop  }
0x5: {  	_ = 	snop  }
0x6: {  	_ = 	snop  }
0x7: {  	_ = 	snop  }
__scs_overlays_trampoline_lowered:
0x8: {  	[smem:$0x3FAB] =	sst s0  }
0x9: {  	[smem:$0x3FAC] =	sst s1  }
0xa: {  	[smem:$0x3FAD] =	sst s2  }
0xb: {  	[smem:$0x3FAE] =	sst s3  }
0xc: {  	[smem:$0x3FAF] =	sst s4  }
0xd: {  	[smem:$0x3FB0] =	sst s5  }
0xe: {  	[smem:$0x3FB1] =	sst s6  }
0xf: {  	[smem:$0x3FB2] =	sst s7  }
0x10: {  	[smem:$0x3FB3] =	sst s8  }
0x11: {  	[smem:$0x3FB4] =	sst s9;
	s0 =	simm.s32 @!p0 $0x0  }
0x12: {  	s1 =	sld [smem:$0x3F9A];
	s0 =	simm.s32 @p0 $0x1  }
0x13: {  	[smem:$0x3FB5] =	sst s0;
	s0 =	simm.s32 @!p1 $0x0  }
0x14: {  	s2 =	sld [smem:$0x3F99];
	s0 =	simm.s32 @p1 $0x1  }
0x15: {  	[smem:$0x3FB6] =	sst s0;
	s0 =	simm.s32 @!p2 $0x0  }
0x16: {  	s3 =	sld [smem:$0x3FDB];
	s0 =	simm.s32 @p2 $0x1  }
0x17: {  	s4 =	simm.s32 $0x1BF5;
	[smem:$0x3FB8] =	sst s0  }
0x18: {  	s0 =	sld [smem:$0x3F9B];
	_ =	swait.ge [sflag:s4], $0x0  }
0x19: {  	s7 =	sld [smem:$0x3F9C]  }
0x1a: {  	s8 =	sadd.s32 $0xFFFFE003, lr  }
0x1b: {  	s9 =	sadd.s32 $0xFFFFFEF7, lr;
	s5 =	simm.s32 $0xFFFFFFFF;
	p2 =	slt.u32 s8, $0xFFFFF086  }
0x1c: {  	p1 =	slt.u32 s9, $0xF7A;
	s5 =	simm.s32 @!p2 $0x0  }
0x1d: {  	s5 =	simm.s32 @p1 $0x1;
	p0 =	seq.s32 s7, s2  }
0x1e: {  	s7 =	smul.u32 @!p0 $0xF7A, s2;
	p2 =	seq.s32 @!p0 s5, $0x0  }
0x1f: {  	s9 =	smul.u32 $0xF7A, s1;
	s8 =	simm.s32 @!p0 $0x1BF5;
	p2 =	por !p2, p0  }
0x20: {  	[sflag:s8] =	ssyncset.s32 @!p0 $0xFFFFF086;
	s6 =	sadd.s32 @!p0 s3, s7;
	s7 =	simm.s32 @!p0 $0x108  }
0x21: {  	s3 =	sadd.s32 s3, s9;
	s6 =	sadd.s32 @!p0 $0x88, s6;
	s7 =	simm.s32 @p2 $0x1082  }
0x22: {  	[simem:s7], [sflag:s8] =	dma.local @!p0 [hbm:s6], $0xF7A  }
0x23: {  	s9 =	sor.u32 $0xD0000000, s2;
	s6 =	simm.s32 $0x108;
	_ =	swait.ge @!p0 [sflag:s8], $0x0  }
0x24: {  	s3 =	sadd.s32 $0x88, s3;
	s6 =	simm.s32 @!p1 $0x1082;
	[sflag:s4] =	ssyncset.s32 $0xFFFFF086  }
0x25: {  	[simem:s6], [sflag:s4] =	dma.local [hbm:s3], $0xF7A  }
0x26: {  	[smem:$0x3F9C] =	sst s1;
	(tag) =	ssettag s2;
	_ =	strace s9  }
0x27: {  	s1 =	sld [smem:$0x3FAC]  }
0x28: {  	s2 =	sld [smem:$0x3FAD]  }
0x29: {  	s4 =	sld [smem:$0x3FAF]  }
0x2a: {  	p0 =	seq.s32 s5, $0x0;
	s5 =	sld [smem:$0x3FB0]  }
0x2b: {  	s6 =	sld [smem:$0x3FB1]  }
0x2c: {  	s7 =	sld [smem:$0x3FB2]  }
0x2d: {  	s3 =	simm.s32 $0x108;
	s8 =	sld [smem:$0x3FB3]  }
0x2e: {  	s3 =	simm.s32 @!p0 $0x1082;
	s9 =	sld [smem:$0x3FB4]  }
0x2f: {  	lr =	sadd.s32 s0, s3;
	s0 =	sld [smem:$0x3FAB]  }
0x30: {  	s3 =	sld [smem:$0x3FAE]  }
0x31: {  	[smem:$0x3FB7] =	sst s10  }
0x32: {  	s10 =	sld [smem:$0x3FB5];
	_ =	sdelay $0x3  }
0x33: {  	p0 =	seq.s32 s10, $0x1;
	s10 =	sld [smem:$0x3FB7];
	_ =	sdelay $0x3  }
0x34: {  	[smem:$0x3FB7] =	sst s10  }
0x35: {  	s10 =	sld [smem:$0x3FB6];
	_ =	sdelay $0x3  }
0x36: {  	p1 =	seq.s32 s10, $0x1;
	s10 =	sld [smem:$0x3FB7];
	_ =	sdelay $0x3  }
0x37: {  	[smem:$0x3FB7] =	sst s10  }
0x38: {  	s10 =	sld [smem:$0x3FB8]  }
0x39: {  	_ = 	snop;
	(pc) =	sbr.ind lr, $3  }
0x3a: {  	_ = 	snop  }
0x3b: {  	_ = 	snop  }
0x3c: {  	p2 =	seq.s32 s10, $0x1;
	s10 =	sld [smem:$0x3FB7]  }
0x3d: {  	_ =	shalt  }
0x3e: {  	_ =	shalt  }
0x3f: {  	_ =	shalt  }
0x40: {  	_ =	shalt  }
0x41: {  	_ =	shalt  }
0x42: {  	_ =	shalt  }
0x43: {  	_ =	shalt  }
0x44: {  	_ =	shalt  }
0x45: {  	_ =	shalt  }
0x46: {  	_ =	shalt  }
0x47: {  	_ =	shalt  }
0x48: {  	_ =	shalt  }
0x49: {  	_ =	shalt  }
0x4a: {  	_ =	shalt  }
0x4b: {  	_ =	shalt  }
0x4c: {  	_ =	shalt  }
0x4d: {  	_ =	shalt  }
0x4e: {  	_ =	shalt  }
0x4f: {  	_ =	shalt  }
0x50: {  	_ =	shalt  }
0x51: {  	_ =	shalt  }
0x52: {  	_ =	shalt  }
0x53: {  	_ =	shalt  }
0x54: {  	_ =	shalt  }
0x55: {  	_ =	shalt  }
0x56: {  	_ =	shalt  }
0x57: {  	_ =	shalt  }
0x58: {  	_ =	shalt  }
0x59: {  	_ =	shalt  }
0x5a: {  	_ =	shalt  }
0x5b: {  	_ =	shalt  }
0x5c: {  	_ =	shalt  }
0x5d: {  	_ =	shalt  }
0x5e: {  	_ =	shalt  }
0x5f: {  	_ =	shalt  }
0x60: {  	_ =	shalt  }
0x61: {  	_ =	shalt  }
0x62: {  	_ =	shalt  }
0x63: {  	_ =	shalt  }
0x64: {  	_ =	shalt  }
0x65: {  	_ =	shalt  }
0x66: {  	_ =	shalt  }
0x67: {  	_ =	shalt  }
0x68: {  	_ =	shalt  }
0x69: {  	_ =	shalt  }
0x6a: {  	_ =	shalt  }
0x6b: {  	_ =	shalt  }
0x6c: {  	_ =	shalt  }
0x6d: {  	_ =	shalt  }
0x6e: {  	_ =	shalt  }
0x6f: {  	_ =	shalt  }
0x70: {  	_ =	shalt  }
0x71: {  	_ =	shalt  }
0x72: {  	_ =	shalt  }
0x73: {  	_ =	shalt  }
0x74: {  	_ =	shalt  }
0x75: {  	_ =	shalt  }
0x76: {  	_ =	shalt  }
0x77: {  	_ =	shalt  }
0x78: {  	_ =	shalt  }
0x79: {  	_ =	shalt  }
0x7a: {  	_ =	shalt  }
0x7b: {  	_ =	shalt  }
0x7c: {  	_ =	shalt  }
0x7d: {  	_ =	shalt  }
0x7e: {  	_ =	shalt  }
0x7f: {  	_ =	shalt  }
0x80: {  	_ =	shalt  }
0x81: {  	_ =	shalt  }
0x82: {  	_ =	shalt  }
0x83: {  	_ =	shalt  }
0x84: {  	_ =	shalt  }
0x85: {  	_ =	shalt  }
0x86: {  	_ =	shalt  }
0x87: {  	_ =	shalt  }
.Lfunc_end0:
.L_simem_size_0:
called_computation_lowered:
.L_overlay_start_0:
0x88: {  	s2 =	sld [smem:$0x3FD9]  }
0x89: {  	s3 =	sld [smem:$0x3FFE];
	_ =	sdelay $0x1  }
0x8a: {  	s1 =	srdreg.scid  }
0x8b: {  	s0 =	sand.u32 $0x1, s1  }
0x8c: {  	s17 =	sshll.u32 s0, $0xA;
	s2 =	sadd.s32 s3, s2  }
0x8d: {  	s2 =	sadd.s32 s2, s17  }
0x8e: {  	[smem:$0x3FC3] =	sst s2  }
0x8f: {  	_ = 	snop  }
0x90: {  	s2 =	sld [smem:$0x3FC9]  }
0x91: {  	s18 =	sld [smem:$0x3FC7];
	(tm) =	ssettm $0x1  }
0x92: {  	s4 =	sld [smem:$0x3FFB];
	_ =	sdelay $0x3  }
0x93: {  	_ =	strace s4  }
0x94: {  	s4 =	sld [smem:$0x3FFC];
	_ =	sdelay $0x3  }
0x95: {  	_ =	strace s4  }
0x96: {  	s4 =	sld [smem:$0x3FFD];
	_ =	sdelay $0x3  }
0x97: {  	_ =	strace s4  }
0x98: {  	_ =	strace $0x8FFFFFFF  }
0x99: {  	s19 =	sld [smem:$0x3FDB];
	_ =	sdelay $0x1  }
0x9a: {  	s5 =	simm.s32 $_scs_section_size  }
0x9b: {  	s6 =	simm.s32 $_size__tile_overlayer_lowered;
	s7 =	simm.s32 $_tile_overlayer_lowered  }
0x9c: {  	s22 =	simm.s32 $0x1BFF;
	s21 =	sshll.u32 s7, $0x1;
	s4 =	sadd.s32 s5, s19  }
0x9d: {  	s8 =	simm.s32 $0x0;
	s20 =	sshll.u32 s6, $0x1;
	s6 =	sadd.s32 s21, s4  }
0x9e: {  	[timem:s8], [sflag:s22] =	dma.local [hbm:s6], s20  }
0x9f: {  	_ =	swait.ge [sflag:s22], s20  }
0xa0: {  	s5 =	ssub.s32 $0x0, s20;
	[sflag:s22] =	ssyncset.done $0x0  }
0xa1: {  	[sflag:s22] =	ssyncadd.s32 s5;
	_ =	sdelay $0x1  }
0xa2: {  	s23 =	simm.s32 $0x1B8B  }
0xa3: {  	_ =	swait.ge [sflag:s23], $0x1  }
0xa4: {  	[sflag:s23] =	ssyncset.done $0x0  }
0xa5: {  	s25 =	simm.s32 $0x1B8E;
	s24 =	sld [smem:$0x3FFE];
	[sflag:s23] =	ssyncadd.s32 $0xFFFFFFFF  }
0xa6: {  	s26 =	simm.s32 $execute0_lowered;
	[smem:$0x3FD2] =	sst s25  }
0xa7: {  	s6 =	sshll.u32 s26, $0x1;
	_ =	strace $0x80000046;
	[dreg:$0x1] =	wrdreg $0xFFFFFFFF  }
0xa8: {  	s28 =	simm.s32 $_size_execute0_lowered;
	s4 =	sadd.s32 s4, s6;
	[dreg:$0x0] =	wrdreg $0x0  }
0xa9: {  	s6 =	sshll.u32 s28, $0x1;
	[dreg:$0x2] =	wrdreg s4  }
0xaa: {  	[dreg:$0x3] =	wrdreg s6  }
0xab: {  	[dreg:$0x4] =	wrdreg $0xC0  }
0xac: {  	_ =	task [dreg:s8], $0x5FFFF  }
0xad: {  	[dreg:$0x1] =	wrdreg $0xFFFFFFFF  }
0xae: {  	[dreg:$0x0] =	wrdreg $0x60  }
0xaf: {  	[dreg:$0x2] =	wrdreg s2  }
0xb0: {  	[dreg:$0x3] =	wrdreg s24  }
0xb1: {  	[dreg:$0x4] =	wrdreg s18  }
0xb2: {  	[dreg:$0x5] =	wrdreg $0x9  }
0xb3: {  	_ =	task.clear_ibuf [dreg:s8], $0x6FFFF;
	_ =	strace $0x90000046  }
0xb4: {  	s29 =	simm.s32 $0x9;
	_ =	strace $0x80000048  }
0xb5: {  	_ =	swait.ge [sflag:s29], $0x1  }
0xb6: {  	[sflag:s29] =	ssyncadd.s32 $0xFFFFFFFF  }
0xb7: {  	_ =	strace $0x90000048  }
0xb8: {  	_ =	sfence  }
0xb9: {  	s30 =	sld [smem:$0x0];
	_ =	sdelay $0x2  }
0xba: {  	s31 =	sshll.u32 s1, $0xD;
	s1 =	sshrl.u32 s1, $0x2  }
0xbb: {  	s3 =	sand.u32 $0x4000, s31;
	s1 =	sadd.s32 s1, s30  }
0xbc: {  	s0 =	sor.u32 s3, s0;
	s1 =	sshll.u32 s1, $0x11  }
0xbd: {  	s0 =	sor.u32 s1, s0  }
0xbe: {  	s0 =	sadd.s32 $0x8F2B, s0  }
0xbf: {  	[sflag:s0] =	ssyncadd.remote.s32 $0x1  }
0xc0: {  	_ =	sfence.sel $0xFFFF  }
0xc1: {  	[dreg:$0x0] =	wrdreg $0xFFFFFFFF;
	(pc) =	sbr.abs _section_cstart, $3  }
0xc2: {  	[dreg:$0x1] =	wrdreg $0xFFFFFFFF  }
0xc3: {  	_ =	task.clear_ibuf [dreg:s8], $0x2FFFF;
	_ =	strace $0x9FFFFFFF  }
0xc4: {  	(tm) =	ssettm $0x7FFFFFFF  }
0xc5: {  	_ =	shalt  }
tec
execute0_lowered:
.L_overlay_start_1:
0x0: {  	(tag) =	ssettag $0x1  }
0x1: {  	s1 =	stileid.u32  }
0x2: {  	p0 =	sgt.u32 s1, $0x3  }
.Ltmp0:
0x3: {  	s5 =	rddreg [dreg:$0x0];
	(pc) =	sbr.rel @p0 .LBB2_3-.Ltmp0, $4  }
0x4: {  	s6 =	rddreg [dreg:$0x1]  }
0x5: {  	s2 =	rddreg [dreg:$0x2];
	s3 =	simm.s32 $0x0  }
0x6: {  	[smem:$0x7FF] =	sst s3  }
0x7: {  	s0 =	rddreg [dreg:$0x3];
	_ =	strace $0x80000047  }
0x8: {  	v0 =	vimm.s32 $0xFEDCBA98;
	v1 =	vimm.s32 $0x76543210  }
0x9: {  	v2 =	vimm.s32 $0xBA98FEDC;
	v3 =	vimm.s32 $0x32107654;
	v4 =	vimm.s32 $0xDCFE98BA  }
0xa: {  	v5 =	vimm.s32 $0x54761032;
	v6 =	vimm.s32 $0xEFCDAB89;
	v7 =	vimm.s32 $0x67452301  }
0xb: {  	vm0 =	vmmov $0x1;
	vm1 =	vmmov $0x3;
	vm2 =	vmmov $0x7  }
0xc: {  	vm3 =	vmmov $0xf;
	vm4 =	vmmov $0x1f;
	vm5 =	vmmov $0x3f  }
0xd: {  	vm6 =	vmmov $0x7f;
	vm7 =	vmmov $0xff;
	vm8 =	vmmov $0x1ff  }
0xe: {  	vm9 =	vmmov $0x3ff;
	vm10 =	vmmov $0x7ff;
	vm11 =	vmmov $0xfff  }
0xf: {  	v0 =	vunpack.c.l.s4.s8 v0;
	v1 =	vunpack.c.l.s4.s8 v1;
	v2 =	vunpack.c.l.s4.s8 v2  }
0x10: {  	s4 =	srdreg.scid;
	s29 =	sshll.u32 s1, $0x1;
	v3 =	vunpack.c.l.s4.s8 v3;
	v4 =	vunpack.c.l.s4.s8 v4;
	v5 =	vunpack.c.l.s4.s8 v5  }
0x11: {  	s8 =	sadd.s32 $0x800, s6;
	s12 =	simm.s32 $0x80;
	s13 =	simm.s32 $0x1;
	v6 =	vunpack.c.l.s4.s8 v6;
	v7 =	vunpack.c.l.s4.s8 v7;
	v0 =	vunpack.c.0.s8.s32 v0  }
0x12: {  	s14 =	simm.s32 $0x1080;
	s15 =	simm.s32 $0x1100;
	s7 =	sand.u32 $0x1, s4;
	v2 =	vunpack.c.0.s8.s32 v2;
	v3 =	vunpack.c.0.s8.s32 v3;
	v4 =	vunpack.c.0.s8.s32 v4  }
0x13: {  	s4 =	sadd.s32 $0xA00, s6;
	s9 =	sor.u32 s7, s29;
	s7 =	ssub.s32 $0x2, s7;
	v5 =	vunpack.c.0.s8.s32 v5;
	v6 =	vunpack.c.0.s8.s32 v6;
	v7 =	vunpack.c.0.s8.s32 v7  }
0x14: {  	vm12 =	vmmov $0x1fff;
	v1 =	vunpack.c.0.s8.s32 v1;
	s10 =	sshll.u32 s9, $0x1;
	s9 =	sshll.u32 s9, $0x8;
	s11 =	sshrl.u32 s7, $0x1;
	v2 =	vcombine.low v3, v2  }
0x15: {  	s30 =	sadd.s32 s10, s6;
	s5 =	sadd.s32 s5, s9;
	s31 =	ssub.s32 s7, s11;
	v3 =	vcombine.low v5, v4;
	v4 =	vcombine.low v7, v6;
	v0 =	vand.u32 $0xF, v0  }
0x16: {  	vm13 =	vmmov $0x3fff;
	vm14 =	vmmov $0x7fff;
	s7 =	sadd.s32 s8, s10;
	s9 =	simm.s32 $0x2;
	s10 =	simm.s32 $0x880;
	v0 =	vcombine.low v0, v1  }
0x17: {  	s11 =	simm.s32 $0x10;
	s6 =	sadd.s32 $0x3E00, s30;
	s8 =	smax.u32 s31, $0x1;
	v1 =	vand.u32 $0xF, v2;
	v2 =	vand.u32 $0xF, v3;
	v3 =	vand.u32 $0xF, v4  }
.LBB2_2:
0x18: {  	[tilespmem:s3], [sflag:$0x2] =	stream.linear.gather [hbm4b:s7+s3], $0x10, $0x38;
	[tilespmem:$0x1180] =	vst v63  }
0x19: {  	_ =	swait.ge [sflag:s9], $0x10  }
0x1a: {  	[sflag:s9] =	ssyncset.done $0x0  }
0x1b: {  	[sflag:s9] =	ssyncadd.s32 $0xFFFFFFF0  }
0x1c: {  	[tilespmem:s10], [sflag:$0x2] =	stream.linear.gather [hbm4b:s5+s3], $0x800, $0x38;
	[tilespmem:$0x1180] =	vst v63  }
0x1d: {  	_ =	swait.ge [sflag:s9], $0x800  }
0x1e: {  	[sflag:s9] =	ssyncset.done $0x0  }
0x1f: {  	[sflag:s9] =	ssyncadd.s32 $0xFFFFF800  }
0x20: {  	[tilespmem:s12], [sflag:$0x1] =	stream.indirect.gather [hbm4b:s2+s11], $0x80, s3, s11, $0xb8;
	[tilespmem:$0x1180] =	vst v63  }
0x21: {  	_ =	swait.ge [sflag:s13], $0x800  }
0x22: {  	[sflag:s13] =	ssyncset.done $0x0  }
0x23: {  	[sflag:s13] =	ssyncadd.s32 $0xFFFFF800  }
0x24: {  	[tilespmem:s14], [sflag:$0x1] =	stream.indirect.gather [hbm4b:s4+s11], $0x1, s3, s11, $0xb8;
	[tilespmem:$0x1180] =	vst v63  }
0x25: {  	_ =	swait.ge [sflag:s13], $0x10  }
0x26: {  	[sflag:s13] =	ssyncset.done $0x0  }
0x27: {  	[sflag:s13] =	ssyncadd.s32 $0xFFFFFFF0  }
0x28: {  	v62 =	vld [tilespmem:$0xA60];
	_ =	sdelay $0x4  }
0x29: {  	[tilespmem:$0x1F930] =	vst v62;
	v62 =	vld [tilespmem:$0x270];
	_ =	sdelay $0x4  }
0x2a: {  	[tilespmem:$0x1F980] =	vst v62;
	v62 =	vld [tilespmem:$0xAA0];
	_ =	sdelay $0x4  }
0x2b: {  	[tilespmem:$0x1F950] =	vst v62;
	v62 =	vld [tilespmem:$0x2A0];
	_ =	sdelay $0x4  }
0x2c: {  	[tilespmem:$0x1F960] =	vst v62;
	v62 =	vld [tilespmem:$0xAB0];
	_ =	sdelay $0x4  }
0x2d: {  	[tilespmem:$0x1F990] =	vst v62;
	v62 =	vld [tilespmem:$0x2B0];
	_ =	sdelay $0x4  }
0x2e: {  	[tilespmem:$0x1F9A0] =	vst v62;
	v62 =	vld [tilespmem:$0xAC0];
	_ =	sdelay $0x4  }
0x2f: {  	[tilespmem:$0x1F9B0] =	vst v62;
	v62 =	vld [tilespmem:$0x2C0];
	_ =	sdelay $0x4  }
0x30: {  	[tilespmem:$0x1F9C0] =	vst v62;
	v62 =	vld [tilespmem:$0xAD0];
	_ =	sdelay $0x4  }
0x31: {  	[tilespmem:$0x1F9D0] =	vst v62;
	v62 =	vld [tilespmem:$0x2D0];
	_ =	sdelay $0x4  }
0x32: {  	[tilespmem:$0x1F9E0] =	vst v62;
	v62 =	vld [tilespmem:$0xAE0];
	_ =	sdelay $0x4  }
0x33: {  	[tilespmem:$0x1FA10] =	vst v62;
	v62 =	vld [tilespmem:$0x2E0];
	_ =	sdelay $0x4  }
0x34: {  	[tilespmem:$0x1FA20] =	vst v62;
	v62 =	vld [tilespmem:$0xAF0];
	_ =	sdelay $0x4  }
0x35: {  	[tilespmem:$0x1FA50] =	vst v62;
	v62 =	vld [tilespmem:$0x2F0];
	_ =	sdelay $0x2  }
0x36: {  	v7 =	vld [tilespmem:$0x880]  }
0x37: {  	v6 =	vld [tilespmem:$0x80]  }
0x38: {  	[tilespmem:$0x1FA60] =	vst v62;
	v62 =	vld [tilespmem:$0xB00]  }
0x39: {  	v10 =	vld [tilespmem:$0x890]  }
0x3a: {  	v8 =	vld [tilespmem:$0x90]  }
0x3b: {  	v13 =	vld [tilespmem:$0x8A0]  }
0x3c: {  	v12 =	vld [tilespmem:$0xA0]  }
0x3d: {  	[tilespmem:$0x1F9F0] =	vst v62;
	v62 =	vld [tilespmem:$0x300]  }
0x3e: {  	v16 =	vld [tilespmem:$0x8B0]  }
0x3f: {  	v14 =	vld [tilespmem:$0xB0]  }
0x40: {  	v22 =	vld [tilespmem:$0x8C0]  }
0x41: {  	v19 =	vld [tilespmem:$0xC0]  }
0x42: {  	[tilespmem:$0x1FA00] =	vst v62;
	v62 =	vld [tilespmem:$0xB10]  }
0x43: {  	v31 =	vld [tilespmem:$0x8D0]  }
0x44: {  	v28 =	vld [tilespmem:$0xD0]  }
0x45: {  	v37 =	vld [tilespmem:$0x8E0]  }
0x46: {  	v34 =	vld [tilespmem:$0xE0]  }
0x47: {  	[tilespmem:$0x1FA30] =	vst v62;
	v62 =	vld [tilespmem:$0x310]  }
0x48: {  	v63 =	vld [tilespmem:$0x8F0]  }
0x49: {  	v42 =	vld [tilespmem:$0xF0]  }
0x4a: {  	v5 =	vld [tilespmem:$0x900]  }
0x4b: {  	v4 =	vld [tilespmem:$0x100]  }
0x4c: {  	[tilespmem:$0x1FA40] =	vst v62;
	v62 =	vld [tilespmem:$0xB20]  }
0x4d: {  	v11 =	vld [tilespmem:$0x910]  }
0x4e: {  	v9 =	vld [tilespmem:$0x110]  }
0x4f: {  	v17 =	vld [tilespmem:$0x920]  }
0x50: {  	v15 =	vld [tilespmem:$0x120]  }
0x51: {  	[tilespmem:$0x1FA70] =	vst v62;
	v62 =	vld [tilespmem:$0x320]  }
0x52: {  	v25 =	vld [tilespmem:$0x930]  }
0x53: {  	v23 =	vld [tilespmem:$0x130]  }
0x54: {  	v32 =	vld [tilespmem:$0x940]  }
0x55: {  	v29 =	vld [tilespmem:$0x140]  }
0x56: {  	[tilespmem:$0x1FA80] =	vst v62;
	v62 =	vld [tilespmem:$0xB30]  }
0x57: {  	v38 =	vld [tilespmem:$0x950]  }
0x58: {  	v35 =	vld [tilespmem:$0x150]  }
0x59: {  	v46 =	vld [tilespmem:$0x960]  }
0x5a: {  	v44 =	vld [tilespmem:$0x160]  }
0x5b: {  	[tilespmem:$0x1FA90] =	vst v62;
	v62 =	vld [tilespmem:$0x330]  }
0x5c: {  	v57 =	vld [tilespmem:$0x970]  }
0x5d: {  	v54 =	vld [tilespmem:$0x170]  }
0x5e: {  	v20 =	vld [tilespmem:$0x980]  }
0x5f: {  	v18 =	vld [tilespmem:$0x180]  }
0x60: {  	[tilespmem:$0x1FAA0] =	vst v62;
	v62 =	vld [tilespmem:$0xB40]  }
0x61: {  	v27 =	vld [tilespmem:$0x990]  }
0x62: {  	v26 =	vld [tilespmem:$0x190]  }
0x63: {  	v39 =	vld [tilespmem:$0x9A0]  }
0x64: {  	v36 =	vld [tilespmem:$0x1A0]  }
0x65: {  	[tilespmem:$0x1FAB0] =	vst v62;
	v62 =	vld [tilespmem:$0x340]  }
0x66: {  	v45 =	vld [tilespmem:$0x9B0]  }
0x67: {  	v43 =	vld [tilespmem:$0x1B0]  }
0x68: {  	v50 =	vld [tilespmem:$0x9C0]  }
0x69: {  	v49 =	vld [tilespmem:$0x1C0]  }
0x6a: {  	[tilespmem:$0x1FAC0] =	vst v62;
	v62 =	vld [tilespmem:$0xB50]  }
0x6b: {  	v60 =	vld [tilespmem:$0x9D0]  }
0x6c: {  	v59 =	vld [tilespmem:$0x1D0]  }
0x6d: {  	v21 =	vld [tilespmem:$0x9E0]  }
0x6e: {  	v56 =	vld [tilespmem:$0x1E0]  }
0x6f: {  	[tilespmem:$0x1FAF0] =	vst v62;
	v62 =	vld [tilespmem:$0x350]  }
0x70: {  	v58 =	vld [tilespmem:$0x9F0]  }
0x71: {  	v61 =	vld [tilespmem:$0x1F0]  }
0x72: {  	v24 =	vld [tilespmem:$0xA00]  }
0x73: {  	v33 =	vld [tilespmem:$0xA10]  }
0x74: {  	[tilespmem:$0x1FB00] =	vst v62;
	v62 =	vld [tilespmem:$0xB60]  }
0x75: {  	v30 =	vld [tilespmem:$0x210]  }
0x76: {  	v41 =	vld [tilespmem:$0xA20]  }
0x77: {  	v40 =	vld [tilespmem:$0x220]  }
0x78: {  	v48 =	vld [tilespmem:$0xA30]  }
0x79: {  	[tilespmem:$0x1FB30] =	vst v62;
	v62 =	vld [tilespmem:$0x360]  }
0x7a: {  	v47 =	vld [tilespmem:$0x230]  }
0x7b: {  	v53 =	vld [tilespmem:$0x240]  }
0x7c: {  	v51 =	vld [tilespmem:$0xA50]  }
0x7d: {  	v55 =	vld [tilespmem:$0x260]  }
0x7e: {  	[tilespmem:$0x1FB40] =	vst v62;
	v62 =	vld [tilespmem:$0xB70]  }
0x7f: {  	v52 =	vld [tilespmem:$0xA80]  }
0x80: {  	[tilespmem:$0x1F8E0] =	vst v21;
	v21 =	vld [tilespmem:$0x200]  }
0x81: {  	[tilespmem:$0x1F8F0] =	vst v56;
	v56 =	vld [tilespmem:$0xA40]  }
0x82: {  	[tilespmem:$0x1F920] =	vst v61;
	v61 =	vld [tilespmem:$0x250]  }
0x83: {  	[tilespmem:$0x1FBB0] =	vst v62;
	v62 =	vld [tilespmem:$0x370]  }
0x84: {  	[tilespmem:$0x1F910] =	vst v58;
	v58 =	vld [tilespmem:$0xA70]  }
0x85: {  	[tilespmem:$0x1F900] =	vst v51;
	v51 =	vld [tilespmem:$0x280]  }
0x86: {  	v6 =	vmul.f32 v6, v7;
	v7 =	vld [tilespmem:$0xCC0]  }
0x87: {  	v14 =	vmul.f32 v14, v16;
	v16 =	vld [tilespmem:$0xCF0]  }
0x88: {  	[tilespmem:$0x1FBC0] =	vst v62;
	v62 =	vld [tilespmem:$0xB80]  }
0x89: {  	[tilespmem:$0x1F940] =	vst v55;
	v55 =	vld [tilespmem:$0x290]  }
0x8a: {  	v4 =	vmul.f32 v4, v5;
	v5 =	vld [tilespmem:$0x4F0]  }
0x8b: {  	[tilespmem:$0x1FDE0] =	vst v7;
	v7 =	vld [tilespmem:$0x4C0]  }
0x8c: {  	[tilespmem:$0x1FEB0] =	vst v16;
	v16 =	vld [tilespmem:$0x500]  }
0x8d: {  	[tilespmem:$0x1FAD0] =	vst v62;
	v62 =	vld [tilespmem:$0x380]  }
0x8e: {  	v43 =	vmul.f32 v43, v45;
	v45 =	vmul.f32 v54, v57;
	v57 =	vld [tilespmem:$0x570]  }
0x8f: {  	[tilespmem:$0x1F970] =	vst v58;
	v58 =	vld [tilespmem:$0xA90]  }
0x90: {  	[tilespmem:$0x1FDF0] =	vst v7;
	v7 =	vmul.f32 v8, v10;
	v8 =	vld [tilespmem:$0xCD0]  }
0x91: {  	v6 =	vadd.f32 $0.0e+00, v6;
	[tilespmem:$0x1FD20] =	vst v16;
	v16 =	vld [tilespmem:$0xD30]  }
0x92: {  	[tilespmem:$0x1FAE0] =	vst v62;
	v62 =	vld [tilespmem:$0xB90]  }
0x93: {  	v6 =	vadd.f32 v7, v6;
	v7 =	vmul.f32 v12, v13;
	v13 =	vld [tilespmem:$0x4E0]  }
0x94: {  	v12 =	vld [tilespmem:$0xCE0]  }
0x95: {  	[tilespmem:$0x1FE30] =	vst v8;
	v8 =	vld [tilespmem:$0x4D0]  }
0x96: {  	[tilespmem:$0x1FE00] =	vst v16;
	v16 =	vld [tilespmem:$0xD80]  }
0x97: {  	[tilespmem:$0x1FB10] =	vst v62;
	v62 =	vld [tilespmem:$0x390]  }
0x98: {  	[tilespmem:$0x1FE80] =	vst v13;
	v13 =	vld [tilespmem:$0xD00]  }
0x99: {  	[tilespmem:$0x1FE70] =	vst v12;
	v12 =	vmul.f32 v19, v22;
	v22 =	vld [tilespmem:$0xD10]  }
0x9a: {  	v19 =	vmul.f32 v28, v31;
	v31 =	vld [tilespmem:$0x510]  }
0x9b: {  	v6 =	vadd.f32 v7, v6;
	v28 =	vmul.f32 v15, v17;
	v15 =	vld [tilespmem:$0x520]  }
0x9c: {  	v4 =	vadd.f32 $0.0e+00, v4;
	[tilespmem:$0x1FB20] =	vst v62;
	v62 =	vld [tilespmem:$0xBA0]  }
0x9d: {  	[tilespmem:$0x1FEC0] =	vst v5;
	v5 =	vadd.f32 v14, v6;
	v14 =	vmul.f32 v9, v11;
	v17 =	vmul.f32 v42, v63;
	v63 =	vld [tilespmem:$0x530]  }
0x9e: {  	v42 =	vld [tilespmem:$0x560]  }
0x9f: {  	v4 =	vadd.f32 v14, v4;
	v14 =	vmul.f32 v23, v25;
	v23 =	vld [tilespmem:$0xD40]  }
0xa0: {  	v25 =	vmul.f32 v35, v38;
	v38 =	vld [tilespmem:$0xD60]  }
0xa1: {  	[tilespmem:$0x1FB50] =	vst v62;
	v62 =	vld [tilespmem:$0x3A0]  }
0xa2: {  	v35 =	vmul.f32 v44, v46;
	v44 =	vld [tilespmem:$0xD70]  }
0xa3: {  	v46 =	vmul.f32 v30, v33;
	v30 =	vmul.f32 v51, v52;
	v52 =	vld [tilespmem:$0xDE0]  }
0xa4: {  	v5 =	vadd.f32 v12, v5;
	v12 =	vmul.f32 v34, v37;
	v34 =	vld [tilespmem:$0x550]  }
0xa5: {  	v37 =	vmul.f32 v36, v39;
	v39 =	vmul.f32 v21, v24;
	v24 =	vld [tilespmem:$0x1F8E0]  }
0xa6: {  	[tilespmem:$0x1FB60] =	vst v62;
	v62 =	vld [tilespmem:$0xBB0]  }
0xa7: {  	v36 =	vld [tilespmem:$0x1F920]  }
0xa8: {  	v21 =	vmul.f32 v47, v48;
	v48 =	vld [tilespmem:$0x5D0]  }
0xa9: {  	v4 =	vadd.f32 v28, v4;
	v28 =	vld [tilespmem:$0x540]  }
0xaa: {  	v5 =	vadd.f32 v19, v5;
	v19 =	vmul.f32 v29, v32;
	v29 =	vmul.f32 v26, v27;
	v27 =	vld [tilespmem:$0xDA0]  }
0xab: {  	[tilespmem:$0x1FB90] =	vst v62;
	v62 =	vld [tilespmem:$0x3B0]  }
0xac: {  	v6 =	vadd.f32 $0.0e+00, v39;
	v39 =	vld [tilespmem:$0x1F930]  }
0xad: {  	v50 =	vmul.f32 v49, v50;
	v49 =	vld [tilespmem:$0x1F990]  }
0xae: {  	[tilespmem:$0x1FD10] =	vst v13;
	v13 =	vld [tilespmem:$0xD20]  }
0xaf: {  	[tilespmem:$0x1FD80] =	vst v31;
	v31 =	vld [tilespmem:$0xD50]  }
0xb0: {  	[tilespmem:$0x1FBA0] =	vst v62;
	v62 =	vld [tilespmem:$0xBC0]  }
0xb1: {  	[tilespmem:$0x1FD70] =	vst v22;
	v22 =	vmul.f32 v18, v20;
	v18 =	vld [tilespmem:$0x580]  }
0xb2: {  	v20 =	vld [tilespmem:$0xD90]  }
0xb3: {  	[tilespmem:$0x1FEE0] =	vst v42;
	v42 =	vld [tilespmem:$0x1F950]  }
0xb4: {  	v4 =	vadd.f32 v14, v4;
	v14 =	vld [tilespmem:$0xE30]  }
0xb5: {  	[tilespmem:$0x1FBF0] =	vst v62;
	v62 =	vld [tilespmem:$0x3C0]  }
0xb6: {  	[tilespmem:$0x1FE50] =	vst v23;
	v23 =	vld [tilespmem:$0x590]  }
0xb7: {  	[tilespmem:$0x1FED0] =	vst v38;
	v38 =	vld [tilespmem:$0xDC0]  }
0xb8: {  	[tilespmem:$0x1FEF0] =	vst v44;
	v44 =	vld [tilespmem:$0xDD0]  }
0xb9: {  	[tilespmem:$0x1FE40] =	vst v8;
	v6 =	vadd.f32 v46, v6;
	v46 =	vld [tilespmem:$0x1F980]  }
0xba: {  	v5 =	vadd.f32 v12, v5;
	[tilespmem:$0x1FC00] =	vst v62;
	v62 =	vld [tilespmem:$0xBD0]  }
0xbb: {  	v8 =	vadd.f32 $0.0e+00, v22;
	[tilespmem:$0x1FEA0] =	vst v34;
	v34 =	vld [tilespmem:$0x5B0]  }
0xbc: {  	v4 =	vadd.f32 v19, v4;
	v19 =	vmul.f32 v59, v60;
	v60 =	vld [tilespmem:$0xDF0];
	v5 =	vadd.f32 v17, v5  }
0xbd: {  	v17 =	vmul.f32 v40, v41;
	v40 =	vld [tilespmem:$0x1F940];
	v7 =	vadd.f32 v29, v8  }
0xbe: {  	v4 =	vadd.f32 v25, v4;
	v25 =	vld [tilespmem:$0x1F8F0];
	v32 =	vperm.xlane v5, v0  }
0xbf: {  	v7 =	vadd.f32 v37, v7;
	[tilespmem:$0x1FC30] =	vst v62;
	v62 =	vld [tilespmem:$0x3D0]  }
0xc0: {  	v6 =	vadd.f32 v17, v6;
	v5 =	vadd.f32 v5, v32;
	v32 =	vld [tilespmem:$0x1F900]  }
0xc1: {  	v4 =	vadd.f32 v35, v4;
	v35 =	vld [tilespmem:$0x1F910];
	v7 =	vadd.f32 v43, v7  }
0xc2: {  	v41 =	vld [tilespmem:$0x5C0];
	v6 =	vadd.f32 v21, v6  }
0xc3: {  	[tilespmem:$0x1FE60] =	vst v28;
	v28 =	vmul.f32 v53, v56;
	v4 =	vadd.f32 v45, v4;
	v45 =	vld [tilespmem:$0x1F970];
	v7 =	vadd.f32 v50, v7  }
0xc4: {  	v8 =	vmul.f32 v25, v24;
	[tilespmem:$0x1FC40] =	vst v62;
	v62 =	vld [tilespmem:$0xBE0]  }
0xc5: {  	v29 =	vld [tilespmem:$0x5A0];
	v6 =	vadd.f32 v28, v6;
	v7 =	vadd.f32 v19, v7;
	v9 =	vmul.f32 v61, v32  }
0xc6: {  	[tilespmem:$0x1FE90] =	vst v31;
	v31 =	vld [tilespmem:$0xDB0];
	v11 =	vmul.f32 v36, v35  }
0xc7: {  	v43 =	vld [tilespmem:$0x1F960];
	v7 =	vadd.f32 v8, v7;
	v6 =	vadd.f32 v9, v6;
	v9 =	vmul.f32 v40, v39  }
0xc8: {  	v37 =	vmul.f32 v55, v58;
	v54 =	vperm.xlane v5, v1;
	v58 =	vld [tilespmem:$0x1F9B0]  }
0xc9: {  	v7 =	vadd.f32 v11, v7;
	v6 =	vadd.f32 v9, v6;
	v9 =	vmul.f32 v46, v45;
	[tilespmem:$0x1FC70] =	vst v62;
	v62 =	vld [tilespmem:$0x3E0]  }
0xca: {  	v22 =	vperm.xlane v4, v0;
	v50 =	vld [tilespmem:$0x1F9A0];
	v8 =	vadd.f32 $0.0e+00, v30  }
0xcb: {  	v5 =	vadd.f32 v5, v54;
	v54 =	vld [tilespmem:$0x5E0];
	v51 =	vperm.xlane v7, v0;
	v6 =	vadd.f32 v9, v6  }
0xcc: {  	v4 =	vadd.f32 v4, v22;
	v22 =	vld [tilespmem:$0x5F0];
	v10 =	vmul.f32 v43, v42;
	v8 =	vadd.f32 v37, v8  }
0xcd: {  	[tilespmem:$0x1FF40] =	vst v27;
	v59 =	vld [tilespmem:$0x1F9C0];
	v55 =	vadd.f32 v7, v51;
	v21 =	vperm.xlane v6, v0  }
0xce: {  	v8 =	vadd.f32 v10, v8;
	[tilespmem:$0x1FC80] =	vst v62;
	v62 =	vld [tilespmem:$0xBF0]  }
0xcf: {  	[tilespmem:$0x1FF30] =	vst v23;
	v10 =	vmul.f32 v50, v49;
	v23 =	vld [tilespmem:$0x1F9D0];
	v25 =	vperm.xlane v55, v1;
	v27 =	vadd.f32 v6, v21  }
0xd0: {  	v7 =	vld [tilespmem:$0xE00]  }
0xd1: {  	v56 =	vadd.f32 v10, v8;
	v10 =	vld [tilespmem:$0xE50];
	v11 =	vadd.f32 v55, v25;
	v32 =	vperm.xlane v27, v1  }
0xd2: {  	[tilespmem:$0x1FF00] =	vst v16;
	v33 =	vperm.xlane v4, v1;
	v6 =	vld [tilespmem:$0x600]  }
0xd3: {  	v37 =	vperm.xlane v11, v2;
	v16 =	vadd.f32 v27, v32;
	[tilespmem:$0x1FD30] =	vst v62;
	v62 =	vld [tilespmem:$0x3F0]  }
0xd4: {  	v26 =	vperm.xlane v5, v2;
	v4 =	vadd.f32 v4, v33;
	v24 =	vld [tilespmem:$0x1F9E0]  }
0xd5: {  	v19 =	vadd.f32 v11, v37;
	v43 =	vperm.xlane v16, v2;
	v11 =	vld [tilespmem:$0x630]  }
0xd6: {  	v5 =	vadd.f32 v5, v26;
	v47 =	vperm.xlane v4, v2;
	v21 =	vld [tilespmem:$0xE60]  }
0xd7: {  	v25 =	vld [tilespmem:$0xE70];
	v16 =	vadd.f32 v16, v43  }
0xd8: {  	v53 =	vperm.xlane v5, v3;
	v4 =	vadd.f32 v4, v47;
	[tilespmem:$0x1FD40] =	vst v62;
	v62 =	vld [tilespmem:$0xC00]  }
0xd9: {  	[tilespmem:$0x1FFC0] =	vst v52;
	v12 =	vmul.f32 v24, v23;
	v24 =	vld [tilespmem:$0x640];
	v52 =	vperm.xlane v16, v3  }
0xda: {  	v61 =	vadd.f32 v5, v53;
	v5 =	vperm.xlane v4, v3;
	v11 =	vmul.f32 v11, v14;
	v14 =	vld [tilespmem:$0xFD0]  }
0xdb: {  	[tilespmem:$0x1FFF0] =	vst v22;
	v22 =	vadd.f32 v16, v52;
	v16 =	vld [tilespmem:$0x660]  }
0xdc: {  	v26 =	vadd.f32 v4, v5;
	v4 =	vld [tilespmem:$0x1F9F0]  }
0xdd: {  	[tilespmem:$0x1FB70] =	vst v62;
	v62 =	vld [tilespmem:$0x400]  }
0xde: {  	v5 =	vld [tilespmem:$0x1FA00]  }
0xdf: {  	v28 =	vld [tilespmem:$0x1FA20]  }
0xe0: {  	[tilespmem:$0x1FF70] =	vst v34;
	v34 =	vld [tilespmem:$0x1FA50]  }
0xe1: {  	v16 =	vmul.f32 v16, v21;
	v21 =	vld [tilespmem:$0x800]  }
0xe2: {  	[tilespmem:$0x1FB80] =	vst v62;
	v62 =	vld [tilespmem:$0xC10]  }
0xe3: {  	v5 =	vmul.f32 v5, v4;
	v4 =	vld [tilespmem:$0x1FA10]  }
0xe4: {  	v35 =	vld [tilespmem:$0x1FA60]  }
0xe5: {  	[tilespmem:$0x1FF50] =	vst v29;
	v8 =	vmul.f32 v59, v58;
	v29 =	vld [tilespmem:$0x1FA30]  }
0xe6: {  	[tilespmem:$0x1FF60] =	vst v31;
	v31 =	vadd.f32 $0.0e+00, v5;
	v5 =	vld [tilespmem:$0x610]  }
0xe7: {  	v8 =	vadd.f32 v8, v56;
	[tilespmem:$0x1FBD0] =	vst v62;
	v62 =	vld [tilespmem:$0x410]  }
0xe8: {  	v9 =	vmul.f32 v28, v4;
	v4 =	vld [tilespmem:$0xE10]  }
0xe9: {  	[tilespmem:$0x1FFA0] =	vst v44;
	v44 =	vperm.xlane v19, v3;
	v8 =	vadd.f32 v12, v8;
	v30 =	vld [tilespmem:$0x1FA40]  }
0xea: {  	v28 =	vld [tilespmem:$0x650]  }
0xeb: {  	[tilespmem:$0x1FDD0] =	vst v15;
	v19 =	vadd.f32 v19, v44;
	v33 =	vadd.f32 v9, v8;
	v9 =	vld [tilespmem:$0xE20]  }
0xec: {  	v15 =	vsel vm0, v61, v26;
	v36 =	vmul.f32 v35, v34;
	[tilespmem:$0x1FBE0] =	vst v62;
	v62 =	vld [tilespmem:$0xC20]  }
0xed: {  	v15 =	vsel vm1, v15, v19;
	v8 =	vld [tilespmem:$0x620]  }
0xee: {  	v17 =	vadd.f32 v36, v33;
	v36 =	vsel vm2, v15, v22;
	v22 =	vld [tilespmem:$0xE80]  }
0xef: {  	[tilespmem:$0x1FF80] =	vst v38;
	v38 =	vld [tilespmem:$0x1FA70]  }
0xf0: {  	v39 =	vld [tilespmem:$0x1FA80]  }
0xf1: {  	[tilespmem:$0x1FC10] =	vst v62;
	v62 =	vld [tilespmem:$0x420]  }
0xf2: {  	v40 =	vld [tilespmem:$0x1FA90]  }
0xf3: {  	[tilespmem:$0x1FF90] =	vst v41;
	v41 =	vld [tilespmem:$0x1FAA0]  }
0xf4: {  	v46 =	vld [tilespmem:$0x1FAB0]  }
0xf5: {  	v12 =	vmul.f32 v30, v29;
	v47 =	vld [tilespmem:$0x1FAC0]  }
0xf6: {  	[tilespmem:$0x1FC20] =	vst v62;
	v62 =	vld [tilespmem:$0xC30]  }
0xf7: {  	[tilespmem:$0x1FDC0] =	vst v13;
	v12 =	vadd.f32 v12, v31;
	v13 =	vmul.f32 v39, v38;
	v50 =	vld [tilespmem:$0x1FAF0]  }
0xf8: {  	v6 =	vmul.f32 v6, v7;
	v51 =	vld [tilespmem:$0x1FB00]  }
0xf9: {  	v29 =	vld [tilespmem:$0xEC0];
	v13 =	vadd.f32 v13, v12;
	v42 =	vmul.f32 v41, v40  }
0xfa: {  	[tilespmem:$0x1FF10] =	vst v18;
	v4 =	vmul.f32 v5, v4;
	v5 =	vadd.f32 $0.0e+00, v6;
	v6 =	vld [tilespmem:$0xFB0]  }
0xfb: {  	v13 =	vadd.f32 v42, v13;
	v18 =	vmul.f32 v47, v46;
	[tilespmem:$0x1FC50] =	vst v62;
	v62 =	vld [tilespmem:$0x430]  }
0xfc: {  	v10 =	vmul.f32 v28, v10;
	v28 =	vld [tilespmem:$0xFF0]  }
0xfd: {  	v31 =	vld [tilespmem:$0x680];
	v13 =	vadd.f32 v18, v13;
	v18 =	vmul.f32 v51, v50  }
0xfe: {  	v56 =	vld [tilespmem:$0x1FB30]  }
0xff: {  	v18 =	vadd.f32 v18, v13;
	v13 =	vld [tilespmem:$0x670]  }
0x100: {  	[tilespmem:$0x1FC60] =	vst v62;
	v62 =	vld [tilespmem:$0xC40]  }
0x101: {  	v58 =	vld [tilespmem:$0x1FB40]  }
0x102: {  	v4 =	vadd.f32 v4, v5;
	v5 =	vmul.f32 v8, v9;
	v8 =	vld [tilespmem:$0xFC0]  }
0x103: {  	v22 =	vmul.f32 v31, v22;
	v31 =	vld [tilespmem:$0x7C0]  }
0x104: {  	v12 =	vld [tilespmem:$0xE40]  }
0x105: {  	[tilespmem:$0x1FCB0] =	vst v62;
	v62 =	vld [tilespmem:$0x440]  }
0x106: {  	v13 =	vmul.f32 v13, v25;
	v25 =	vld [tilespmem:$0x1060];
	v23 =	vmul.f32 v58, v56  }
0x107: {  	v37 =	vld [tilespmem:$0x1FBB0]  }
0x108: {  	v18 =	vadd.f32 v23, v18;
	v23 =	vld [tilespmem:$0xE90]  }
0x109: {  	v38 =	vld [tilespmem:$0x1FBC0]  }
0x10a: {  	[tilespmem:$0x1FCC0] =	vst v62;
	v62 =	vld [tilespmem:$0xC50]  }
0x10b: {  	[tilespmem:$0x1FFB0] =	vst v48;
	v45 =	vperm.xlane v17, v0;
	v48 =	vld [tilespmem:$0x1FAD0]  }
0x10c: {  	v49 =	vld [tilespmem:$0x1FAE0]  }
0x10d: {  	v17 =	vadd.f32 v17, v45;
	v53 =	vld [tilespmem:$0x1FB10]  }
0x10e: {  	[tilespmem:$0x1FFD0] =	vst v54;
	v54 =	vld [tilespmem:$0x1FB20]  }
0x10f: {  	v55 =	vperm.xlane v17, v1;
	[tilespmem:$0x1FCF0] =	vst v62;
	v62 =	vld [tilespmem:$0x450]  }
0x110: {  	v59 =	vld [tilespmem:$0x1FB50]  }
0x111: {  	[tilespmem:$0x1FFE0] =	vst v60;
	v61 =	vadd.f32 v17, v55;
	v60 =	vld [tilespmem:$0x1FB60]  }
0x112: {  	[tilespmem:$0x1FF20] =	vst v20;
	v20 =	vmul.f32 v49, v48;
	v34 =	vld [tilespmem:$0x1FB90]  }
0x113: {  	v43 =	vperm.xlane v61, v2;
	v35 =	vld [tilespmem:$0x1FBA0]  }
0x114: {  	v26 =	vmul.f32 v38, v37;
	v20 =	vadd.f32 $0.0e+00, v20;
	v19 =	vmul.f32 v54, v53;
	[tilespmem:$0x1FD00] =	vst v62;
	v62 =	vld [tilespmem:$0xC60]  }
0x115: {  	v37 =	vadd.f32 v61, v43;
	v43 =	vld [tilespmem:$0x1FD20]  }
0x116: {  	v18 =	vadd.f32 v26, v18;
	v26 =	vld [tilespmem:$0xEA0];
	v19 =	vadd.f32 v19, v20;
	v20 =	vmul.f32 v60, v59  }
0x117: {  	v41 =	vld [tilespmem:$0x1FBF0]  }
0x118: {  	v19 =	vadd.f32 v20, v19;
	v20 =	vmul.f32 v35, v34;
	v34 =	vld [tilespmem:$0x6B0]  }
0x119: {  	[tilespmem:$0x1FD90] =	vst v62;
	v62 =	vld [tilespmem:$0x460]  }
0x11a: {  	v42 =	vld [tilespmem:$0x1FC00]  }
0x11b: {  	v47 =	vld [tilespmem:$0x1FC30]  }
0x11c: {  	v48 =	vld [tilespmem:$0x1FC40]  }
0x11d: {  	v35 =	vld [tilespmem:$0x6C0]  }
0x11e: {  	[tilespmem:$0x1FDA0] =	vst v62;
	v62 =	vld [tilespmem:$0xC70]  }
0x11f: {  	v19 =	vadd.f32 v20, v19;
	v20 =	vmul.f32 v42, v41;
	v42 =	vld [tilespmem:$0x1FD10]  }
0x120: {  	v52 =	vld [tilespmem:$0x1FC70]  }
0x121: {  	v46 =	vadd.f32 v20, v19;
	v19 =	vmul.f32 v48, v47;
	v48 =	vld [tilespmem:$0x1FD70]  }
0x122: {  	v53 =	vld [tilespmem:$0x1FC80]  }
0x123: {  	[tilespmem:$0x1FE10] =	vst v62;
	v62 =	vld [tilespmem:$0x470]  }
0x124: {  	v32 =	vld [tilespmem:$0x1FB70]  }
0x125: {  	v33 =	vld [tilespmem:$0x1FB80]  }
0x126: {  	v39 =	vld [tilespmem:$0x1FBD0]  }
0x127: {  	v40 =	vld [tilespmem:$0x1FBE0]  }
0x128: {  	[tilespmem:$0x1FE20] =	vst v62;
	v62 =	vld [tilespmem:$0xC80]  }
0x129: {  	v44 =	vld [tilespmem:$0x1FC10]  }
0x12a: {  	v45 =	vld [tilespmem:$0x1FC20]  }
0x12b: {  	v17 =	vmul.f32 v33, v32;
	v32 =	vld [tilespmem:$0x690]  }
0x12c: {  	v33 =	vld [tilespmem:$0x6A0]  }
0x12d: {  	v17 =	vadd.f32 $0.0e+00, v17;
	v27 =	vmul.f32 v40, v39;
	[tilespmem:$0x1FC90] =	vst v62;
	v62 =	vld [tilespmem:$0x480]  }
0x12e: {  	v49 =	vld [tilespmem:$0x1FC50]  }
0x12f: {  	v17 =	vadd.f32 v27, v17;
	v27 =	vmul.f32 v45, v44;
	v44 =	vld [tilespmem:$0x1FD30]  }
0x130: {  	v50 =	vld [tilespmem:$0x1FC60]  }
0x131: {  	v56 =	vld [tilespmem:$0x1FCB0]  }
0x132: {  	[tilespmem:$0x1FCA0] =	vst v62;
	v62 =	vld [tilespmem:$0xC90]  }
0x133: {  	v58 =	vld [tilespmem:$0x1FCC0]  }
0x134: {  	v45 =	vld [tilespmem:$0x1FD40]  }
0x135: {  	v20 =	vmul.f32 v50, v49;
	v49 =	vld [tilespmem:$0x1FD80]  }
0x136: {  	v51 =	vperm.xlane v18, v0;
	v40 =	vld [tilespmem:$0x1FCF0]  }
0x137: {  	[tilespmem:$0x1FCD0] =	vst v62;
	v62 =	vld [tilespmem:$0x490]  }
0x138: {  	v38 =	vadd.f32 v18, v51;
	v18 =	vmul.f32 v58, v56;
	v56 =	vld [tilespmem:$0x1FDD0]  }
0x139: {  	v41 =	vld [tilespmem:$0x1FD00]  }
0x13a: {  	v54 =	vld [tilespmem:$0x1FC90]  }
0x13b: {  	v17 =	vadd.f32 v27, v17;
	v55 =	vld [tilespmem:$0x1FCA0]  }
0x13c: {  	[tilespmem:$0x1FCE0] =	vst v62;
	v62 =	vld [tilespmem:$0xCA0]  }
0x13d: {  	v17 =	vadd.f32 v20, v17;
	v51 =	vld [tilespmem:$0x1FD90]  }
0x13e: {  	v15 =	vadd.f32 v19, v46;
	v19 =	vmul.f32 v53, v52;
	v52 =	vld [tilespmem:$0x1FDA0]  }
0x13f: {  	v17 =	vadd.f32 v18, v17;
	v18 =	vmul.f32 v41, v40;
	v41 =	vmul.f32 v49, v48;
	v49 =	vld [tilespmem:$0x1FE10]  }
0x140: {  	v59 =	vld [tilespmem:$0x1FCD0]  }
0x141: {  	v30 =	vmul.f32 v55, v54;
	[tilespmem:$0x1FD50] =	vst v62;
	v62 =	vld [tilespmem:$0x4A0]  }
0x142: {  	v55 =	vld [tilespmem:$0x1FDC0]  }
0x143: {  	v61 =	vadd.f32 $0.0e+00, v30;
	v30 =	vmul.f32 v43, v42;
	v43 =	vmul.f32 v52, v51;
	v51 =	vld [tilespmem:$0x1FE30]  }
0x144: {  	v52 =	vld [tilespmem:$0x1FE40]  }
0x145: {  	v60 =	vld [tilespmem:$0x1FCE0]  }
0x146: {  	[tilespmem:$0x1FD60] =	vst v62;
	v62 =	vld [tilespmem:$0xCB0]  }
0x147: {  	v58 =	vmul.f32 v56, v55;
	v55 =	vld [tilespmem:$0x1FE70]  }
0x148: {  	v56 =	vld [tilespmem:$0x1FE80]  }
0x149: {  	v46 =	vld [tilespmem:$0x1FD50]  }
0x14a: {  	v47 =	vld [tilespmem:$0x1FD60]  }
0x14b: {  	[tilespmem:$0x1FDB0] =	vst v62;
	v62 =	vld [tilespmem:$0x4B0]  }
0x14c: {  	v50 =	vadd.f32 $0.0e+00, v30;
	v53 =	vld [tilespmem:$0x1FDB0]  }
0x14d: {  	v15 =	vadd.f32 v19, v15;
	v19 =	vmul.f32 v60, v59;
	v59 =	vld [tilespmem:$0x1FDE0]  }
0x14e: {  	v41 =	vadd.f32 v41, v50;
	v60 =	vld [tilespmem:$0x1FDF0]  }
0x14f: {  	v50 =	vld [tilespmem:$0x1FE20];
	v19 =	vadd.f32 v19, v61;
	v40 =	vmul.f32 v47, v46  }
0x150: {  	v41 =	vadd.f32 v58, v41;
	v58 =	vld [tilespmem:$0x1FE90]  }
0x151: {  	v40 =	vadd.f32 v40, v19;
	v54 =	vmul.f32 v62, v53;
	v62 =	vld [tilespmem:$0x1FE00]  }
0x152: {  	v53 =	vld [tilespmem:$0x1FE50]  }
0x153: {  	v61 =	vmul.f32 v60, v59;
	v40 =	vadd.f32 v54, v40;
	v54 =	vld [tilespmem:$0x1FE60]  }
0x154: {  	v17 =	vadd.f32 v18, v17;
	v59 =	vld [tilespmem:$0x1FEA0]  }
0x155: {  	v39 =	vmul.f32 v45, v44;
	v44 =	vmul.f32 v52, v51;
	v40 =	vadd.f32 v61, v40;
	v61 =	vld [tilespmem:$0x1FEB0]  }
0x156: {  	v43 =	vadd.f32 v43, v17;
	v46 =	vmul.f32 v50, v49;
	v63 =	vmul.f32 v63, v62;
	v62 =	vld [tilespmem:$0x1FEC0]  }
0x157: {  	v39 =	vadd.f32 v39, v15;
	v40 =	vadd.f32 v44, v40;
	v44 =	vmul.f32 v56, v55;
	v55 =	vld [tilespmem:$0x1FEE0]  }
0x158: {  	v43 =	vadd.f32 v46, v43;
	v41 =	vadd.f32 v63, v41;
	v42 =	vmul.f32 v54, v53;
	v54 =	vld [tilespmem:$0x1FED0]  }
0x159: {  	v27 =	vld [tilespmem:$0xEB0];
	v48 =	vperm.xlane v39, v0  }
0x15a: {  	v63 =	vperm.xlane v43, v0;
	v41 =	vadd.f32 v42, v41;
	v42 =	vmul.f32 v59, v58;
	v58 =	vld [tilespmem:$0x1FEF0]  }
0x15b: {  	v45 =	vld [tilespmem:$0x700];
	v39 =	vadd.f32 v39, v48  }
0x15c: {  	v15 =	vld [tilespmem:$0xEF0];
	v60 =	vperm.xlane v38, v1;
	v40 =	vadd.f32 v44, v40;
	v43 =	vadd.f32 v43, v63  }
0x15d: {  	v20 =	vld [tilespmem:$0xED0];
	v44 =	vmul.f32 v62, v61;
	v41 =	vadd.f32 v42, v41;
	v42 =	vmul.f32 v55, v54  }
0x15e: {  	v18 =	vld [tilespmem:$0xEE0];
	v38 =	vadd.f32 v38, v60;
	v56 =	vperm.xlane v39, v1;
	v60 =	vperm.xlane v43, v1  }
0x15f: {  	v48 =	vld [tilespmem:$0x720];
	v40 =	vadd.f32 v44, v40;
	v41 =	vadd.f32 v42, v41;
	v42 =	vmul.f32 v57, v58  }
0x160: {  	v30 =	vld [tilespmem:$0x6D0];
	v62 =	vperm.xlane v37, v3;
	v43 =	vadd.f32 v43, v60  }
0x161: {  	v17 =	vld [tilespmem:$0x6F0];
	v39 =	vadd.f32 v39, v56;
	v61 =	vperm.xlane v40, v0;
	v41 =	vadd.f32 v42, v41  }
0x162: {  	v51 =	vld [tilespmem:$0xF20];
	v59 =	vperm.xlane v38, v2;
	v42 =	vadd.f32 v37, v62;
	v62 =	vperm.xlane v43, v2  }
0x163: {  	v52 =	vld [tilespmem:$0x740];
	v40 =	vadd.f32 v40, v61;
	v61 =	vperm.xlane v41, v0  }
0x164: {  	v63 =	vperm.xlane v39, v2;
	v38 =	vadd.f32 v38, v59;
	v43 =	vadd.f32 v43, v62;
	v62 =	vld [tilespmem:$0x1FF10]  }
0x165: {  	v41 =	vadd.f32 v41, v61;
	v61 =	vld [tilespmem:$0x1FF00]  }
0x166: {  	v47 =	vld [tilespmem:$0xF00];
	v39 =	vadd.f32 v39, v63;
	v60 =	vperm.xlane v38, v3;
	v63 =	vperm.xlane v40, v1  }
0x167: {  	v49 =	vld [tilespmem:$0x710];
	v59 =	vperm.xlane v41, v1  }
0x168: {  	v50 =	vld [tilespmem:$0xF30];
	v38 =	vadd.f32 v38, v60;
	v60 =	vperm.xlane v39, v3;
	v40 =	vadd.f32 v40, v63  }
0x169: {  	v41 =	vadd.f32 v41, v59;
	v59 =	vld [tilespmem:$0x1FF20]  }
0x16a: {  	v39 =	vadd.f32 v39, v60;
	v60 =	vperm.xlane v40, v2;
	v57 =	vmul.f32 v62, v61;
	v62 =	vld [tilespmem:$0x1FF30]  }
0x16b: {  	v63 =	vld [tilespmem:$0x1FF40]  }
0x16c: {  	v40 =	vadd.f32 v40, v60;
	v60 =	vld [tilespmem:$0x1FF50]  }
0x16d: {  	v19 =	vld [tilespmem:$0x6E0];
	v42 =	vsel vm3, v36, v42  }
0x16e: {  	v46 =	vld [tilespmem:$0xF10];
	v42 =	vsel vm4, v42, v38  }
0x16f: {  	v53 =	vld [tilespmem:$0x730];
	v44 =	vperm.xlane v43, v3;
	v57 =	vadd.f32 $0.0e+00, v57;
	v59 =	vmul.f32 v62, v59  }
0x170: {  	v56 =	vld [tilespmem:$0x760];
	v39 =	vsel vm5, v42, v39  }
0x171: {  	v55 =	vld [tilespmem:$0xF40];
	v42 =	vadd.f32 v43, v44;
	v44 =	vadd.f32 v59, v57;
	v57 =	vmul.f32 v60, v63  }
0x172: {  	v63 =	vld [tilespmem:$0x1FF70]  }
0x173: {  	v44 =	vadd.f32 v57, v44;
	v57 =	vld [tilespmem:$0x1FF60]  }
0x174: {  	v54 =	vld [tilespmem:$0xF50]  }
0x175: {  	v58 =	vld [tilespmem:$0x750]  }
0x176: {  	v37 =	vld [tilespmem:$0xF60]  }
0x177: {  	v36 =	vld [tilespmem:$0xF70]  }
0x178: {  	v38 =	vld [tilespmem:$0x770];
	v7 =	vperm.xlane v40, v3;
	v57 =	vmul.f32 v63, v57  }
0x179: {  	v63 =	vld [tilespmem:$0x1FF90]  }
0x17a: {  	v7 =	vadd.f32 v40, v7;
	v59 =	vperm.xlane v41, v2;
	v40 =	vadd.f32 v57, v44;
	v44 =	vld [tilespmem:$0x1FF80]  }
0x17b: {  	v43 =	vld [tilespmem:$0xF90]  }
0x17c: {  	v39 =	vsel vm6, v39, v42;
	v42 =	vld [tilespmem:$0xFA0];
	v41 =	vadd.f32 v41, v59  }
0x17d: {  	v61 =	vld [tilespmem:$0xF80]  }
0x17e: {  	v62 =	vld [tilespmem:$0x780];
	v57 =	vperm.xlane v41, v3  }
0x17f: {  	v60 =	vld [tilespmem:$0x790];
	v44 =	vmul.f32 v63, v44  }
0x180: {  	v9 =	vadd.f32 v41, v57;
	v57 =	vld [tilespmem:$0x1FFB0]  }
0x181: {  	v7 =	vsel vm7, v39, v7;
	v39 =	vadd.f32 v44, v40;
	v44 =	vld [tilespmem:$0x1FFA0]  }
0x182: {  	v5 =	vadd.f32 v5, v4;
	v59 =	vld [tilespmem:$0x7A0]  }
0x183: {  	v41 =	vmul.f32 v24, v12;
	v12 =	vld [tilespmem:$0xFE0]  }
0x184: {  	v5 =	vadd.f32 v11, v5;
	v4 =	vsel vm8, v7, v9;
	v7 =	vadd.f32 $0.0e+00, v22;
	v22 =	vld [tilespmem:$0x7D0]  }
0x185: {  	v63 =	vld [tilespmem:$0x7B0]  }
0x186: {  	v9 =	vmul.f32 v32, v23;
	v5 =	vadd.f32 v41, v5;
	v40 =	vmul.f32 v57, v44;
	v44 =	vld [tilespmem:$0x1FFC0]  }
0x187: {  	v8 =	vmul.f32 v31, v8;
	v57 =	vld [tilespmem:$0x1FFD0]  }
0x188: {  	v41 =	vmul.f32 v34, v27;
	v27 =	vld [tilespmem:$0x1000];
	v7 =	vadd.f32 v9, v7;
	v5 =	vadd.f32 v10, v5  }
0x189: {  	v23 =	vadd.f32 v40, v39;
	v39 =	vmul.f32 v33, v26;
	v40 =	vmul.f32 v45, v47;
	v47 =	vld [tilespmem:$0x1FFE0]  }
0x18a: {  	v15 =	vmul.f32 v17, v15;
	v45 =	vmul.f32 v49, v46;
	v49 =	vld [tilespmem:$0x1FFF0]  }
0x18b: {  	v18 =	vmul.f32 v19, v18;
	v5 =	vadd.f32 v16, v5;
	v26 =	vld [tilespmem:$0x7E0];
	v7 =	vadd.f32 v39, v7  }
0x18c: {  	v6 =	vmul.f32 v63, v6;
	v39 =	vld [tilespmem:$0x1010];
	v24 =	vmul.f32 v57, v44;
	v44 =	vadd.f32 $0.0e+00, v40  }
0x18d: {  	v46 =	vmul.f32 v35, v29;
	v33 =	vmul.f32 v22, v14;
	v40 =	vld [tilespmem:$0x810];
	v7 =	vadd.f32 v41, v7  }
0x18e: {  	v35 =	vmul.f32 v38, v36;
	v57 =	vmul.f32 v48, v51;
	v10 =	vadd.f32 v45, v44;
	v45 =	vld [tilespmem:$0x1020]  }
0x18f: {  	v29 =	vmul.f32 v49, v47;
	v47 =	vld [tilespmem:$0x820];
	v7 =	vadd.f32 v46, v7;
	v46 =	vmul.f32 v62, v61  }
0x190: {  	v5 =	vadd.f32 v13, v5;
	v48 =	vmul.f32 v21, v27;
	v51 =	vmul.f32 v60, v43;
	v49 =	vld [tilespmem:$0x1030]  }
0x191: {  	v44 =	vmul.f32 v53, v50;
	v50 =	vmul.f32 v52, v55;
	v52 =	vld [tilespmem:$0x830];
	v13 =	vadd.f32 $0.0e+00, v46  }
0x192: {  	v41 =	vmul.f32 v30, v20;
	v11 =	vadd.f32 $0.0e+00, v48;
	v53 =	vld [tilespmem:$0x1040];
	v9 =	vmul.f32 v40, v39  }
0x193: {  	v55 =	vmul.f32 v59, v42;
	v10 =	vadd.f32 v57, v10;
	v57 =	vld [tilespmem:$0x840];
	v13 =	vadd.f32 v51, v13  }
0x194: {  	v23 =	vadd.f32 v24, v23;
	v61 =	vld [tilespmem:$0x1050];
	v9 =	vadd.f32 v9, v11;
	v60 =	vmul.f32 v47, v45  }
0x195: {  	v59 =	vmul.f32 v58, v54;
	v42 =	vperm.xlane v5, v0;
	v62 =	vld [tilespmem:$0x850];
	v13 =	vadd.f32 v55, v13  }
0x196: {  	v30 =	vld [tilespmem:$0x860];
	v10 =	vadd.f32 v44, v10;
	v63 =	vmul.f32 v52, v49;
	v9 =	vadd.f32 v60, v9  }
0x197: {  	v32 =	vld [tilespmem:$0x1070];
	v23 =	vadd.f32 v29, v23;
	v29 =	vmul.f32 v56, v37;
	v6 =	vadd.f32 v6, v13  }
0x198: {  	v24 =	vld [tilespmem:$0x7F0];
	v10 =	vadd.f32 v50, v10;
	v31 =	vmul.f32 v57, v53;
	v9 =	vadd.f32 v63, v9  }
0x199: {  	v34 =	vld [tilespmem:$0x870];
	v37 =	vmul.f32 v26, v12;
	v7 =	vadd.f32 v41, v7;
	v6 =	vadd.f32 v8, v6  }
0x19a: {  	v36 =	vmul.f32 v62, v61;
	v10 =	vadd.f32 v59, v10;
	v9 =	vadd.f32 v31, v9  }
0x19b: {  	v38 =	vmul.f32 v30, v25;
	v7 =	vadd.f32 v18, v7;
	v6 =	vadd.f32 v33, v6  }
0x19c: {  	v40 =	vperm.xlane v23, v0;
	v10 =	vadd.f32 v29, v10;
	v9 =	vadd.f32 v36, v9  }
0x19d: {  	v39 =	vmul.f32 v24, v28;
	v7 =	vadd.f32 v15, v7;
	v6 =	vadd.f32 v37, v6  }
0x19e: {  	v41 =	vmul.f32 v34, v32;
	v10 =	vadd.f32 v35, v10;
	v9 =	vadd.f32 v38, v9  }
0x19f: {  	v12 =	vadd.f32 v23, v40;
	v43 =	vperm.xlane v7, v0;
	v6 =	vadd.f32 v39, v6  }
0x1a0: {  	v5 =	vadd.f32 v5, v42;
	v44 =	vperm.xlane v10, v0;
	v9 =	vadd.f32 v41, v9  }
0x1a1: {  	v45 =	vperm.xlane v12, v1;
	v7 =	vadd.f32 v7, v43;
	v46 =	vperm.xlane v6, v0  }
0x1a2: {  	v47 =	vperm.xlane v5, v1;
	v8 =	vadd.f32 v10, v44;
	v48 =	vperm.xlane v9, v0  }
0x1a3: {  	v11 =	vadd.f32 v12, v45;
	v49 =	vperm.xlane v7, v1;
	v6 =	vadd.f32 v6, v46  }
0x1a4: {  	v5 =	vadd.f32 v5, v47;
	v50 =	vperm.xlane v8, v1;
	v9 =	vadd.f32 v9, v48  }
0x1a5: {  	v51 =	vperm.xlane v11, v2;
	v7 =	vadd.f32 v7, v49;
	v52 =	vperm.xlane v6, v1  }
0x1a6: {  	v14 =	vperm.xlane v5, v2;
	v8 =	vadd.f32 v8, v50;
	v53 =	vperm.xlane v9, v1  }
0x1a7: {  	v10 =	vadd.f32 v11, v51;
	v54 =	vperm.xlane v7, v2;
	v6 =	vadd.f32 v6, v52  }
0x1a8: {  	v5 =	vadd.f32 v5, v14;
	v55 =	vperm.xlane v8, v2;
	v9 =	vadd.f32 v9, v53  }
0x1a9: {  	v56 =	vperm.xlane v10, v3;
	v7 =	vadd.f32 v7, v54;
	v57 =	vperm.xlane v6, v2  }
0x1aa: {  	v14 =	vperm.xlane v5, v3;
	v8 =	vadd.f32 v8, v55;
	v58 =	vperm.xlane v9, v2  }
0x1ab: {  	v10 =	vadd.f32 v10, v56;
	v59 =	vperm.xlane v7, v3;
	v6 =	vadd.f32 v6, v57  }
0x1ac: {  	v5 =	vadd.f32 v5, v14;
	v60 =	vperm.xlane v8, v3;
	v9 =	vadd.f32 v9, v58  }
0x1ad: {  	v4 =	vsel vm9, v4, v10;
	v7 =	vadd.f32 v7, v59;
	v61 =	vperm.xlane v6, v3  }
0x1ae: {  	v63 =	vld [tilespmem:$0x1080];
	v4 =	vsel vm10, v4, v5;
	v5 =	vadd.f32 v8, v60;
	v62 =	vperm.xlane v9, v3  }
0x1af: {  	v4 =	vsel vm11, v4, v7;
	v6 =	vadd.f32 v6, v61  }
0x1b0: {  	v4 =	vsel vm12, v4, v5;
	v5 =	vadd.f32 v9, v62  }
0x1b1: {  	v4 =	vsel vm13, v4, v6  }
0x1b2: {  	v4 =	vsel vm14, v4, v5  }
0x1b3: {  	v4 =	vmul.f32 v4, v63  }
0x1b4: {  	p0 =	sne.s32 s8, $0x1  }
.Ltmp1:
0x1b5: {  	[tilespmem:$0x1100] =	vst v4;
	(pc) =	sbr.rel @p0 .LBB2_2-.Ltmp1, $4  }
0x1b6: {  	[hbm4b:s6+s3] =	stream.linear.scatter [tilespmem:s15], [sflag:$0x2], $0x10, $0x38;
	[tilespmem:$0x1180] =	vst v63  }
0x1b7: {  	_ =	swait.ge [sflag:s9], $0x10  }
0x1b8: {  	[sflag:s9] =	ssyncset.done $0x0  }
0x1b9: {  	s8 =	sadd.s32 $0xFFFFFFFF, s8;
	[sflag:s9] =	ssyncadd.s32 $0xFFFFFFF0  }
.LBB2_3:
0x1ba: {  	_ =	sfence.sel $0x180000  }
0x1bb: {  	[bflag:$0x0] =	sbarrier.arrive $0xFFFF  }
0x1bc: {  	p0 =	sne.s32 s1, $0x0;
	_ =	strace $0x90000047  }
0x1bd: {  	s0 =	sadd.s32 @!p0 $0x100000, s0;
	[bflag:$0x2] =	sbarrier.arrive $0xFFFF  }
0x1be: {  	[sflag:s0] =	ssyncadd.tile.s32 @!p0 $0x1;
	_ =	shalt  }
.Lfunc_end2:
_tile_overlayer_lowered:
.L_overlay_start_2:
0x1bf: {  	(tag) =	ssettag $0x2  }
0x1c0: {  	s0 =	rddreg [dreg:$0x0];
	s2 =	stileid.u32  }
0x1c1: {  	s1 =	rddreg [dreg:$0x1];
	p0 =	sne.s32 s2, $0x0  }
0x1c2: {  	s3 =	rddreg [dreg:$0x2];
	[bflag:$0x3] =	sbarrier.arrive $0xFFFF;
	s2 =	simm.s32 @!p0 $0x1C02  }
0x1c3: {  	[timem:s3], [sflag:s2] =	dma.local @!p0 [hbm:s0], s1  }
0x1c4: {  	s0 =	simm.s32 @!p0 $0x2  }
0x1c5: {  	_ =	swait.ge @!p0 [sflag:s0], s1  }
0x1c6: {  	s1 =	ssub.s32 @!p0 $0x0, s1;
	[sflag:s0] =	ssyncset.done @!p0 $0x0  }
0x1c7: {  	[sflag:s0] =	ssyncadd.s32 @!p0 s1  }
0x1c8: {  	[bflag:$0x3] =	sbarrier.arrive $0xFFFF  }
0x1c9: {  	_ =	shalt  }

</sc_bundles>
